<compile_context>
chip_gen: v7x
topology: tpu7x:2x2x1
jax: 0.10.2.dev20260603
libtpu: 0.0.44.dev20260713+nightly
codegen_flags: <defaults>
</compile_context>

<pallas_src>
import functools

import jax
import jax.numpy as jnp
from jax import lax
from jax.experimental import pallas as pl
from jax.experimental.pallas import tpu as pltpu
from jax.experimental.pallas import tpu_sc as plsc

D = 64
EPS = 1e-5
NW = 32
P = 256


def _tables_body(day_ref, mon_ref, dg_ref, db_ref, mg_ref, mb_ref, w_ref,
                 pb_ref, apair_ref, bpair_ref):
    def ln(x, g, b):
        mu = jnp.mean(x, axis=-1, keepdims=True)
        var = jnp.mean((x - mu) ** 2, axis=-1, keepdims=True)
        return (x - mu) / jnp.sqrt(var + EPS) * g + b

    dn = ln(day_ref[...], dg_ref[...], db_ref[...])
    mn = ln(mon_ref[...], mg_ref[...], mb_ref[...])
    a = jnp.dot(dn, w_ref[0:D, :], preferred_element_type=jnp.float32)
    b2 = jnp.dot(mn, w_ref[D:2 * D, :],
                 preferred_element_type=jnp.float32) + pb_ref[...]

    def pair(tbl, n, out_ref):
        rows = lax.broadcasted_iota(jnp.int32, (n * n, n), 0)
        cols = lax.broadcasted_iota(jnp.int32, (n * n, n), 1)
        e1 = (rows // n == cols).astype(jnp.float32)
        e2 = (rows % n == cols).astype(jnp.float32)
        out_ref[...] = jnp.concatenate(
            [jnp.dot(e1, tbl, preferred_element_type=jnp.float32),
             jnp.dot(e2, tbl, preferred_element_type=jnp.float32)], axis=-1)

    pair(a, 32, apair_ref)
    pair(b2, 16, bpair_ref)


def _build_tables(day_w, month_w, day_g, day_b, month_g, month_b, proj_W,
                  proj_b):
    day_p = jnp.pad(day_w.astype(jnp.float32), ((0, 1), (0, 0)))
    mon_p = jnp.pad(month_w.astype(jnp.float32), ((0, 4), (0, 0)))
    return pl.pallas_call(
        _tables_body,
        out_shape=[jax.ShapeDtypeStruct((1024, 2 * D), jnp.float32),
                   jax.ShapeDtypeStruct((256, 2 * D), jnp.float32)],
    )(day_p, mon_p,
      day_g.reshape(1, D), day_b.reshape(1, D),
      month_g.reshape(1, D), month_b.reshape(1, D),
      proj_W, proj_b.reshape(1, D))


def _idx_block(xwv, ia, ib, xoff, j):
    w = xwv[pl.ds(xoff + j * 16, 16)]
    d1 = w & 0xFF
    m1 = lax.shift_right_logical(w, 8) & 0xFF
    d2 = lax.shift_right_logical(w, 16) & 0xFF
    m2 = lax.shift_right_logical(w, 24)
    di1 = jnp.maximum(d1 - 1, 0)
    di2 = jnp.maximum(d2 - 1, 0)
    mi1 = jnp.where((m1 >= 1) & (m1 <= 12), m1 - 1, 0)
    mi2 = jnp.where((m2 >= 1) & (m2 <= 12), m2 - 1, 0)
    ia[j // 8, pl.ds((j % 8) * 16, 16)] = di1 * 32 + di2
    ib[j // 8, pl.ds((j % 8) * 16, 16)] = mi1 * 16 + mi2


def _sc_gather(xw, apair, bpair, npairs):
    per_w = npairs // NW
    nbody = per_w // (2 * P)
    nidx = P // 128
    mesh = plsc.VectorSubcoreMesh(core_axis_name="c", subcore_axis_name="s")

    @functools.partial(
        pl.kernel,
        out_type=jax.ShapeDtypeStruct((npairs, 2 * D), jnp.float32),
        mesh=mesh,
        compiler_params=pltpu.CompilerParams(needs_layout_passes=False),
        scratch_types=[
            pltpu.VMEM_SHARED((1024, 2 * D), jnp.float32),
            pltpu.VMEM_SHARED((256, 2 * D), jnp.float32),
            pltpu.VMEM((4 * P,), jnp.int32),
            pltpu.VMEM((nidx, 128), jnp.int32),
            pltpu.VMEM((nidx, 128), jnp.int32),
            pltpu.VMEM((nidx, 128), jnp.int32),
            pltpu.VMEM((nidx, 128), jnp.int32),
            pltpu.VMEM((P, 2 * D), jnp.float32),
            pltpu.VMEM((P, 2 * D), jnp.float32),
            pltpu.SemaphoreType.DMA,
            pltpu.SemaphoreType.DMA,
            pltpu.SemaphoreType.DMA,
        ],
    )
    def k(xw_hbm, ta_hbm, tb_hbm, out_hbm, ta_sp, tb_sp,
          xwv, ia0, ib0, ia1, ib1, rows0, rows1, sem_g, sem_o, sem_x):
        sid = lax.axis_index("s")

        @pl.when(sid == 0)
        def _():
            pltpu.sync_copy(ta_hbm, ta_sp)
            pltpu.sync_copy(tb_hbm, tb_sp)
        plsc.subcore_barrier()

        wid = sid * 2 + lax.axis_index("c")
        basep = wid * per_w

        pltpu.async_copy(xw_hbm.at[pl.ds(basep, 2 * P)], xwv.at[pl.ds(0, 2 * P)], sem_x)

        def body(g, carry):
            pb0 = basep + g * (2 * P)
            pb1 = pb0 + P

            @pl.when(g > 0)
            def _():
                pltpu.make_async_copy(
                    rows0, out_hbm.at[pl.ds(pb0 - 2 * P, P)], sem_o).wait()
                pltpu.make_async_copy(
                    rows1, out_hbm.at[pl.ds(pb1 - 2 * P, P)], sem_o).wait()

            xo = (g % 2) * (2 * P)
            pltpu.make_async_copy(
                xw_hbm.at[pl.ds(pb0, 2 * P)], xwv.at[pl.ds(xo, 2 * P)], sem_x).wait()

            @pl.when(g + 1 < nbody)
            def _():
                pltpu.async_copy(
                    xw_hbm.at[pl.ds(pb0 + 2 * P, 2 * P)],
                    xwv.at[pl.ds(2 * P - xo, 2 * P)], sem_x)

            for j in range(P // 16):
                _idx_block(xwv, ia0, ib0, xo, j)
            for j in range(P // 16):
                _idx_block(xwv, ia1, ib1, xo + P, j)

            cpa0 = [pltpu.async_copy(ta_sp.at[ia0.at[r]],
                                     rows0.at[pl.ds(r * 128, 128)], sem_g)
                    for r in range(nidx)]
            for cp in cpa0:
                cp.wait()
            cpb0 = [pltpu.async_copy(tb_sp.at[ib0.at[r]],
                                     rows0.at[pl.ds(r * 128, 128)], sem_g,
                                     add=True)
                    for r in range(nidx)]
            cpa1 = [pltpu.async_copy(ta_sp.at[ia1.at[r]],
                                     rows1.at[pl.ds(r * 128, 128)], sem_g)
                    for r in range(nidx)]
            for cp in cpb0:
                cp.wait()
            pltpu.async_copy(rows0, out_hbm.at[pl.ds(pb0, P)], sem_o)
            for cp in cpa1:
                cp.wait()
            cpb1 = [pltpu.async_copy(tb_sp.at[ib1.at[r]],
                                     rows1.at[pl.ds(r * 128, 128)], sem_g,
                                     add=True)
                    for r in range(nidx)]
            for cp in cpb1:
                cp.wait()
            pltpu.async_copy(rows1, out_hbm.at[pl.ds(pb1, P)], sem_o)
            return carry

        lax.fori_loop(0, nbody, body, 0)
        pltpu.make_async_copy(
            rows0, out_hbm.at[pl.ds(basep + per_w - 2 * P, P)], sem_o).wait()
        pltpu.make_async_copy(
            rows1, out_hbm.at[pl.ds(basep + per_w - P, P)], sem_o).wait()

    return k(xw, apair, bpair)


def kernel(x_mark, hour_w, day_w, month_w, hour_g, hour_b, day_g, day_b,
           month_g, month_b, proj_W, proj_b):
    bsz, seq, _ = x_mark.shape
    n = bsz * seq
    npairs = n // 2
    assert npairs % (NW * 2 * P) == 0
    x8 = x_mark.astype(jnp.int32)
    w = x8[:, :, 1] | (x8[:, :, 2] << 8)
    wp = w.reshape(bsz, seq // 2, 2)
    xw = (wp[:, :, 0] | (wp[:, :, 1] << 16)).reshape(npairs)
    apair, bpair = _build_tables(day_w, month_w, day_g, day_b, month_g,
                                 month_b, proj_W, proj_b)
    out = _sc_gather(xw, apair, bpair, npairs)
    return out.reshape(bsz, seq, D)

# --- scband reference (transcript-rebuilt; emitter-appended) ---
"""Pipeline reference for scband-temporal-embedding-56195352101321 (READ-ONLY COPY).

The authoritative reference and input builder live on the scoring server;
editing this copy changes nothing except your own understanding.
"""

import jax, jax.numpy as jnp
import numpy as np

D_MODEL = 64
EPS = 1e-5

def _xavier(key, shape):
    fan_in, fan_out = shape[0], shape[1]
    a = np.sqrt(6.0 / (fan_in + fan_out))
    return jax.random.uniform(key, shape, jnp.float32, -a, a)

def setup_inputs(seed: int = 0) -> dict:
    key = jax.random.key(seed)
    ks = jax.random.split(key, 8)
    x_mark = jax.random.randint(ks[0], (4096, 200, 3), 0, 32, dtype=jnp.int64)
    hour_w = _xavier(ks[1], (8, D_MODEL))
    day_w = _xavier(ks[2], (31, D_MODEL))
    month_w = _xavier(ks[3], (12, D_MODEL))
    hour_g = jnp.ones((D_MODEL,), jnp.float32); hour_b = jnp.zeros((D_MODEL,), jnp.float32)
    day_g = jnp.ones((D_MODEL,), jnp.float32); day_b = jnp.zeros((D_MODEL,), jnp.float32)
    month_g = jnp.ones((D_MODEL,), jnp.float32); month_b = jnp.zeros((D_MODEL,), jnp.float32)
    lim = 1.0 / np.sqrt(2 * D_MODEL)
    proj_W = jax.random.uniform(ks[4], (2 * D_MODEL, D_MODEL), jnp.float32, -lim, lim)
    proj_b = jax.random.uniform(ks[5], (D_MODEL,), jnp.float32, -lim, lim)
    return {"x_mark": x_mark, "hour_w": hour_w, "day_w": day_w, "month_w": month_w,
            "hour_g": hour_g, "hour_b": hour_b, "day_g": day_g, "day_b": day_b,
            "month_g": month_g, "month_b": month_b, "proj_W": proj_W, "proj_b": proj_b}

def _layernorm(x, g, b):
    mu = jnp.mean(x, axis=-1, keepdims=True)
    var = jnp.mean((x - mu) ** 2, axis=-1, keepdims=True)
    return (x - mu) / jnp.sqrt(var + EPS) * g + b

def reference(x_mark, hour_w, day_w, month_w, hour_g, hour_b, day_g, day_b, month_g, month_b, proj_W, proj_b):
    hour_list = jnp.array([1, 4, 7, 10, 13, 16, 19, 22], dtype=x_mark.dtype)
    day_list = jnp.arange(1, 32, dtype=x_mark.dtype)
    month_list = jnp.arange(1, 13, dtype=x_mark.dtype)
    x_hours = x_mark[:, :, 0]
    x_days = x_mark[:, :, 1]
    x_months = x_mark[:, :, 2]
    hour_idx = jnp.argmax((x_hours[..., None] == hour_list).astype(jnp.float32), axis=-1)
    day_idx = jnp.argmax((x_days[..., None] == day_list).astype(jnp.float32), axis=-1)
    month_idx = jnp.argmax((x_months[..., None] == month_list).astype(jnp.float32), axis=-1)
    hour_x = _layernorm(jnp.take(hour_w, hour_idx, axis=0), hour_g, hour_b)
    day_x = _layernorm(jnp.take(day_w, day_idx, axis=0), day_g, day_b)
    month_x = _layernorm(jnp.take(month_w, month_idx, axis=0), month_g, month_b)
    out = jnp.concatenate([day_x, month_x], axis=-1)
    out = out @ proj_W + proj_b
    return out

if __name__ == "__main__":
    import jax
    _d = setup_inputs()
    print(jax.jit(kernel)(*tuple(_d.values())))

</pallas_src>

<mosaic_0001>
#map = affine_map<(d0, d1) -> (0)>
#map1 = affine_map<(d0, d1) -> (0, 0)>
module attributes {stable_mosaic.version = 14 : i64} {
  func.func @k(%arg0: i32, %arg1: i32, %arg2: memref<409600xi32, #tpu.memory_space<hbm>>, %arg3: memref<1024x128xf32, #tpu.memory_space<hbm>>, %arg4: memref<256x128xf32, #tpu.memory_space<hbm>>, %arg5: memref<409600x128xf32, #tpu.memory_space<hbm>>, %arg6: memref<1024x128xf32, #tpu.memory_space<vmem_shared>>, %arg7: memref<256x128xf32, #tpu.memory_space<vmem_shared>>, %arg8: memref<1024xi32, #tpu.memory_space<vmem>>, %arg9: memref<2x128xi32, #tpu.memory_space<vmem>>, %arg10: memref<2x128xi32, #tpu.memory_space<vmem>>, %arg11: memref<2x128xi32, #tpu.memory_space<vmem>>, %arg12: memref<2x128xi32, #tpu.memory_space<vmem>>, %arg13: memref<256x128xf32, #tpu.memory_space<vmem>>, %arg14: memref<256x128xf32, #tpu.memory_space<vmem>>, %arg15: memref<!tpu.dma_semaphore, #tpu.memory_space<semaphore_mem>>, %arg16: memref<!tpu.dma_semaphore, #tpu.memory_space<semaphore_mem>>, %arg17: memref<!tpu.dma_semaphore, #tpu.memory_space<semaphore_mem>>) attributes {dimension_semantics = [#tpu.dimension_semantics<core_parallel>, #tpu.dimension_semantics<subcore_parallel>], iteration_bounds = array<i64: 2, 16>, scalar_prefetch = 0 : i64, scratch_operands = 12 : i64, tpu.core_type = #tpu.core_type<sc_vector_subcore>, window_params = [{transform_indices = #map}, {transform_indices = #map1}, {transform_indices = #map1}, {transform_indices = #map1}]} {
    %eq3A = arith.constant 0 : i32
    %eq3A_0 = arith.cmpi eq, %arg1, %eq3A : i32
    %convert_element_type3A = arith.extui %eq3A_0 : i1 to i32
    %cond3A = arith.constant 0 : i32
    %cond3A_1 = arith.cmpi ne, %convert_element_type3A, %cond3A : i32
    scf.if %cond3A_1 {
      "tpu.region"() ({
        %run_scoped3A = tpu.sem_alloc : memref<!tpu.dma_semaphore, #tpu.memory_space<semaphore_mem>>
        tpu.enqueue_dma source(%arg3 : memref<1024x128xf32, #tpu.memory_space<hbm>>) target(%arg6 : memref<1024x128xf32, #tpu.memory_space<vmem_shared>>) target_semaphore(%run_scoped3A : memref<!tpu.dma_semaphore, #tpu.memory_space<semaphore_mem>>)
        tpu.wait_dma2 semaphore(%run_scoped3A : memref<!tpu.dma_semaphore, #tpu.memory_space<semaphore_mem>>) src(%arg3 : memref<1024x128xf32, #tpu.memory_space<hbm>>) dst(%arg6 : memref<1024x128xf32, #tpu.memory_space<vmem_shared>>)
        tpu.yield
      }) : () -> ()
      "tpu.region"() ({
        %run_scoped3A = tpu.sem_alloc : memref<!tpu.dma_semaphore, #tpu.memory_space<semaphore_mem>>
        tpu.enqueue_dma source(%arg4 : memref<256x128xf32, #tpu.memory_space<hbm>>) target(%arg7 : memref<256x128xf32, #tpu.memory_space<vmem_shared>>) target_semaphore(%run_scoped3A : memref<!tpu.dma_semaphore, #tpu.memory_space<semaphore_mem>>)
        tpu.wait_dma2 semaphore(%run_scoped3A : memref<!tpu.dma_semaphore, #tpu.memory_space<semaphore_mem>>) src(%arg4 : memref<256x128xf32, #tpu.memory_space<hbm>>) dst(%arg7 : memref<256x128xf32, #tpu.memory_space<vmem_shared>>)
        tpu.yield
      }) : () -> ()
    } else {
    }
    %barrier3A = arith.constant 0 : index
    tpu.barrier barrier_id(%barrier3A)
    %mul3A = arith.constant 2 : i32
    %mul3A_2 = arith.muli %arg1, %mul3A : i32
    %add3A = arith.addi %mul3A_2, %arg0 : i32
    %mul3A_3 = arith.constant 12800 : i32
    %mul3A_4 = arith.muli %add3A, %mul3A_3 : i32
    %dma_start3A = arith.constant 0 : i32
    %dma_start3A_5 = tpu.memref_slice %arg8[%dma_start3A] : memref<1024xi32, #tpu.memory_space<vmem>> -> memref<512xi32, #tpu.memory_space<vmem>>
    %dma_start3A_6 = tpu.memref_slice %arg2[%mul3A_4] : memref<409600xi32, #tpu.memory_space<hbm>> -> memref<512xi32, #tpu.memory_space<hbm>>
    %dma_start3A_7 = arith.constant 0 : i32
    %dma_start3A_8 = tpu.memref_slice %arg8[%dma_start3A_7] : memref<1024xi32, #tpu.memory_space<vmem>> -> memref<512xi32, #tpu.memory_space<vmem>>
    %dma_start3A_9 = tpu.memref_slice %arg2[%mul3A_4] : memref<409600xi32, #tpu.memory_space<hbm>> -> memref<512xi32, #tpu.memory_space<hbm>>
    tpu.enqueue_dma source(%dma_start3A_9 : memref<512xi32, #tpu.memory_space<hbm>>) target(%dma_start3A_8 : memref<512xi32, #tpu.memory_space<vmem>>) target_semaphore(%arg17 : memref<!tpu.dma_semaphore, #tpu.memory_space<semaphore_mem>>)
    %scan3A = arith.constant 0 : i32
    %scan3A_10 = arith.constant 0 : i32
    %scan3A_11 = arith.constant 25 : i32
    %scan3A_12 = arith.addi %scan3A_10, %scan3A_11 : i32
    %scan3A_13 = arith.constant 1 : i32
    scf.for %scan3A_29 = %scan3A_10 to %scan3A_12 step %scan3A_13  : i32 {
      %mul3A_30 = arith.constant 512 : i32
      %mul3A_31 = arith.muli %scan3A_29, %mul3A_30 : i32
      %add3A_32 = arith.addi %mul3A_4, %mul3A_31 : i32
      %add3A_33 = arith.constant 256 : i32
      %add3A_34 = arith.addi %add3A_32, %add3A_33 : i32
      %gt3A = arith.constant 0 : i32
      %gt3A_35 = arith.cmpi sgt, %scan3A_29, %gt3A : i32
      %convert_element_type3A_36 = arith.extui %gt3A_35 : i1 to i32
      %cond3A_37 = arith.constant 0 : i32
      %cond3A_38 = arith.cmpi ne, %convert_element_type3A_36, %cond3A_37 : i32
      scf.if %cond3A_38 {
        %sub3A_2687 = arith.constant 512 : i32
        %sub3A_2688 = arith.subi %add3A_32, %sub3A_2687 : i32
        %dma_wait3A_2689 = arith.constant 0 : i32
        %dma_wait3A_2690 = tpu.memref_slice %arg5[%sub3A_2688, %dma_wait3A_2689] : memref<409600x128xf32, #tpu.memory_space<hbm>> -> memref<256x128xf32, #tpu.memory_space<hbm>>
        %dma_wait3A_2691 = arith.constant 0 : i32
        %dma_wait3A_2692 = tpu.memref_slice %arg5[%sub3A_2688, %dma_wait3A_2691] : memref<409600x128xf32, #tpu.memory_space<hbm>> -> memref<256x128xf32, #tpu.memory_space<hbm>>
        tpu.wait_dma2 semaphore(%arg16 : memref<!tpu.dma_semaphore, #tpu.memory_space<semaphore_mem>>) src(%arg13 : memref<256x128xf32, #tpu.memory_space<vmem>>) dst(%dma_wait3A_2692 : memref<256x128xf32, #tpu.memory_space<hbm>>)
        %sub3A_2693 = arith.constant 512 : i32
        %sub3A_2694 = arith.subi %add3A_34, %sub3A_2693 : i32
        %dma_wait3A_2695 = arith.constant 0 : i32
        %dma_wait3A_2696 = tpu.memref_slice %arg5[%sub3A_2694, %dma_wait3A_2695] : memref<409600x128xf32, #tpu.memory_space<hbm>> -> memref<256x128xf32, #tpu.memory_space<hbm>>
        %dma_wait3A_2697 = arith.constant 0 : i32
        %dma_wait3A_2698 = tpu.memref_slice %arg5[%sub3A_2694, %dma_wait3A_2697] : memref<409600x128xf32, #tpu.memory_space<hbm>> -> memref<256x128xf32, #tpu.memory_space<hbm>>
        tpu.wait_dma2 semaphore(%arg16 : memref<!tpu.dma_semaphore, #tpu.memory_space<semaphore_mem>>) src(%arg14 : memref<256x128xf32, #tpu.memory_space<vmem>>) dst(%dma_wait3A_2698 : memref<256x128xf32, #tpu.memory_space<hbm>>)
      } else {
      }
      %jit3A = arith.constant 2 : i32
      %eq3A_39 = arith.constant 0 : i32
      %eq3A_40 = arith.cmpi eq, %jit3A, %eq3A_39 : i32
      %jit3A_41 = arith.constant 1 : i32
      %select_n3A = arith.select %eq3A_40, %jit3A_41, %jit3A : i32
      %rem3A = arith.remsi %scan3A_29, %select_n3A : i32
      %ne3A = arith.constant 0 : i32
      %ne3A_42 = arith.cmpi ne, %rem3A, %ne3A : i32
      %lt3A = arith.constant 0 : i32
      %lt3A_43 = arith.cmpi slt, %rem3A, %lt3A : i32
      %lt3A_44 = arith.constant 0 : i32
      %lt3A_45 = arith.cmpi slt, %select_n3A, %lt3A_44 : i32
      %ne3A_46 = arith.xori %lt3A_43, %lt3A_45 : i1
      %and3A = arith.andi %ne3A_46, %ne3A_42 : i1
      %add3A_47 = arith.addi %rem3A, %select_n3A : i32
      %select_n3A_48 = arith.select %and3A, %add3A_47, %rem3A : i32
      %mul3A_49 = arith.constant 512 : i32
      %mul3A_50 = arith.muli %select_n3A_48, %mul3A_49 : i32
      %dma_wait3A_51 = tpu.memref_slice %arg8[%mul3A_50] : memref<1024xi32, #tpu.memory_space<vmem>> -> memref<512xi32, #tpu.memory_space<vmem>>
      %dma_wait3A_52 = tpu.memref_slice %arg2[%add3A_32] : memref<409600xi32, #tpu.memory_space<hbm>> -> memref<512xi32, #tpu.memory_space<hbm>>
      %dma_wait3A_53 = tpu.memref_slice %arg8[%mul3A_50] : memref<1024xi32, #tpu.memory_space<vmem>> -> memref<512xi32, #tpu.memory_space<vmem>>
      %dma_wait3A_54 = tpu.memref_slice %arg2[%add3A_32] : memref<409600xi32, #tpu.memory_space<hbm>> -> memref<512xi32, #tpu.memory_space<hbm>>
      tpu.wait_dma2 semaphore(%arg17 : memref<!tpu.dma_semaphore, #tpu.memory_space<semaphore_mem>>) src(%dma_wait3A_54 : memref<512xi32, #tpu.memory_space<hbm>>) dst(%dma_wait3A_53 : memref<512xi32, #tpu.memory_space<vmem>>)
      %add3A_55 = arith.constant 1 : i32
      %add3A_56 = arith.addi %scan3A_29, %add3A_55 : i32
      %lt3A_57 = arith.constant 25 : i32
      %lt3A_58 = arith.cmpi slt, %add3A_56, %lt3A_57 : i32
      %convert_element_type3A_59 = arith.extui %lt3A_58 : i1 to i32
      %cond3A_60 = arith.constant 0 : i32
      %cond3A_61 = arith.cmpi ne, %convert_element_type3A_59, %cond3A_60 : i32
      scf.if %cond3A_61 {
        %add3A_2687 = arith.constant 512 : i32
        %add3A_2688 = arith.addi %add3A_32, %add3A_2687 : i32
        %sub3A_2689 = arith.constant 512 : i32
        %sub3A_2690 = arith.subi %sub3A_2689, %mul3A_50 : i32
        %dma_start3A_2691 = tpu.memref_slice %arg8[%sub3A_2690] : memref<1024xi32, #tpu.memory_space<vmem>> -> memref<512xi32, #tpu.memory_space<vmem>>
        %dma_start3A_2692 = tpu.memref_slice %arg2[%add3A_2688] : memref<409600xi32, #tpu.memory_space<hbm>> -> memref<512xi32, #tpu.memory_space<hbm>>
        %dma_start3A_2693 = tpu.memref_slice %arg8[%sub3A_2690] : memref<1024xi32, #tpu.memory_space<vmem>> -> memref<512xi32, #tpu.memory_space<vmem>>
        %dma_start3A_2694 = tpu.memref_slice %arg2[%add3A_2688] : memref<409600xi32, #tpu.memory_space<hbm>> -> memref<512xi32, #tpu.memory_space<hbm>>
        tpu.enqueue_dma source(%dma_start3A_2694 : memref<512xi32, #tpu.memory_space<hbm>>) target(%dma_start3A_2693 : memref<512xi32, #tpu.memory_space<vmem>>) target_semaphore(%arg17 : memref<!tpu.dma_semaphore, #tpu.memory_space<semaphore_mem>>)
      } else {
      }
      %add3A_62 = arith.constant 0 : i32
      %add3A_63 = arith.addi %mul3A_50, %add3A_62 : i32
      %get3A = arith.index_cast %add3A_63 : i32 to index
      %get3A_64 = tpu.vector_load %arg8[%get3A] {strides = array<i32>} : memref<1024xi32, #tpu.memory_space<vmem>>, vector<16xi32>,
      %and3A_65 = arith.constant 255 : i32
      %and3A_66 = vector.broadcast %and3A_65 : i32 to vector<16xi32>
      %and3A_67 = arith.andi %get3A_64, %and3A_66 : vector<16xi32>
      %shift_right_logical3A = arith.constant 8 : i32
      %shift_right_logical3A_68 = vector.broadcast %shift_right_logical3A : i32 to vector<16xi32>
      %shift_right_logical3A_69 = arith.shrui %get3A_64, %shift_right_logical3A_68 : vector<16xi32>
      %and3A_70 = arith.constant 255 : i32
      %and3A_71 = vector.broadcast %and3A_70 : i32 to vector<16xi32>
      %and3A_72 = arith.andi %shift_right_logical3A_69, %and3A_71 : vector<16xi32>
      %shift_right_logical3A_73 = arith.constant 16 : i32
      %shift_right_logical3A_74 = vector.broadcast %shift_right_logical3A_73 : i32 to vector<16xi32>
      %shift_right_logical3A_75 = arith.shrui %get3A_64, %shift_right_logical3A_74 : vector<16xi32>
      %and3A_76 = arith.constant 255 : i32
      %and3A_77 = vector.broadcast %and3A_76 : i32 to vector<16xi32>
      %and3A_78 = arith.andi %shift_right_logical3A_75, %and3A_77 : vector<16xi32>
      %shift_right_logical3A_79 = arith.constant 24 : i32
      %shift_right_logical3A_80 = vector.broadcast %shift_right_logical3A_79 : i32 to vector<16xi32>
      %shift_right_logical3A_81 = arith.shrui %get3A_64, %shift_right_logical3A_80 : vector<16xi32>
      %sub3A_82 = arith.constant 1 : i32
      %sub3A_83 = vector.broadcast %sub3A_82 : i32 to vector<16xi32>
      %sub3A_84 = arith.subi %and3A_67, %sub3A_83 : vector<16xi32>
      %max3A = arith.constant 0 : i32
      %max3A_85 = vector.broadcast %max3A : i32 to vector<16xi32>
      %max3A_86 = arith.maxsi %sub3A_84, %max3A_85 : vector<16xi32>
      %sub3A_87 = arith.constant 1 : i32
      %sub3A_88 = vector.broadcast %sub3A_87 : i32 to vector<16xi32>
      %sub3A_89 = arith.subi %and3A_78, %sub3A_88 : vector<16xi32>
      %max3A_90 = arith.constant 0 : i32
      %max3A_91 = vector.broadcast %max3A_90 : i32 to vector<16xi32>
      %max3A_92 = arith.maxsi %sub3A_89, %max3A_91 : vector<16xi32>
      %ge3A = arith.constant 1 : i32
      %ge3A_93 = vector.broadcast %ge3A : i32 to vector<16xi32>
      %ge3A_94 = arith.cmpi sge, %and3A_72, %ge3A_93 : vector<16xi32>
      %le3A = arith.constant 12 : i32
      %le3A_95 = vector.broadcast %le3A : i32 to vector<16xi32>
      %le3A_96 = arith.cmpi sle, %and3A_72, %le3A_95 : vector<16xi32>
      %and3A_97 = arith.andi %ge3A_94, %le3A_96 : vector<16xi1>
      %sub3A_98 = arith.constant 1 : i32
      %sub3A_99 = vector.broadcast %sub3A_98 : i32 to vector<16xi32>
      %sub3A_100 = arith.subi %and3A_72, %sub3A_99 : vector<16xi32>
      %jit3A_101 = arith.constant 0 : i32
      %broadcast_in_dim3A = vector.broadcast %jit3A_101 : i32 to vector<16xi32>
      %select_n3A_102 = arith.select %and3A_97, %sub3A_100, %broadcast_in_dim3A : vector<16xi1>, vector<16xi32>
      %ge3A_103 = arith.constant 1 : i32
      %ge3A_104 = vector.broadcast %ge3A_103 : i32 to vector<16xi32>
      %ge3A_105 = arith.cmpi sge, %shift_right_logical3A_81, %ge3A_104 : vector<16xi32>
      %le3A_106 = arith.constant 12 : i32
      %le3A_107 = vector.broadcast %le3A_106 : i32 to vector<16xi32>
      %le3A_108 = arith.cmpi sle, %shift_right_logical3A_81, %le3A_107 : vector<16xi32>
      %and3A_109 = arith.andi %ge3A_105, %le3A_108 : vector<16xi1>
      %sub3A_110 = arith.constant 1 : i32
      %sub3A_111 = vector.broadcast %sub3A_110 : i32 to vector<16xi32>
      %sub3A_112 = arith.subi %shift_right_logical3A_81, %sub3A_111 : vector<16xi32>
      %jit3A_113 = arith.constant 0 : i32
      %broadcast_in_dim3A_114 = vector.broadcast %jit3A_113 : i32 to vector<16xi32>
      %select_n3A_115 = arith.select %and3A_109, %sub3A_112, %broadcast_in_dim3A_114 : vector<16xi1>, vector<16xi32>
      %mul3A_116 = arith.constant 32 : i32
      %mul3A_117 = vector.broadcast %mul3A_116 : i32 to vector<16xi32>
      %mul3A_118 = arith.muli %max3A_86, %mul3A_117 : vector<16xi32>
      %add3A_119 = arith.addi %mul3A_118, %max3A_92 : vector<16xi32>
      %swap3A = arith.constant 0 : i32
      %swap3A_120 = arith.index_cast %swap3A : i32 to index
      %swap3A_121 = arith.constant 0 : index
      %swap3A_122 = tpu.vector_load %arg9[%swap3A_120, %swap3A_121] {strides = array<i32>} : memref<2x128xi32, #tpu.memory_space<vmem>>, vector<16xi32>,
      tpu.vector_store %arg9[%swap3A_120, %swap3A_121], %add3A_119 {strides = array<i32>} : memref<2x128xi32, #tpu.memory_space<vmem>>, vector<16xi32>,
      %mul3A_123 = arith.constant 16 : i32
      %mul3A_124 = vector.broadcast %mul3A_123 : i32 to vector<16xi32>
      %mul3A_125 = arith.muli %select_n3A_102, %mul3A_124 : vector<16xi32>
      %add3A_126 = arith.addi %mul3A_125, %select_n3A_115 : vector<16xi32>
      %swap3A_127 = arith.constant 0 : i32
      %swap3A_128 = arith.index_cast %swap3A_127 : i32 to index
      %swap3A_129 = arith.constant 0 : index
      %swap3A_130 = tpu.vector_load %arg10[%swap3A_128, %swap3A_129] {strides = array<i32>} : memref<2x128xi32, #tpu.memory_space<vmem>>, vector<16xi32>,
      tpu.vector_store %arg10[%swap3A_128, %swap3A_129], %add3A_126 {strides = array<i32>} : memref<2x128xi32, #tpu.memory_space<vmem>>, vector<16xi32>,
      %add3A_131 = arith.constant 16 : i32
      %add3A_132 = arith.addi %mul3A_50, %add3A_131 : i32
      %get3A_133 = arith.index_cast %add3A_132 : i32 to index
      %get3A_134 = tpu.vector_load %arg8[%get3A_133] {strides = array<i32>} : memref<1024xi32, #tpu.memory_space<vmem>>, vector<16xi32>,
      %and3A_135 = arith.constant 255 : i32
      %and3A_136 = vector.broadcast %and3A_135 : i32 to vector<16xi32>
      %and3A_137 = arith.andi %get3A_134, %and3A_136 : vector<16xi32>
      %shift_right_logical3A_138 = arith.constant 8 : i32
      %shift_right_logical3A_139 = vector.broadcast %shift_right_logical3A_138 : i32 to vector<16xi32>
      %shift_right_logical3A_140 = arith.shrui %get3A_134, %shift_right_logical3A_139 : vector<16xi32>
      %and3A_141 = arith.constant 255 : i32
      %and3A_142 = vector.broadcast %and3A_141 : i32 to vector<16xi32>
      %and3A_143 = arith.andi %shift_right_logical3A_140, %and3A_142 : vector<16xi32>
      %shift_right_logical3A_144 = arith.constant 16 : i32
      %shift_right_logical3A_145 = vector.broadcast %shift_right_logical3A_144 : i32 to vector<16xi32>
      %shift_right_logical3A_146 = arith.shrui %get3A_134, %shift_right_logical3A_145 : vector<16xi32>
      %and3A_147 = arith.constant 255 : i32
      %and3A_148 = vector.broadcast %and3A_147 : i32 to vector<16xi32>
      %and3A_149 = arith.andi %shift_right_logical3A_146, %and3A_148 : vector<16xi32>
      %shift_right_logical3A_150 = arith.constant 24 : i32
      %shift_right_logical3A_151 = vector.broadcast %shift_right_logical3A_150 : i32 to vector<16xi32>
      %shift_right_logical3A_152 = arith.shrui %get3A_134, %shift_right_logical3A_151 : vector<16xi32>
      %sub3A_153 = arith.constant 1 : i32
      %sub3A_154 = vector.broadcast %sub3A_153 : i32 to vector<16xi32>
      %sub3A_155 = arith.subi %and3A_137, %sub3A_154 : vector<16xi32>
      %max3A_156 = arith.constant 0 : i32
      %max3A_157 = vector.broadcast %max3A_156 : i32 to vector<16xi32>
      %max3A_158 = arith.maxsi %sub3A_155, %max3A_157 : vector<16xi32>
      %sub3A_159 = arith.constant 1 : i32
      %sub3A_160 = vector.broadcast %sub3A_159 : i32 to vector<16xi32>
      %sub3A_161 = arith.subi %and3A_149, %sub3A_160 : vector<16xi32>
      %max3A_162 = arith.constant 0 : i32
      %max3A_163 = vector.broadcast %max3A_162 : i32 to vector<16xi32>
      %max3A_164 = arith.maxsi %sub3A_161, %max3A_163 : vector<16xi32>
      %ge3A_165 = arith.constant 1 : i32
      %ge3A_166 = vector.broadcast %ge3A_165 : i32 to vector<16xi32>
      %ge3A_167 = arith.cmpi sge, %and3A_143, %ge3A_166 : vector<16xi32>
      %le3A_168 = arith.constant 12 : i32
      %le3A_169 = vector.broadcast %le3A_168 : i32 to vector<16xi32>
      %le3A_170 = arith.cmpi sle, %and3A_143, %le3A_169 : vector<16xi32>
      %and3A_171 = arith.andi %ge3A_167, %le3A_170 : vector<16xi1>
      %sub3A_172 = arith.constant 1 : i32
      %sub3A_173 = vector.broadcast %sub3A_172 : i32 to vector<16xi32>
      %sub3A_174 = arith.subi %and3A_143, %sub3A_173 : vector<16xi32>
      %jit3A_175 = arith.constant 0 : i32
      %broadcast_in_dim3A_176 = vector.broadcast %jit3A_175 : i32 to vector<16xi32>
      %select_n3A_177 = arith.select %and3A_171, %sub3A_174, %broadcast_in_dim3A_176 : vector<16xi1>, vector<16xi32>
      %ge3A_178 = arith.constant 1 : i32
      %ge3A_179 = vector.broadcast %ge3A_178 : i32 to vector<16xi32>
      %ge3A_180 = arith.cmpi sge, %shift_right_logical3A_152, %ge3A_179 : vector<16xi32>
      %le3A_181 = arith.constant 12 : i32
      %le3A_182 = vector.broadcast %le3A_181 : i32 to vector<16xi32>
      %le3A_183 = arith.cmpi sle, %shift_right_logical3A_152, %le3A_182 : vector<16xi32>
      %and3A_184 = arith.andi %ge3A_180, %le3A_183 : vector<16xi1>
      %sub3A_185 = arith.constant 1 : i32
      %sub3A_186 = vector.broadcast %sub3A_185 : i32 to vector<16xi32>
      %sub3A_187 = arith.subi %shift_right_logical3A_152, %sub3A_186 : vector<16xi32>
      %jit3A_188 = arith.constant 0 : i32
      %broadcast_in_dim3A_189 = vector.broadcast %jit3A_188 : i32 to vector<16xi32>
      %select_n3A_190 = arith.select %and3A_184, %sub3A_187, %broadcast_in_dim3A_189 : vector<16xi1>, vector<16xi32>
      %mul3A_191 = arith.constant 32 : i32
      %mul3A_192 = vector.broadcast %mul3A_191 : i32 to vector<16xi32>
      %mul3A_193 = arith.muli %max3A_158, %mul3A_192 : vector<16xi32>
      %add3A_194 = arith.addi %mul3A_193, %max3A_164 : vector<16xi32>
      %swap3A_195 = arith.constant 0 : i32
      %swap3A_196 = arith.index_cast %swap3A_195 : i32 to index
      %swap3A_197 = arith.constant 16 : index
      %swap3A_198 = tpu.vector_load %arg9[%swap3A_196, %swap3A_197] {strides = array<i32>} : memref<2x128xi32, #tpu.memory_space<vmem>>, vector<16xi32>,
      tpu.vector_store %arg9[%swap3A_196, %swap3A_197], %add3A_194 {strides = array<i32>} : memref<2x128xi32, #tpu.memory_space<vmem>>, vector<16xi32>,
      %mul3A_199 = arith.constant 16 : i32
      %mul3A_200 = vector.broadcast %mul3A_199 : i32 to vector<16xi32>
      %mul3A_201 = arith.muli %select_n3A_177, %mul3A_200 : vector<16xi32>
      %add3A_202 = arith.addi %mul3A_201, %select_n3A_190 : vector<16xi32>
      %swap3A_203 = arith.constant 0 : i32
      %swap3A_204 = arith.index_cast %swap3A_203 : i32 to index
      %swap3A_205 = arith.constant 16 : index
      %swap3A_206 = tpu.vector_load %arg10[%swap3A_204, %swap3A_205] {strides = array<i32>} : memref<2x128xi32, #tpu.memory_space<vmem>>, vector<16xi32>,
      tpu.vector_store %arg10[%swap3A_204, %swap3A_205], %add3A_202 {strides = array<i32>} : memref<2x128xi32, #tpu.memory_space<vmem>>, vector<16xi32>,
      %add3A_207 = arith.constant 32 : i32
      %add3A_208 = arith.addi %mul3A_50, %add3A_207 : i32
      %get3A_209 = arith.index_cast %add3A_208 : i32 to index
      %get3A_210 = tpu.vector_load %arg8[%get3A_209] {strides = array<i32>} : memref<1024xi32, #tpu.memory_space<vmem>>, vector<16xi32>,
      %and3A_211 = arith.constant 255 : i32
      %and3A_212 = vector.broadcast %and3A_211 : i32 to vector<16xi32>
      %and3A_213 = arith.andi %get3A_210, %and3A_212 : vector<16xi32>
      %shift_right_logical3A_214 = arith.constant 8 : i32
      %shift_right_logical3A_215 = vector.broadcast %shift_right_logical3A_214 : i32 to vector<16xi32>
      %shift_right_logical3A_216 = arith.shrui %get3A_210, %shift_right_logical3A_215 : vector<16xi32>
      %and3A_217 = arith.constant 255 : i32
      %and3A_218 = vector.broadcast %and3A_217 : i32 to vector<16xi32>
      %and3A_219 = arith.andi %shift_right_logical3A_216, %and3A_218 : vector<16xi32>
      %shift_right_logical3A_220 = arith.constant 16 : i32
      %shift_right_logical3A_221 = vector.broadcast %shift_right_logical3A_220 : i32 to vector<16xi32>
      %shift_right_logical3A_222 = arith.shrui %get3A_210, %shift_right_logical3A_221 : vector<16xi32>
      %and3A_223 = arith.constant 255 : i32
      %and3A_224 = vector.broadcast %and3A_223 : i32 to vector<16xi32>
      %and3A_225 = arith.andi %shift_right_logical3A_222, %and3A_224 : vector<16xi32>
      %shift_right_logical3A_226 = arith.constant 24 : i32
      %shift_right_logical3A_227 = vector.broadcast %shift_right_logical3A_226 : i32 to vector<16xi32>
      %shift_right_logical3A_228 = arith.shrui %get3A_210, %shift_right_logical3A_227 : vector<16xi32>
      %sub3A_229 = arith.constant 1 : i32
      %sub3A_230 = vector.broadcast %sub3A_229 : i32 to vector<16xi32>
      %sub3A_231 = arith.subi %and3A_213, %sub3A_230 : vector<16xi32>
      %max3A_232 = arith.constant 0 : i32
      %max3A_233 = vector.broadcast %max3A_232 : i32 to vector<16xi32>
      %max3A_234 = arith.maxsi %sub3A_231, %max3A_233 : vector<16xi32>
      %sub3A_235 = arith.constant 1 : i32
      %sub3A_236 = vector.broadcast %sub3A_235 : i32 to vector<16xi32>
      %sub3A_237 = arith.subi %and3A_225, %sub3A_236 : vector<16xi32>
      %max3A_238 = arith.constant 0 : i32
      %max3A_239 = vector.broadcast %max3A_238 : i32 to vector<16xi32>
      %max3A_240 = arith.maxsi %sub3A_237, %max3A_239 : vector<16xi32>
      %ge3A_241 = arith.constant 1 : i32
      %ge3A_242 = vector.broadcast %ge3A_241 : i32 to vector<16xi32>
      %ge3A_243 = arith.cmpi sge, %and3A_219, %ge3A_242 : vector<16xi32>
      %le3A_244 = arith.constant 12 : i32
      %le3A_245 = vector.broadcast %le3A_244 : i32 to vector<16xi32>
      %le3A_246 = arith.cmpi sle, %and3A_219, %le3A_245 : vector<16xi32>
      %and3A_247 = arith.andi %ge3A_243, %le3A_246 : vector<16xi1>
      %sub3A_248 = arith.constant 1 : i32
      %sub3A_249 = vector.broadcast %sub3A_248 : i32 to vector<16xi32>
      %sub3A_250 = arith.subi %and3A_219, %sub3A_249 : vector<16xi32>
      %jit3A_251 = arith.constant 0 : i32
      %broadcast_in_dim3A_252 = vector.broadcast %jit3A_251 : i32 to vector<16xi32>
      %select_n3A_253 = arith.select %and3A_247, %sub3A_250, %broadcast_in_dim3A_252 : vector<16xi1>, vector<16xi32>
      %ge3A_254 = arith.constant 1 : i32
      %ge3A_255 = vector.broadcast %ge3A_254 : i32 to vector<16xi32>
      %ge3A_256 = arith.cmpi sge, %shift_right_logical3A_228, %ge3A_255 : vector<16xi32>
      %le3A_257 = arith.constant 12 : i32
      %le3A_258 = vector.broadcast %le3A_257 : i32 to vector<16xi32>
      %le3A_259 = arith.cmpi sle, %shift_right_logical3A_228, %le3A_258 : vector<16xi32>
      %and3A_260 = arith.andi %ge3A_256, %le3A_259 : vector<16xi1>
      %sub3A_261 = arith.constant 1 : i32
      %sub3A_262 = vector.broadcast %sub3A_261 : i32 to vector<16xi32>
      %sub3A_263 = arith.subi %shift_right_logical3A_228, %sub3A_262 : vector<16xi32>
      %jit3A_264 = arith.constant 0 : i32
      %broadcast_in_dim3A_265 = vector.broadcast %jit3A_264 : i32 to vector<16xi32>
      %select_n3A_266 = arith.select %and3A_260, %sub3A_263, %broadcast_in_dim3A_265 : vector<16xi1>, vector<16xi32>
      %mul3A_267 = arith.constant 32 : i32
      %mul3A_268 = vector.broadcast %mul3A_267 : i32 to vector<16xi32>
      %mul3A_269 = arith.muli %max3A_234, %mul3A_268 : vector<16xi32>
      %add3A_270 = arith.addi %mul3A_269, %max3A_240 : vector<16xi32>
      %swap3A_271 = arith.constant 0 : i32
      %swap3A_272 = arith.index_cast %swap3A_271 : i32 to index
      %swap3A_273 = arith.constant 32 : index
      %swap3A_274 = tpu.vector_load %arg9[%swap3A_272, %swap3A_273] {strides = array<i32>} : memref<2x128xi32, #tpu.memory_space<vmem>>, vector<16xi32>,
      tpu.vector_store %arg9[%swap3A_272, %swap3A_273], %add3A_270 {strides = array<i32>} : memref<2x128xi32, #tpu.memory_space<vmem>>, vector<16xi32>,
      %mul3A_275 = arith.constant 16 : i32
      %mul3A_276 = vector.broadcast %mul3A_275 : i32 to vector<16xi32>
      %mul3A_277 = arith.muli %select_n3A_253, %mul3A_276 : vector<16xi32>
      %add3A_278 = arith.addi %mul3A_277, %select_n3A_266 : vector<16xi32>
      %swap3A_279 = arith.constant 0 : i32
      %swap3A_280 = arith.index_cast %swap3A_279 : i32 to index
      %swap3A_281 = arith.constant 32 : index
      %swap3A_282 = tpu.vector_load %arg10[%swap3A_280, %swap3A_281] {strides = array<i32>} : memref<2x128xi32, #tpu.memory_space<vmem>>, vector<16xi32>,
      tpu.vector_store %arg10[%swap3A_280, %swap3A_281], %add3A_278 {strides = array<i32>} : memref<2x128xi32, #tpu.memory_space<vmem>>, vector<16xi32>,
      %add3A_283 = arith.constant 48 : i32
      %add3A_284 = arith.addi %mul3A_50, %add3A_283 : i32
      %get3A_285 = arith.index_cast %add3A_284 : i32 to index
      %get3A_286 = tpu.vector_load %arg8[%get3A_285] {strides = array<i32>} : memref<1024xi32, #tpu.memory_space<vmem>>, vector<16xi32>,
      %and3A_287 = arith.constant 255 : i32
      %and3A_288 = vector.broadcast %and3A_287 : i32 to vector<16xi32>
      %and3A_289 = arith.andi %get3A_286, %and3A_288 : vector<16xi32>
      %shift_right_logical3A_290 = arith.constant 8 : i32
      %shift_right_logical3A_291 = vector.broadcast %shift_right_logical3A_290 : i32 to vector<16xi32>
      %shift_right_logical3A_292 = arith.shrui %get3A_286, %shift_right_logical3A_291 : vector<16xi32>
      %and3A_293 = arith.constant 255 : i32
      %and3A_294 = vector.broadcast %and3A_293 : i32 to vector<16xi32>
      %and3A_295 = arith.andi %shift_right_logical3A_292, %and3A_294 : vector<16xi32>
      %shift_right_logical3A_296 = arith.constant 16 : i32
      %shift_right_logical3A_297 = vector.broadcast %shift_right_logical3A_296 : i32 to vector<16xi32>
      %shift_right_logical3A_298 = arith.shrui %get3A_286, %shift_right_logical3A_297 : vector<16xi32>
      %and3A_299 = arith.constant 255 : i32
      %and3A_300 = vector.broadcast %and3A_299 : i32 to vector<16xi32>
      %and3A_301 = arith.andi %shift_right_logical3A_298, %and3A_300 : vector<16xi32>
      %shift_right_logical3A_302 = arith.constant 24 : i32
      %shift_right_logical3A_303 = vector.broadcast %shift_right_logical3A_302 : i32 to vector<16xi32>
      %shift_right_logical3A_304 = arith.shrui %get3A_286, %shift_right_logical3A_303 : vector<16xi32>
      %sub3A_305 = arith.constant 1 : i32
      %sub3A_306 = vector.broadcast %sub3A_305 : i32 to vector<16xi32>
      %sub3A_307 = arith.subi %and3A_289, %sub3A_306 : vector<16xi32>
      %max3A_308 = arith.constant 0 : i32
      %max3A_309 = vector.broadcast %max3A_308 : i32 to vector<16xi32>
      %max3A_310 = arith.maxsi %sub3A_307, %max3A_309 : vector<16xi32>
      %sub3A_311 = arith.constant 1 : i32
      %sub3A_312 = vector.broadcast %sub3A_311 : i32 to vector<16xi32>
      %sub3A_313 = arith.subi %and3A_301, %sub3A_312 : vector<16xi32>
      %max3A_314 = arith.constant 0 : i32
      %max3A_315 = vector.broadcast %max3A_314 : i32 to vector<16xi32>
      %max3A_316 = arith.maxsi %sub3A_313, %max3A_315 : vector<16xi32>
      %ge3A_317 = arith.constant 1 : i32
      %ge3A_318 = vector.broadcast %ge3A_317 : i32 to vector<16xi32>
      %ge3A_319 = arith.cmpi sge, %and3A_295, %ge3A_318 : vector<16xi32>
      %le3A_320 = arith.constant 12 : i32
      %le3A_321 = vector.broadcast %le3A_320 : i32 to vector<16xi32>
      %le3A_322 = arith.cmpi sle, %and3A_295, %le3A_321 : vector<16xi32>
      %and3A_323 = arith.andi %ge3A_319, %le3A_322 : vector<16xi1>
      %sub3A_324 = arith.constant 1 : i32
      %sub3A_325 = vector.broadcast %sub3A_324 : i32 to vector<16xi32>
      %sub3A_326 = arith.subi %and3A_295, %sub3A_325 : vector<16xi32>
      %jit3A_327 = arith.constant 0 : i32
      %broadcast_in_dim3A_328 = vector.broadcast %jit3A_327 : i32 to vector<16xi32>
      %select_n3A_329 = arith.select %and3A_323, %sub3A_326, %broadcast_in_dim3A_328 : vector<16xi1>, vector<16xi32>
      %ge3A_330 = arith.constant 1 : i32
      %ge3A_331 = vector.broadcast %ge3A_330 : i32 to vector<16xi32>
      %ge3A_332 = arith.cmpi sge, %shift_right_logical3A_304, %ge3A_331 : vector<16xi32>
      %le3A_333 = arith.constant 12 : i32
      %le3A_334 = vector.broadcast %le3A_333 : i32 to vector<16xi32>
      %le3A_335 = arith.cmpi sle, %shift_right_logical3A_304, %le3A_334 : vector<16xi32>
      %and3A_336 = arith.andi %ge3A_332, %le3A_335 : vector<16xi1>
      %sub3A_337 = arith.constant 1 : i32
      %sub3A_338 = vector.broadcast %sub3A_337 : i32 to vector<16xi32>
      %sub3A_339 = arith.subi %shift_right_logical3A_304, %sub3A_338 : vector<16xi32>
      %jit3A_340 = arith.constant 0 : i32
      %broadcast_in_dim3A_341 = vector.broadcast %jit3A_340 : i32 to vector<16xi32>
      %select_n3A_342 = arith.select %and3A_336, %sub3A_339, %broadcast_in_dim3A_341 : vector<16xi1>, vector<16xi32>
      %mul3A_343 = arith.constant 32 : i32
      %mul3A_344 = vector.broadcast %mul3A_343 : i32 to vector<16xi32>
      %mul3A_345 = arith.muli %max3A_310, %mul3A_344 : vector<16xi32>
      %add3A_346 = arith.addi %mul3A_345, %max3A_316 : vector<16xi32>
      %swap3A_347 = arith.constant 0 : i32
      %swap3A_348 = arith.index_cast %swap3A_347 : i32 to index
      %swap3A_349 = arith.constant 48 : index
      %swap3A_350 = tpu.vector_load %arg9[%swap3A_348, %swap3A_349] {strides = array<i32>} : memref<2x128xi32, #tpu.memory_space<vmem>>, vector<16xi32>,
      tpu.vector_store %arg9[%swap3A_348, %swap3A_349], %add3A_346 {strides = array<i32>} : memref<2x128xi32, #tpu.memory_space<vmem>>, vector<16xi32>,
      %mul3A_351 = arith.constant 16 : i32
      %mul3A_352 = vector.broadcast %mul3A_351 : i32 to vector<16xi32>
      %mul3A_353 = arith.muli %select_n3A_329, %mul3A_352 : vector<16xi32>
      %add3A_354 = arith.addi %mul3A_353, %select_n3A_342 : vector<16xi32>
      %swap3A_355 = arith.constant 0 : i32
      %swap3A_356 = arith.index_cast %swap3A_355 : i32 to index
      %swap3A_357 = arith.constant 48 : index
      %swap3A_358 = tpu.vector_load %arg10[%swap3A_356, %swap3A_357] {strides = array<i32>} : memref<2x128xi32, #tpu.memory_space<vmem>>, vector<16xi32>,
      tpu.vector_store %arg10[%swap3A_356, %swap3A_357], %add3A_354 {strides = array<i32>} : memref<2x128xi32, #tpu.memory_space<vmem>>, vector<16xi32>,
      %add3A_359 = arith.constant 64 : i32
      %add3A_360 = arith.addi %mul3A_50, %add3A_359 : i32
      %get3A_361 = arith.index_cast %add3A_360 : i32 to index
      %get3A_362 = tpu.vector_load %arg8[%get3A_361] {strides = array<i32>} : memref<1024xi32, #tpu.memory_space<vmem>>, vector<16xi32>,
      %and3A_363 = arith.constant 255 : i32
      %and3A_364 = vector.broadcast %and3A_363 : i32 to vector<16xi32>
      %and3A_365 = arith.andi %get3A_362, %and3A_364 : vector<16xi32>
      %shift_right_logical3A_366 = arith.constant 8 : i32
      %shift_right_logical3A_367 = vector.broadcast %shift_right_logical3A_366 : i32 to vector<16xi32>
      %shift_right_logical3A_368 = arith.shrui %get3A_362, %shift_right_logical3A_367 : vector<16xi32>
      %and3A_369 = arith.constant 255 : i32
      %and3A_370 = vector.broadcast %and3A_369 : i32 to vector<16xi32>
      %and3A_371 = arith.andi %shift_right_logical3A_368, %and3A_370 : vector<16xi32>
      %shift_right_logical3A_372 = arith.constant 16 : i32
      %shift_right_logical3A_373 = vector.broadcast %shift_right_logical3A_372 : i32 to vector<16xi32>
      %shift_right_logical3A_374 = arith.shrui %get3A_362, %shift_right_logical3A_373 : vector<16xi32>
      %and3A_375 = arith.constant 255 : i32
      %and3A_376 = vector.broadcast %and3A_375 : i32 to vector<16xi32>
      %and3A_377 = arith.andi %shift_right_logical3A_374, %and3A_376 : vector<16xi32>
      %shift_right_logical3A_378 = arith.constant 24 : i32
      %shift_right_logical3A_379 = vector.broadcast %shift_right_logical3A_378 : i32 to vector<16xi32>
      %shift_right_logical3A_380 = arith.shrui %get3A_362, %shift_right_logical3A_379 : vector<16xi32>
      %sub3A_381 = arith.constant 1 : i32
      %sub3A_382 = vector.broadcast %sub3A_381 : i32 to vector<16xi32>
      %sub3A_383 = arith.subi %and3A_365, %sub3A_382 : vector<16xi32>
      %max3A_384 = arith.constant 0 : i32
      %max3A_385 = vector.broadcast %max3A_384 : i32 to vector<16xi32>
      %max3A_386 = arith.maxsi %sub3A_383, %max3A_385 : vector<16xi32>
      %sub3A_387 = arith.constant 1 : i32
      %sub3A_388 = vector.broadcast %sub3A_387 : i32 to vector<16xi32>
      %sub3A_389 = arith.subi %and3A_377, %sub3A_388 : vector<16xi32>
      %max3A_390 = arith.constant 0 : i32
      %max3A_391 = vector.broadcast %max3A_390 : i32 to vector<16xi32>
      %max3A_392 = arith.maxsi %sub3A_389, %max3A_391 : vector<16xi32>
      %ge3A_393 = arith.constant 1 : i32
      %ge3A_394 = vector.broadcast %ge3A_393 : i32 to vector<16xi32>
      %ge3A_395 = arith.cmpi sge, %and3A_371, %ge3A_394 : vector<16xi32>
      %le3A_396 = arith.constant 12 : i32
      %le3A_397 = vector.broadcast %le3A_396 : i32 to vector<16xi32>
      %le3A_398 = arith.cmpi sle, %and3A_371, %le3A_397 : vector<16xi32>
      %and3A_399 = arith.andi %ge3A_395, %le3A_398 : vector<16xi1>
      %sub3A_400 = arith.constant 1 : i32
      %sub3A_401 = vector.broadcast %sub3A_400 : i32 to vector<16xi32>
      %sub3A_402 = arith.subi %and3A_371, %sub3A_401 : vector<16xi32>
      %jit3A_403 = arith.constant 0 : i32
      %broadcast_in_dim3A_404 = vector.broadcast %jit3A_403 : i32 to vector<16xi32>
      %select_n3A_405 = arith.select %and3A_399, %sub3A_402, %broadcast_in_dim3A_404 : vector<16xi1>, vector<16xi32>
      %ge3A_406 = arith.constant 1 : i32
      %ge3A_407 = vector.broadcast %ge3A_406 : i32 to vector<16xi32>
      %ge3A_408 = arith.cmpi sge, %shift_right_logical3A_380, %ge3A_407 : vector<16xi32>
      %le3A_409 = arith.constant 12 : i32
      %le3A_410 = vector.broadcast %le3A_409 : i32 to vector<16xi32>
      %le3A_411 = arith.cmpi sle, %shift_right_logical3A_380, %le3A_410 : vector<16xi32>
      %and3A_412 = arith.andi %ge3A_408, %le3A_411 : vector<16xi1>
      %sub3A_413 = arith.constant 1 : i32
      %sub3A_414 = vector.broadcast %sub3A_413 : i32 to vector<16xi32>
      %sub3A_415 = arith.subi %shift_right_logical3A_380, %sub3A_414 : vector<16xi32>
      %jit3A_416 = arith.constant 0 : i32
      %broadcast_in_dim3A_417 = vector.broadcast %jit3A_416 : i32 to vector<16xi32>
      %select_n3A_418 = arith.select %and3A_412, %sub3A_415, %broadcast_in_dim3A_417 : vector<16xi1>, vector<16xi32>
      %mul3A_419 = arith.constant 32 : i32
      %mul3A_420 = vector.broadcast %mul3A_419 : i32 to vector<16xi32>
      %mul3A_421 = arith.muli %max3A_386, %mul3A_420 : vector<16xi32>
      %add3A_422 = arith.addi %mul3A_421, %max3A_392 : vector<16xi32>
      %swap3A_423 = arith.constant 0 : i32
      %swap3A_424 = arith.index_cast %swap3A_423 : i32 to index
      %swap3A_425 = arith.constant 64 : index
      %swap3A_426 = tpu.vector_load %arg9[%swap3A_424, %swap3A_425] {strides = array<i32>} : memref<2x128xi32, #tpu.memory_space<vmem>>, vector<16xi32>,
      tpu.vector_store %arg9[%swap3A_424, %swap3A_425], %add3A_422 {strides = array<i32>} : memref<2x128xi32, #tpu.memory_space<vmem>>, vector<16xi32>,
      %mul3A_427 = arith.constant 16 : i32
      %mul3A_428 = vector.broadcast %mul3A_427 : i32 to vector<16xi32>
      %mul3A_429 = arith.muli %select_n3A_405, %mul3A_428 : vector<16xi32>
      %add3A_430 = arith.addi %mul3A_429, %select_n3A_418 : vector<16xi32>
      %swap3A_431 = arith.constant 0 : i32
      %swap3A_432 = arith.index_cast %swap3A_431 : i32 to index
      %swap3A_433 = arith.constant 64 : index
      %swap3A_434 = tpu.vector_load %arg10[%swap3A_432, %swap3A_433] {strides = array<i32>} : memref<2x128xi32, #tpu.memory_space<vmem>>, vector<16xi32>,
      tpu.vector_store %arg10[%swap3A_432, %swap3A_433], %add3A_430 {strides = array<i32>} : memref<2x128xi32, #tpu.memory_space<vmem>>, vector<16xi32>,
      %add3A_435 = arith.constant 80 : i32
      %add3A_436 = arith.addi %mul3A_50, %add3A_435 : i32
      %get3A_437 = arith.index_cast %add3A_436 : i32 to index
      %get3A_438 = tpu.vector_load %arg8[%get3A_437] {strides = array<i32>} : memref<1024xi32, #tpu.memory_space<vmem>>, vector<16xi32>,
      %and3A_439 = arith.constant 255 : i32
      %and3A_440 = vector.broadcast %and3A_439 : i32 to vector<16xi32>
      %and3A_441 = arith.andi %get3A_438, %and3A_440 : vector<16xi32>
      %shift_right_logical3A_442 = arith.constant 8 : i32
      %shift_right_logical3A_443 = vector.broadcast %shift_right_logical3A_442 : i32 to vector<16xi32>
      %shift_right_logical3A_444 = arith.shrui %get3A_438, %shift_right_logical3A_443 : vector<16xi32>
      %and3A_445 = arith.constant 255 : i32
      %and3A_446 = vector.broadcast %and3A_445 : i32 to vector<16xi32>
      %and3A_447 = arith.andi %shift_right_logical3A_444, %and3A_446 : vector<16xi32>
      %shift_right_logical3A_448 = arith.constant 16 : i32
      %shift_right_logical3A_449 = vector.broadcast %shift_right_logical3A_448 : i32 to vector<16xi32>
      %shift_right_logical3A_450 = arith.shrui %get3A_438, %shift_right_logical3A_449 : vector<16xi32>
      %and3A_451 = arith.constant 255 : i32
      %and3A_452 = vector.broadcast %and3A_451 : i32 to vector<16xi32>
      %and3A_453 = arith.andi %shift_right_logical3A_450, %and3A_452 : vector<16xi32>
      %shift_right_logical3A_454 = arith.constant 24 : i32
      %shift_right_logical3A_455 = vector.broadcast %shift_right_logical3A_454 : i32 to vector<16xi32>
      %shift_right_logical3A_456 = arith.shrui %get3A_438, %shift_right_logical3A_455 : vector<16xi32>
      %sub3A_457 = arith.constant 1 : i32
      %sub3A_458 = vector.broadcast %sub3A_457 : i32 to vector<16xi32>
      %sub3A_459 = arith.subi %and3A_441, %sub3A_458 : vector<16xi32>
      %max3A_460 = arith.constant 0 : i32
      %max3A_461 = vector.broadcast %max3A_460 : i32 to vector<16xi32>
      %max3A_462 = arith.maxsi %sub3A_459, %max3A_461 : vector<16xi32>
      %sub3A_463 = arith.constant 1 : i32
      %sub3A_464 = vector.broadcast %sub3A_463 : i32 to vector<16xi32>
      %sub3A_465 = arith.subi %and3A_453, %sub3A_464 : vector<16xi32>
      %max3A_466 = arith.constant 0 : i32
      %max3A_467 = vector.broadcast %max3A_466 : i32 to vector<16xi32>
      %max3A_468 = arith.maxsi %sub3A_465, %max3A_467 : vector<16xi32>
      %ge3A_469 = arith.constant 1 : i32
      %ge3A_470 = vector.broadcast %ge3A_469 : i32 to vector<16xi32>
      %ge3A_471 = arith.cmpi sge, %and3A_447, %ge3A_470 : vector<16xi32>
      %le3A_472 = arith.constant 12 : i32
      %le3A_473 = vector.broadcast %le3A_472 : i32 to vector<16xi32>
      %le3A_474 = arith.cmpi sle, %and3A_447, %le3A_473 : vector<16xi32>
      %and3A_475 = arith.andi %ge3A_471, %le3A_474 : vector<16xi1>
      %sub3A_476 = arith.constant 1 : i32
      %sub3A_477 = vector.broadcast %sub3A_476 : i32 to vector<16xi32>
      %sub3A_478 = arith.subi %and3A_447, %sub3A_477 : vector<16xi32>
      %jit3A_479 = arith.constant 0 : i32
      %broadcast_in_dim3A_480 = vector.broadcast %jit3A_479 : i32 to vector<16xi32>
      %select_n3A_481 = arith.select %and3A_475, %sub3A_478, %broadcast_in_dim3A_480 : vector<16xi1>, vector<16xi32>
      %ge3A_482 = arith.constant 1 : i32
      %ge3A_483 = vector.broadcast %ge3A_482 : i32 to vector<16xi32>
      %ge3A_484 = arith.cmpi sge, %shift_right_logical3A_456, %ge3A_483 : vector<16xi32>
      %le3A_485 = arith.constant 12 : i32
      %le3A_486 = vector.broadcast %le3A_485 : i32 to vector<16xi32>
      %le3A_487 = arith.cmpi sle, %shift_right_logical3A_456, %le3A_486 : vector<16xi32>
      %and3A_488 = arith.andi %ge3A_484, %le3A_487 : vector<16xi1>
      %sub3A_489 = arith.constant 1 : i32
      %sub3A_490 = vector.broadcast %sub3A_489 : i32 to vector<16xi32>
      %sub3A_491 = arith.subi %shift_right_logical3A_456, %sub3A_490 : vector<16xi32>
      %jit3A_492 = arith.constant 0 : i32
      %broadcast_in_dim3A_493 = vector.broadcast %jit3A_492 : i32 to vector<16xi32>
      %select_n3A_494 = arith.select %and3A_488, %sub3A_491, %broadcast_in_dim3A_493 : vector<16xi1>, vector<16xi32>
      %mul3A_495 = arith.constant 32 : i32
      %mul3A_496 = vector.broadcast %mul3A_495 : i32 to vector<16xi32>
      %mul3A_497 = arith.muli %max3A_462, %mul3A_496 : vector<16xi32>
      %add3A_498 = arith.addi %mul3A_497, %max3A_468 : vector<16xi32>
      %swap3A_499 = arith.constant 0 : i32
      %swap3A_500 = arith.index_cast %swap3A_499 : i32 to index
      %swap3A_501 = arith.constant 80 : index
      %swap3A_502 = tpu.vector_load %arg9[%swap3A_500, %swap3A_501] {strides = array<i32>} : memref<2x128xi32, #tpu.memory_space<vmem>>, vector<16xi32>,
      tpu.vector_store %arg9[%swap3A_500, %swap3A_501], %add3A_498 {strides = array<i32>} : memref<2x128xi32, #tpu.memory_space<vmem>>, vector<16xi32>,
      %mul3A_503 = arith.constant 16 : i32
      %mul3A_504 = vector.broadcast %mul3A_503 : i32 to vector<16xi32>
      %mul3A_505 = arith.muli %select_n3A_481, %mul3A_504 : vector<16xi32>
      %add3A_506 = arith.addi %mul3A_505, %select_n3A_494 : vector<16xi32>
      %swap3A_507 = arith.constant 0 : i32
      %swap3A_508 = arith.index_cast %swap3A_507 : i32 to index
      %swap3A_509 = arith.constant 80 : index
      %swap3A_510 = tpu.vector_load %arg10[%swap3A_508, %swap3A_509] {strides = array<i32>} : memref<2x128xi32, #tpu.memory_space<vmem>>, vector<16xi32>,
      tpu.vector_store %arg10[%swap3A_508, %swap3A_509], %add3A_506 {strides = array<i32>} : memref<2x128xi32, #tpu.memory_space<vmem>>, vector<16xi32>,
      %add3A_511 = arith.constant 96 : i32
      %add3A_512 = arith.addi %mul3A_50, %add3A_511 : i32
      %get3A_513 = arith.index_cast %add3A_512 : i32 to index
      %get3A_514 = tpu.vector_load %arg8[%get3A_513] {strides = array<i32>} : memref<1024xi32, #tpu.memory_space<vmem>>, vector<16xi32>,
      %and3A_515 = arith.constant 255 : i32
      %and3A_516 = vector.broadcast %and3A_515 : i32 to vector<16xi32>
      %and3A_517 = arith.andi %get3A_514, %and3A_516 : vector<16xi32>
      %shift_right_logical3A_518 = arith.constant 8 : i32
      %shift_right_logical3A_519 = vector.broadcast %shift_right_logical3A_518 : i32 to vector<16xi32>
      %shift_right_logical3A_520 = arith.shrui %get3A_514, %shift_right_logical3A_519 : vector<16xi32>
      %and3A_521 = arith.constant 255 : i32
      %and3A_522 = vector.broadcast %and3A_521 : i32 to vector<16xi32>
      %and3A_523 = arith.andi %shift_right_logical3A_520, %and3A_522 : vector<16xi32>
      %shift_right_logical3A_524 = arith.constant 16 : i32
      %shift_right_logical3A_525 = vector.broadcast %shift_right_logical3A_524 : i32 to vector<16xi32>
      %shift_right_logical3A_526 = arith.shrui %get3A_514, %shift_right_logical3A_525 : vector<16xi32>
      %and3A_527 = arith.constant 255 : i32
      %and3A_528 = vector.broadcast %and3A_527 : i32 to vector<16xi32>
      %and3A_529 = arith.andi %shift_right_logical3A_526, %and3A_528 : vector<16xi32>
      %shift_right_logical3A_530 = arith.constant 24 : i32
      %shift_right_logical3A_531 = vector.broadcast %shift_right_logical3A_530 : i32 to vector<16xi32>
      %shift_right_logical3A_532 = arith.shrui %get3A_514, %shift_right_logical3A_531 : vector<16xi32>
      %sub3A_533 = arith.constant 1 : i32
      %sub3A_534 = vector.broadcast %sub3A_533 : i32 to vector<16xi32>
      %sub3A_535 = arith.subi %and3A_517, %sub3A_534 : vector<16xi32>
      %max3A_536 = arith.constant 0 : i32
      %max3A_537 = vector.broadcast %max3A_536 : i32 to vector<16xi32>
      %max3A_538 = arith.maxsi %sub3A_535, %max3A_537 : vector<16xi32>
      %sub3A_539 = arith.constant 1 : i32
      %sub3A_540 = vector.broadcast %sub3A_539 : i32 to vector<16xi32>
      %sub3A_541 = arith.subi %and3A_529, %sub3A_540 : vector<16xi32>
      %max3A_542 = arith.constant 0 : i32
      %max3A_543 = vector.broadcast %max3A_542 : i32 to vector<16xi32>
      %max3A_544 = arith.maxsi %sub3A_541, %max3A_543 : vector<16xi32>
      %ge3A_545 = arith.constant 1 : i32
      %ge3A_546 = vector.broadcast %ge3A_545 : i32 to vector<16xi32>
      %ge3A_547 = arith.cmpi sge, %and3A_523, %ge3A_546 : vector<16xi32>
      %le3A_548 = arith.constant 12 : i32
      %le3A_549 = vector.broadcast %le3A_548 : i32 to vector<16xi32>
      %le3A_550 = arith.cmpi sle, %and3A_523, %le3A_549 : vector<16xi32>
      %and3A_551 = arith.andi %ge3A_547, %le3A_550 : vector<16xi1>
      %sub3A_552 = arith.constant 1 : i32
      %sub3A_553 = vector.broadcast %sub3A_552 : i32 to vector<16xi32>
      %sub3A_554 = arith.subi %and3A_523, %sub3A_553 : vector<16xi32>
      %jit3A_555 = arith.constant 0 : i32
      %broadcast_in_dim3A_556 = vector.broadcast %jit3A_555 : i32 to vector<16xi32>
      %select_n3A_557 = arith.select %and3A_551, %sub3A_554, %broadcast_in_dim3A_556 : vector<16xi1>, vector<16xi32>
      %ge3A_558 = arith.constant 1 : i32
      %ge3A_559 = vector.broadcast %ge3A_558 : i32 to vector<16xi32>
      %ge3A_560 = arith.cmpi sge, %shift_right_logical3A_532, %ge3A_559 : vector<16xi32>
      %le3A_561 = arith.constant 12 : i32
      %le3A_562 = vector.broadcast %le3A_561 : i32 to vector<16xi32>
      %le3A_563 = arith.cmpi sle, %shift_right_logical3A_532, %le3A_562 : vector<16xi32>
      %and3A_564 = arith.andi %ge3A_560, %le3A_563 : vector<16xi1>
      %sub3A_565 = arith.constant 1 : i32
      %sub3A_566 = vector.broadcast %sub3A_565 : i32 to vector<16xi32>
      %sub3A_567 = arith.subi %shift_right_logical3A_532, %sub3A_566 : vector<16xi32>
      %jit3A_568 = arith.constant 0 : i32
      %broadcast_in_dim3A_569 = vector.broadcast %jit3A_568 : i32 to vector<16xi32>
      %select_n3A_570 = arith.select %and3A_564, %sub3A_567, %broadcast_in_dim3A_569 : vector<16xi1>, vector<16xi32>
      %mul3A_571 = arith.constant 32 : i32
      %mul3A_572 = vector.broadcast %mul3A_571 : i32 to vector<16xi32>
      %mul3A_573 = arith.muli %max3A_538, %mul3A_572 : vector<16xi32>
      %add3A_574 = arith.addi %mul3A_573, %max3A_544 : vector<16xi32>
      %swap3A_575 = arith.constant 0 : i32
      %swap3A_576 = arith.index_cast %swap3A_575 : i32 to index
      %swap3A_577 = arith.constant 96 : index
      %swap3A_578 = tpu.vector_load %arg9[%swap3A_576, %swap3A_577] {strides = array<i32>} : memref<2x128xi32, #tpu.memory_space<vmem>>, vector<16xi32>,
      tpu.vector_store %arg9[%swap3A_576, %swap3A_577], %add3A_574 {strides = array<i32>} : memref<2x128xi32, #tpu.memory_space<vmem>>, vector<16xi32>,
      %mul3A_579 = arith.constant 16 : i32
      %mul3A_580 = vector.broadcast %mul3A_579 : i32 to vector<16xi32>
      %mul3A_581 = arith.muli %select_n3A_557, %mul3A_580 : vector<16xi32>
      %add3A_582 = arith.addi %mul3A_581, %select_n3A_570 : vector<16xi32>
      %swap3A_583 = arith.constant 0 : i32
      %swap3A_584 = arith.index_cast %swap3A_583 : i32 to index
      %swap3A_585 = arith.constant 96 : index
      %swap3A_586 = tpu.vector_load %arg10[%swap3A_584, %swap3A_585] {strides = array<i32>} : memref<2x128xi32, #tpu.memory_space<vmem>>, vector<16xi32>,
      tpu.vector_store %arg10[%swap3A_584, %swap3A_585], %add3A_582 {strides = array<i32>} : memref<2x128xi32, #tpu.memory_space<vmem>>, vector<16xi32>,
      %add3A_587 = arith.constant 112 : i32
      %add3A_588 = arith.addi %mul3A_50, %add3A_587 : i32
      %get3A_589 = arith.index_cast %add3A_588 : i32 to index
      %get3A_590 = tpu.vector_load %arg8[%get3A_589] {strides = array<i32>} : memref<1024xi32, #tpu.memory_space<vmem>>, vector<16xi32>,
      %and3A_591 = arith.constant 255 : i32
      %and3A_592 = vector.broadcast %and3A_591 : i32 to vector<16xi32>
      %and3A_593 = arith.andi %get3A_590, %and3A_592 : vector<16xi32>
      %shift_right_logical3A_594 = arith.constant 8 : i32
      %shift_right_logical3A_595 = vector.broadcast %shift_right_logical3A_594 : i32 to vector<16xi32>
      %shift_right_logical3A_596 = arith.shrui %get3A_590, %shift_right_logical3A_595 : vector<16xi32>
      %and3A_597 = arith.constant 255 : i32
      %and3A_598 = vector.broadcast %and3A_597 : i32 to vector<16xi32>
      %and3A_599 = arith.andi %shift_right_logical3A_596, %and3A_598 : vector<16xi32>
      %shift_right_logical3A_600 = arith.constant 16 : i32
      %shift_right_logical3A_601 = vector.broadcast %shift_right_logical3A_600 : i32 to vector<16xi32>
      %shift_right_logical3A_602 = arith.shrui %get3A_590, %shift_right_logical3A_601 : vector<16xi32>
      %and3A_603 = arith.constant 255 : i32
      %and3A_604 = vector.broadcast %and3A_603 : i32 to vector<16xi32>
      %and3A_605 = arith.andi %shift_right_logical3A_602, %and3A_604 : vector<16xi32>
      %shift_right_logical3A_606 = arith.constant 24 : i32
      %shift_right_logical3A_607 = vector.broadcast %shift_right_logical3A_606 : i32 to vector<16xi32>
      %shift_right_logical3A_608 = arith.shrui %get3A_590, %shift_right_logical3A_607 : vector<16xi32>
      %sub3A_609 = arith.constant 1 : i32
      %sub3A_610 = vector.broadcast %sub3A_609 : i32 to vector<16xi32>
      %sub3A_611 = arith.subi %and3A_593, %sub3A_610 : vector<16xi32>
      %max3A_612 = arith.constant 0 : i32
      %max3A_613 = vector.broadcast %max3A_612 : i32 to vector<16xi32>
      %max3A_614 = arith.maxsi %sub3A_611, %max3A_613 : vector<16xi32>
      %sub3A_615 = arith.constant 1 : i32
      %sub3A_616 = vector.broadcast %sub3A_615 : i32 to vector<16xi32>
      %sub3A_617 = arith.subi %and3A_605, %sub3A_616 : vector<16xi32>
      %max3A_618 = arith.constant 0 : i32
      %max3A_619 = vector.broadcast %max3A_618 : i32 to vector<16xi32>
      %max3A_620 = arith.maxsi %sub3A_617, %max3A_619 : vector<16xi32>
      %ge3A_621 = arith.constant 1 : i32
      %ge3A_622 = vector.broadcast %ge3A_621 : i32 to vector<16xi32>
      %ge3A_623 = arith.cmpi sge, %and3A_599, %ge3A_622 : vector<16xi32>
      %le3A_624 = arith.constant 12 : i32
      %le3A_625 = vector.broadcast %le3A_624 : i32 to vector<16xi32>
      %le3A_626 = arith.cmpi sle, %and3A_599, %le3A_625 : vector<16xi32>
      %and3A_627 = arith.andi %ge3A_623, %le3A_626 : vector<16xi1>
      %sub3A_628 = arith.constant 1 : i32
      %sub3A_629 = vector.broadcast %sub3A_628 : i32 to vector<16xi32>
      %sub3A_630 = arith.subi %and3A_599, %sub3A_629 : vector<16xi32>
      %jit3A_631 = arith.constant 0 : i32
      %broadcast_in_dim3A_632 = vector.broadcast %jit3A_631 : i32 to vector<16xi32>
      %select_n3A_633 = arith.select %and3A_627, %sub3A_630, %broadcast_in_dim3A_632 : vector<16xi1>, vector<16xi32>
      %ge3A_634 = arith.constant 1 : i32
      %ge3A_635 = vector.broadcast %ge3A_634 : i32 to vector<16xi32>
      %ge3A_636 = arith.cmpi sge, %shift_right_logical3A_608, %ge3A_635 : vector<16xi32>
      %le3A_637 = arith.constant 12 : i32
      %le3A_638 = vector.broadcast %le3A_637 : i32 to vector<16xi32>
      %le3A_639 = arith.cmpi sle, %shift_right_logical3A_608, %le3A_638 : vector<16xi32>
      %and3A_640 = arith.andi %ge3A_636, %le3A_639 : vector<16xi1>
      %sub3A_641 = arith.constant 1 : i32
      %sub3A_642 = vector.broadcast %sub3A_641 : i32 to vector<16xi32>
      %sub3A_643 = arith.subi %shift_right_logical3A_608, %sub3A_642 : vector<16xi32>
      %jit3A_644 = arith.constant 0 : i32
      %broadcast_in_dim3A_645 = vector.broadcast %jit3A_644 : i32 to vector<16xi32>
      %select_n3A_646 = arith.select %and3A_640, %sub3A_643, %broadcast_in_dim3A_645 : vector<16xi1>, vector<16xi32>
      %mul3A_647 = arith.constant 32 : i32
      %mul3A_648 = vector.broadcast %mul3A_647 : i32 to vector<16xi32>
      %mul3A_649 = arith.muli %max3A_614, %mul3A_648 : vector<16xi32>
      %add3A_650 = arith.addi %mul3A_649, %max3A_620 : vector<16xi32>
      %swap3A_651 = arith.constant 0 : i32
      %swap3A_652 = arith.index_cast %swap3A_651 : i32 to index
      %swap3A_653 = arith.constant 112 : index
      %swap3A_654 = tpu.vector_load %arg9[%swap3A_652, %swap3A_653] {strides = array<i32>} : memref<2x128xi32, #tpu.memory_space<vmem>>, vector<16xi32>,
      tpu.vector_store %arg9[%swap3A_652, %swap3A_653], %add3A_650 {strides = array<i32>} : memref<2x128xi32, #tpu.memory_space<vmem>>, vector<16xi32>,
      %mul3A_655 = arith.constant 16 : i32
      %mul3A_656 = vector.broadcast %mul3A_655 : i32 to vector<16xi32>
      %mul3A_657 = arith.muli %select_n3A_633, %mul3A_656 : vector<16xi32>
      %add3A_658 = arith.addi %mul3A_657, %select_n3A_646 : vector<16xi32>
      %swap3A_659 = arith.constant 0 : i32
      %swap3A_660 = arith.index_cast %swap3A_659 : i32 to index
      %swap3A_661 = arith.constant 112 : index
      %swap3A_662 = tpu.vector_load %arg10[%swap3A_660, %swap3A_661] {strides = array<i32>} : memref<2x128xi32, #tpu.memory_space<vmem>>, vector<16xi32>,
      tpu.vector_store %arg10[%swap3A_660, %swap3A_661], %add3A_658 {strides = array<i32>} : memref<2x128xi32, #tpu.memory_space<vmem>>, vector<16xi32>,
      %add3A_663 = arith.constant 128 : i32
      %add3A_664 = arith.addi %mul3A_50, %add3A_663 : i32
      %get3A_665 = arith.index_cast %add3A_664 : i32 to index
      %get3A_666 = tpu.vector_load %arg8[%get3A_665] {strides = array<i32>} : memref<1024xi32, #tpu.memory_space<vmem>>, vector<16xi32>,
      %and3A_667 = arith.constant 255 : i32
      %and3A_668 = vector.broadcast %and3A_667 : i32 to vector<16xi32>
      %and3A_669 = arith.andi %get3A_666, %and3A_668 : vector<16xi32>
      %shift_right_logical3A_670 = arith.constant 8 : i32
      %shift_right_logical3A_671 = vector.broadcast %shift_right_logical3A_670 : i32 to vector<16xi32>
      %shift_right_logical3A_672 = arith.shrui %get3A_666, %shift_right_logical3A_671 : vector<16xi32>
      %and3A_673 = arith.constant 255 : i32
      %and3A_674 = vector.broadcast %and3A_673 : i32 to vector<16xi32>
      %and3A_675 = arith.andi %shift_right_logical3A_672, %and3A_674 : vector<16xi32>
      %shift_right_logical3A_676 = arith.constant 16 : i32
      %shift_right_logical3A_677 = vector.broadcast %shift_right_logical3A_676 : i32 to vector<16xi32>
      %shift_right_logical3A_678 = arith.shrui %get3A_666, %shift_right_logical3A_677 : vector<16xi32>
      %and3A_679 = arith.constant 255 : i32
      %and3A_680 = vector.broadcast %and3A_679 : i32 to vector<16xi32>
      %and3A_681 = arith.andi %shift_right_logical3A_678, %and3A_680 : vector<16xi32>
      %shift_right_logical3A_682 = arith.constant 24 : i32
      %shift_right_logical3A_683 = vector.broadcast %shift_right_logical3A_682 : i32 to vector<16xi32>
      %shift_right_logical3A_684 = arith.shrui %get3A_666, %shift_right_logical3A_683 : vector<16xi32>
      %sub3A_685 = arith.constant 1 : i32
      %sub3A_686 = vector.broadcast %sub3A_685 : i32 to vector<16xi32>
      %sub3A_687 = arith.subi %and3A_669, %sub3A_686 : vector<16xi32>
      %max3A_688 = arith.constant 0 : i32
      %max3A_689 = vector.broadcast %max3A_688 : i32 to vector<16xi32>
      %max3A_690 = arith.maxsi %sub3A_687, %max3A_689 : vector<16xi32>
      %sub3A_691 = arith.constant 1 : i32
      %sub3A_692 = vector.broadcast %sub3A_691 : i32 to vector<16xi32>
      %sub3A_693 = arith.subi %and3A_681, %sub3A_692 : vector<16xi32>
      %max3A_694 = arith.constant 0 : i32
      %max3A_695 = vector.broadcast %max3A_694 : i32 to vector<16xi32>
      %max3A_696 = arith.maxsi %sub3A_693, %max3A_695 : vector<16xi32>
      %ge3A_697 = arith.constant 1 : i32
      %ge3A_698 = vector.broadcast %ge3A_697 : i32 to vector<16xi32>
      %ge3A_699 = arith.cmpi sge, %and3A_675, %ge3A_698 : vector<16xi32>
      %le3A_700 = arith.constant 12 : i32
      %le3A_701 = vector.broadcast %le3A_700 : i32 to vector<16xi32>
      %le3A_702 = arith.cmpi sle, %and3A_675, %le3A_701 : vector<16xi32>
      %and3A_703 = arith.andi %ge3A_699, %le3A_702 : vector<16xi1>
      %sub3A_704 = arith.constant 1 : i32
      %sub3A_705 = vector.broadcast %sub3A_704 : i32 to vector<16xi32>
      %sub3A_706 = arith.subi %and3A_675, %sub3A_705 : vector<16xi32>
      %jit3A_707 = arith.constant 0 : i32
      %broadcast_in_dim3A_708 = vector.broadcast %jit3A_707 : i32 to vector<16xi32>
      %select_n3A_709 = arith.select %and3A_703, %sub3A_706, %broadcast_in_dim3A_708 : vector<16xi1>, vector<16xi32>
      %ge3A_710 = arith.constant 1 : i32
      %ge3A_711 = vector.broadcast %ge3A_710 : i32 to vector<16xi32>
      %ge3A_712 = arith.cmpi sge, %shift_right_logical3A_684, %ge3A_711 : vector<16xi32>
      %le3A_713 = arith.constant 12 : i32
      %le3A_714 = vector.broadcast %le3A_713 : i32 to vector<16xi32>
      %le3A_715 = arith.cmpi sle, %shift_right_logical3A_684, %le3A_714 : vector<16xi32>
      %and3A_716 = arith.andi %ge3A_712, %le3A_715 : vector<16xi1>
      %sub3A_717 = arith.constant 1 : i32
      %sub3A_718 = vector.broadcast %sub3A_717 : i32 to vector<16xi32>
      %sub3A_719 = arith.subi %shift_right_logical3A_684, %sub3A_718 : vector<16xi32>
      %jit3A_720 = arith.constant 0 : i32
      %broadcast_in_dim3A_721 = vector.broadcast %jit3A_720 : i32 to vector<16xi32>
      %select_n3A_722 = arith.select %and3A_716, %sub3A_719, %broadcast_in_dim3A_721 : vector<16xi1>, vector<16xi32>
      %mul3A_723 = arith.constant 32 : i32
      %mul3A_724 = vector.broadcast %mul3A_723 : i32 to vector<16xi32>
      %mul3A_725 = arith.muli %max3A_690, %mul3A_724 : vector<16xi32>
      %add3A_726 = arith.addi %mul3A_725, %max3A_696 : vector<16xi32>
      %swap3A_727 = arith.constant 1 : i32
      %swap3A_728 = arith.index_cast %swap3A_727 : i32 to index
      %swap3A_729 = arith.constant 0 : index
      %swap3A_730 = tpu.vector_load %arg9[%swap3A_728, %swap3A_729] {strides = array<i32>} : memref<2x128xi32, #tpu.memory_space<vmem>>, vector<16xi32>,
      tpu.vector_store %arg9[%swap3A_728, %swap3A_729], %add3A_726 {strides = array<i32>} : memref<2x128xi32, #tpu.memory_space<vmem>>, vector<16xi32>,
      %mul3A_731 = arith.constant 16 : i32
      %mul3A_732 = vector.broadcast %mul3A_731 : i32 to vector<16xi32>
      %mul3A_733 = arith.muli %select_n3A_709, %mul3A_732 : vector<16xi32>
      %add3A_734 = arith.addi %mul3A_733, %select_n3A_722 : vector<16xi32>
      %swap3A_735 = arith.constant 1 : i32
      %swap3A_736 = arith.index_cast %swap3A_735 : i32 to index
      %swap3A_737 = arith.constant 0 : index
      %swap3A_738 = tpu.vector_load %arg10[%swap3A_736, %swap3A_737] {strides = array<i32>} : memref<2x128xi32, #tpu.memory_space<vmem>>, vector<16xi32>,
      tpu.vector_store %arg10[%swap3A_736, %swap3A_737], %add3A_734 {strides = array<i32>} : memref<2x128xi32, #tpu.memory_space<vmem>>, vector<16xi32>,
      %add3A_739 = arith.constant 144 : i32
      %add3A_740 = arith.addi %mul3A_50, %add3A_739 : i32
      %get3A_741 = arith.index_cast %add3A_740 : i32 to index
      %get3A_742 = tpu.vector_load %arg8[%get3A_741] {strides = array<i32>} : memref<1024xi32, #tpu.memory_space<vmem>>, vector<16xi32>,
      %and3A_743 = arith.constant 255 : i32
      %and3A_744 = vector.broadcast %and3A_743 : i32 to vector<16xi32>
      %and3A_745 = arith.andi %get3A_742, %and3A_744 : vector<16xi32>
      %shift_right_logical3A_746 = arith.constant 8 : i32
      %shift_right_logical3A_747 = vector.broadcast %shift_right_logical3A_746 : i32 to vector<16xi32>
      %shift_right_logical3A_748 = arith.shrui %get3A_742, %shift_right_logical3A_747 : vector<16xi32>
      %and3A_749 = arith.constant 255 : i32
      %and3A_750 = vector.broadcast %and3A_749 : i32 to vector<16xi32>
      %and3A_751 = arith.andi %shift_right_logical3A_748, %and3A_750 : vector<16xi32>
      %shift_right_logical3A_752 = arith.constant 16 : i32
      %shift_right_logical3A_753 = vector.broadcast %shift_right_logical3A_752 : i32 to vector<16xi32>
      %shift_right_logical3A_754 = arith.shrui %get3A_742, %shift_right_logical3A_753 : vector<16xi32>
      %and3A_755 = arith.constant 255 : i32
      %and3A_756 = vector.broadcast %and3A_755 : i32 to vector<16xi32>
      %and3A_757 = arith.andi %shift_right_logical3A_754, %and3A_756 : vector<16xi32>
      %shift_right_logical3A_758 = arith.constant 24 : i32
      %shift_right_logical3A_759 = vector.broadcast %shift_right_logical3A_758 : i32 to vector<16xi32>
      %shift_right_logical3A_760 = arith.shrui %get3A_742, %shift_right_logical3A_759 : vector<16xi32>
      %sub3A_761 = arith.constant 1 : i32
      %sub3A_762 = vector.broadcast %sub3A_761 : i32 to vector<16xi32>
      %sub3A_763 = arith.subi %and3A_745, %sub3A_762 : vector<16xi32>
      %max3A_764 = arith.constant 0 : i32
      %max3A_765 = vector.broadcast %max3A_764 : i32 to vector<16xi32>
      %max3A_766 = arith.maxsi %sub3A_763, %max3A_765 : vector<16xi32>
      %sub3A_767 = arith.constant 1 : i32
      %sub3A_768 = vector.broadcast %sub3A_767 : i32 to vector<16xi32>
      %sub3A_769 = arith.subi %and3A_757, %sub3A_768 : vector<16xi32>
      %max3A_770 = arith.constant 0 : i32
      %max3A_771 = vector.broadcast %max3A_770 : i32 to vector<16xi32>
      %max3A_772 = arith.maxsi %sub3A_769, %max3A_771 : vector<16xi32>
      %ge3A_773 = arith.constant 1 : i32
      %ge3A_774 = vector.broadcast %ge3A_773 : i32 to vector<16xi32>
      %ge3A_775 = arith.cmpi sge, %and3A_751, %ge3A_774 : vector<16xi32>
      %le3A_776 = arith.constant 12 : i32
      %le3A_777 = vector.broadcast %le3A_776 : i32 to vector<16xi32>
      %le3A_778 = arith.cmpi sle, %and3A_751, %le3A_777 : vector<16xi32>
      %and3A_779 = arith.andi %ge3A_775, %le3A_778 : vector<16xi1>
      %sub3A_780 = arith.constant 1 : i32
      %sub3A_781 = vector.broadcast %sub3A_780 : i32 to vector<16xi32>
      %sub3A_782 = arith.subi %and3A_751, %sub3A_781 : vector<16xi32>
      %jit3A_783 = arith.constant 0 : i32
      %broadcast_in_dim3A_784 = vector.broadcast %jit3A_783 : i32 to vector<16xi32>
      %select_n3A_785 = arith.select %and3A_779, %sub3A_782, %broadcast_in_dim3A_784 : vector<16xi1>, vector<16xi32>
      %ge3A_786 = arith.constant 1 : i32
      %ge3A_787 = vector.broadcast %ge3A_786 : i32 to vector<16xi32>
      %ge3A_788 = arith.cmpi sge, %shift_right_logical3A_760, %ge3A_787 : vector<16xi32>
      %le3A_789 = arith.constant 12 : i32
      %le3A_790 = vector.broadcast %le3A_789 : i32 to vector<16xi32>
      %le3A_791 = arith.cmpi sle, %shift_right_logical3A_760, %le3A_790 : vector<16xi32>
      %and3A_792 = arith.andi %ge3A_788, %le3A_791 : vector<16xi1>
      %sub3A_793 = arith.constant 1 : i32
      %sub3A_794 = vector.broadcast %sub3A_793 : i32 to vector<16xi32>
      %sub3A_795 = arith.subi %shift_right_logical3A_760, %sub3A_794 : vector<16xi32>
      %jit3A_796 = arith.constant 0 : i32
      %broadcast_in_dim3A_797 = vector.broadcast %jit3A_796 : i32 to vector<16xi32>
      %select_n3A_798 = arith.select %and3A_792, %sub3A_795, %broadcast_in_dim3A_797 : vector<16xi1>, vector<16xi32>
      %mul3A_799 = arith.constant 32 : i32
      %mul3A_800 = vector.broadcast %mul3A_799 : i32 to vector<16xi32>
      %mul3A_801 = arith.muli %max3A_766, %mul3A_800 : vector<16xi32>
      %add3A_802 = arith.addi %mul3A_801, %max3A_772 : vector<16xi32>
      %swap3A_803 = arith.constant 1 : i32
      %swap3A_804 = arith.index_cast %swap3A_803 : i32 to index
      %swap3A_805 = arith.constant 16 : index
      %swap3A_806 = tpu.vector_load %arg9[%swap3A_804, %swap3A_805] {strides = array<i32>} : memref<2x128xi32, #tpu.memory_space<vmem>>, vector<16xi32>,
      tpu.vector_store %arg9[%swap3A_804, %swap3A_805], %add3A_802 {strides = array<i32>} : memref<2x128xi32, #tpu.memory_space<vmem>>, vector<16xi32>,
      %mul3A_807 = arith.constant 16 : i32
      %mul3A_808 = vector.broadcast %mul3A_807 : i32 to vector<16xi32>
      %mul3A_809 = arith.muli %select_n3A_785, %mul3A_808 : vector<16xi32>
      %add3A_810 = arith.addi %mul3A_809, %select_n3A_798 : vector<16xi32>
      %swap3A_811 = arith.constant 1 : i32
      %swap3A_812 = arith.index_cast %swap3A_811 : i32 to index
      %swap3A_813 = arith.constant 16 : index
      %swap3A_814 = tpu.vector_load %arg10[%swap3A_812, %swap3A_813] {strides = array<i32>} : memref<2x128xi32, #tpu.memory_space<vmem>>, vector<16xi32>,
      tpu.vector_store %arg10[%swap3A_812, %swap3A_813], %add3A_810 {strides = array<i32>} : memref<2x128xi32, #tpu.memory_space<vmem>>, vector<16xi32>,
      %add3A_815 = arith.constant 160 : i32
      %add3A_816 = arith.addi %mul3A_50, %add3A_815 : i32
      %get3A_817 = arith.index_cast %add3A_816 : i32 to index
      %get3A_818 = tpu.vector_load %arg8[%get3A_817] {strides = array<i32>} : memref<1024xi32, #tpu.memory_space<vmem>>, vector<16xi32>,
      %and3A_819 = arith.constant 255 : i32
      %and3A_820 = vector.broadcast %and3A_819 : i32 to vector<16xi32>
      %and3A_821 = arith.andi %get3A_818, %and3A_820 : vector<16xi32>
      %shift_right_logical3A_822 = arith.constant 8 : i32
      %shift_right_logical3A_823 = vector.broadcast %shift_right_logical3A_822 : i32 to vector<16xi32>
      %shift_right_logical3A_824 = arith.shrui %get3A_818, %shift_right_logical3A_823 : vector<16xi32>
      %and3A_825 = arith.constant 255 : i32
      %and3A_826 = vector.broadcast %and3A_825 : i32 to vector<16xi32>
      %and3A_827 = arith.andi %shift_right_logical3A_824, %and3A_826 : vector<16xi32>
      %shift_right_logical3A_828 = arith.constant 16 : i32
      %shift_right_logical3A_829 = vector.broadcast %shift_right_logical3A_828 : i32 to vector<16xi32>
      %shift_right_logical3A_830 = arith.shrui %get3A_818, %shift_right_logical3A_829 : vector<16xi32>
      %and3A_831 = arith.constant 255 : i32
      %and3A_832 = vector.broadcast %and3A_831 : i32 to vector<16xi32>
      %and3A_833 = arith.andi %shift_right_logical3A_830, %and3A_832 : vector<16xi32>
      %shift_right_logical3A_834 = arith.constant 24 : i32
      %shift_right_logical3A_835 = vector.broadcast %shift_right_logical3A_834 : i32 to vector<16xi32>
      %shift_right_logical3A_836 = arith.shrui %get3A_818, %shift_right_logical3A_835 : vector<16xi32>
      %sub3A_837 = arith.constant 1 : i32
      %sub3A_838 = vector.broadcast %sub3A_837 : i32 to vector<16xi32>
      %sub3A_839 = arith.subi %and3A_821, %sub3A_838 : vector<16xi32>
      %max3A_840 = arith.constant 0 : i32
      %max3A_841 = vector.broadcast %max3A_840 : i32 to vector<16xi32>
      %max3A_842 = arith.maxsi %sub3A_839, %max3A_841 : vector<16xi32>
      %sub3A_843 = arith.constant 1 : i32
      %sub3A_844 = vector.broadcast %sub3A_843 : i32 to vector<16xi32>
      %sub3A_845 = arith.subi %and3A_833, %sub3A_844 : vector<16xi32>
      %max3A_846 = arith.constant 0 : i32
      %max3A_847 = vector.broadcast %max3A_846 : i32 to vector<16xi32>
      %max3A_848 = arith.maxsi %sub3A_845, %max3A_847 : vector<16xi32>
      %ge3A_849 = arith.constant 1 : i32
      %ge3A_850 = vector.broadcast %ge3A_849 : i32 to vector<16xi32>
      %ge3A_851 = arith.cmpi sge, %and3A_827, %ge3A_850 : vector<16xi32>
      %le3A_852 = arith.constant 12 : i32
      %le3A_853 = vector.broadcast %le3A_852 : i32 to vector<16xi32>
      %le3A_854 = arith.cmpi sle, %and3A_827, %le3A_853 : vector<16xi32>
      %and3A_855 = arith.andi %ge3A_851, %le3A_854 : vector<16xi1>
      %sub3A_856 = arith.constant 1 : i32
      %sub3A_857 = vector.broadcast %sub3A_856 : i32 to vector<16xi32>
      %sub3A_858 = arith.subi %and3A_827, %sub3A_857 : vector<16xi32>
      %jit3A_859 = arith.constant 0 : i32
      %broadcast_in_dim3A_860 = vector.broadcast %jit3A_859 : i32 to vector<16xi32>
      %select_n3A_861 = arith.select %and3A_855, %sub3A_858, %broadcast_in_dim3A_860 : vector<16xi1>, vector<16xi32>
      %ge3A_862 = arith.constant 1 : i32
      %ge3A_863 = vector.broadcast %ge3A_862 : i32 to vector<16xi32>
      %ge3A_864 = arith.cmpi sge, %shift_right_logical3A_836, %ge3A_863 : vector<16xi32>
      %le3A_865 = arith.constant 12 : i32
      %le3A_866 = vector.broadcast %le3A_865 : i32 to vector<16xi32>
      %le3A_867 = arith.cmpi sle, %shift_right_logical3A_836, %le3A_866 : vector<16xi32>
      %and3A_868 = arith.andi %ge3A_864, %le3A_867 : vector<16xi1>
      %sub3A_869 = arith.constant 1 : i32
      %sub3A_870 = vector.broadcast %sub3A_869 : i32 to vector<16xi32>
      %sub3A_871 = arith.subi %shift_right_logical3A_836, %sub3A_870 : vector<16xi32>
      %jit3A_872 = arith.constant 0 : i32
      %broadcast_in_dim3A_873 = vector.broadcast %jit3A_872 : i32 to vector<16xi32>
      %select_n3A_874 = arith.select %and3A_868, %sub3A_871, %broadcast_in_dim3A_873 : vector<16xi1>, vector<16xi32>
      %mul3A_875 = arith.constant 32 : i32
      %mul3A_876 = vector.broadcast %mul3A_875 : i32 to vector<16xi32>
      %mul3A_877 = arith.muli %max3A_842, %mul3A_876 : vector<16xi32>
      %add3A_878 = arith.addi %mul3A_877, %max3A_848 : vector<16xi32>
      %swap3A_879 = arith.constant 1 : i32
      %swap3A_880 = arith.index_cast %swap3A_879 : i32 to index
      %swap3A_881 = arith.constant 32 : index
      %swap3A_882 = tpu.vector_load %arg9[%swap3A_880, %swap3A_881] {strides = array<i32>} : memref<2x128xi32, #tpu.memory_space<vmem>>, vector<16xi32>,
      tpu.vector_store %arg9[%swap3A_880, %swap3A_881], %add3A_878 {strides = array<i32>} : memref<2x128xi32, #tpu.memory_space<vmem>>, vector<16xi32>,
      %mul3A_883 = arith.constant 16 : i32
      %mul3A_884 = vector.broadcast %mul3A_883 : i32 to vector<16xi32>
      %mul3A_885 = arith.muli %select_n3A_861, %mul3A_884 : vector<16xi32>
      %add3A_886 = arith.addi %mul3A_885, %select_n3A_874 : vector<16xi32>
      %swap3A_887 = arith.constant 1 : i32
      %swap3A_888 = arith.index_cast %swap3A_887 : i32 to index
      %swap3A_889 = arith.constant 32 : index
      %swap3A_890 = tpu.vector_load %arg10[%swap3A_888, %swap3A_889] {strides = array<i32>} : memref<2x128xi32, #tpu.memory_space<vmem>>, vector<16xi32>,
      tpu.vector_store %arg10[%swap3A_888, %swap3A_889], %add3A_886 {strides = array<i32>} : memref<2x128xi32, #tpu.memory_space<vmem>>, vector<16xi32>,
      %add3A_891 = arith.constant 176 : i32
      %add3A_892 = arith.addi %mul3A_50, %add3A_891 : i32
      %get3A_893 = arith.index_cast %add3A_892 : i32 to index
      %get3A_894 = tpu.vector_load %arg8[%get3A_893] {strides = array<i32>} : memref<1024xi32, #tpu.memory_space<vmem>>, vector<16xi32>,
      %and3A_895 = arith.constant 255 : i32
      %and3A_896 = vector.broadcast %and3A_895 : i32 to vector<16xi32>
      %and3A_897 = arith.andi %get3A_894, %and3A_896 : vector<16xi32>
      %shift_right_logical3A_898 = arith.constant 8 : i32
      %shift_right_logical3A_899 = vector.broadcast %shift_right_logical3A_898 : i32 to vector<16xi32>
      %shift_right_logical3A_900 = arith.shrui %get3A_894, %shift_right_logical3A_899 : vector<16xi32>
      %and3A_901 = arith.constant 255 : i32
      %and3A_902 = vector.broadcast %and3A_901 : i32 to vector<16xi32>
      %and3A_903 = arith.andi %shift_right_logical3A_900, %and3A_902 : vector<16xi32>
      %shift_right_logical3A_904 = arith.constant 16 : i32
      %shift_right_logical3A_905 = vector.broadcast %shift_right_logical3A_904 : i32 to vector<16xi32>
      %shift_right_logical3A_906 = arith.shrui %get3A_894, %shift_right_logical3A_905 : vector<16xi32>
      %and3A_907 = arith.constant 255 : i32
      %and3A_908 = vector.broadcast %and3A_907 : i32 to vector<16xi32>
      %and3A_909 = arith.andi %shift_right_logical3A_906, %and3A_908 : vector<16xi32>
      %shift_right_logical3A_910 = arith.constant 24 : i32
      %shift_right_logical3A_911 = vector.broadcast %shift_right_logical3A_910 : i32 to vector<16xi32>
      %shift_right_logical3A_912 = arith.shrui %get3A_894, %shift_right_logical3A_911 : vector<16xi32>
      %sub3A_913 = arith.constant 1 : i32
      %sub3A_914 = vector.broadcast %sub3A_913 : i32 to vector<16xi32>
      %sub3A_915 = arith.subi %and3A_897, %sub3A_914 : vector<16xi32>
      %max3A_916 = arith.constant 0 : i32
      %max3A_917 = vector.broadcast %max3A_916 : i32 to vector<16xi32>
      %max3A_918 = arith.maxsi %sub3A_915, %max3A_917 : vector<16xi32>
      %sub3A_919 = arith.constant 1 : i32
      %sub3A_920 = vector.broadcast %sub3A_919 : i32 to vector<16xi32>
      %sub3A_921 = arith.subi %and3A_909, %sub3A_920 : vector<16xi32>
      %max3A_922 = arith.constant 0 : i32
      %max3A_923 = vector.broadcast %max3A_922 : i32 to vector<16xi32>
      %max3A_924 = arith.maxsi %sub3A_921, %max3A_923 : vector<16xi32>
      %ge3A_925 = arith.constant 1 : i32
      %ge3A_926 = vector.broadcast %ge3A_925 : i32 to vector<16xi32>
      %ge3A_927 = arith.cmpi sge, %and3A_903, %ge3A_926 : vector<16xi32>
      %le3A_928 = arith.constant 12 : i32
      %le3A_929 = vector.broadcast %le3A_928 : i32 to vector<16xi32>
      %le3A_930 = arith.cmpi sle, %and3A_903, %le3A_929 : vector<16xi32>
      %and3A_931 = arith.andi %ge3A_927, %le3A_930 : vector<16xi1>
      %sub3A_932 = arith.constant 1 : i32
      %sub3A_933 = vector.broadcast %sub3A_932 : i32 to vector<16xi32>
      %sub3A_934 = arith.subi %and3A_903, %sub3A_933 : vector<16xi32>
      %jit3A_935 = arith.constant 0 : i32
      %broadcast_in_dim3A_936 = vector.broadcast %jit3A_935 : i32 to vector<16xi32>
      %select_n3A_937 = arith.select %and3A_931, %sub3A_934, %broadcast_in_dim3A_936 : vector<16xi1>, vector<16xi32>
      %ge3A_938 = arith.constant 1 : i32
      %ge3A_939 = vector.broadcast %ge3A_938 : i32 to vector<16xi32>
      %ge3A_940 = arith.cmpi sge, %shift_right_logical3A_912, %ge3A_939 : vector<16xi32>
      %le3A_941 = arith.constant 12 : i32
      %le3A_942 = vector.broadcast %le3A_941 : i32 to vector<16xi32>
      %le3A_943 = arith.cmpi sle, %shift_right_logical3A_912, %le3A_942 : vector<16xi32>
      %and3A_944 = arith.andi %ge3A_940, %le3A_943 : vector<16xi1>
      %sub3A_945 = arith.constant 1 : i32
      %sub3A_946 = vector.broadcast %sub3A_945 : i32 to vector<16xi32>
      %sub3A_947 = arith.subi %shift_right_logical3A_912, %sub3A_946 : vector<16xi32>
      %jit3A_948 = arith.constant 0 : i32
      %broadcast_in_dim3A_949 = vector.broadcast %jit3A_948 : i32 to vector<16xi32>
      %select_n3A_950 = arith.select %and3A_944, %sub3A_947, %broadcast_in_dim3A_949 : vector<16xi1>, vector<16xi32>
      %mul3A_951 = arith.constant 32 : i32
      %mul3A_952 = vector.broadcast %mul3A_951 : i32 to vector<16xi32>
      %mul3A_953 = arith.muli %max3A_918, %mul3A_952 : vector<16xi32>
      %add3A_954 = arith.addi %mul3A_953, %max3A_924 : vector<16xi32>
      %swap3A_955 = arith.constant 1 : i32
      %swap3A_956 = arith.index_cast %swap3A_955 : i32 to index
      %swap3A_957 = arith.constant 48 : index
      %swap3A_958 = tpu.vector_load %arg9[%swap3A_956, %swap3A_957] {strides = array<i32>} : memref<2x128xi32, #tpu.memory_space<vmem>>, vector<16xi32>,
      tpu.vector_store %arg9[%swap3A_956, %swap3A_957], %add3A_954 {strides = array<i32>} : memref<2x128xi32, #tpu.memory_space<vmem>>, vector<16xi32>,
      %mul3A_959 = arith.constant 16 : i32
      %mul3A_960 = vector.broadcast %mul3A_959 : i32 to vector<16xi32>
      %mul3A_961 = arith.muli %select_n3A_937, %mul3A_960 : vector<16xi32>
      %add3A_962 = arith.addi %mul3A_961, %select_n3A_950 : vector<16xi32>
      %swap3A_963 = arith.constant 1 : i32
      %swap3A_964 = arith.index_cast %swap3A_963 : i32 to index
      %swap3A_965 = arith.constant 48 : index
      %swap3A_966 = tpu.vector_load %arg10[%swap3A_964, %swap3A_965] {strides = array<i32>} : memref<2x128xi32, #tpu.memory_space<vmem>>, vector<16xi32>,
      tpu.vector_store %arg10[%swap3A_964, %swap3A_965], %add3A_962 {strides = array<i32>} : memref<2x128xi32, #tpu.memory_space<vmem>>, vector<16xi32>,
      %add3A_967 = arith.constant 192 : i32
      %add3A_968 = arith.addi %mul3A_50, %add3A_967 : i32
      %get3A_969 = arith.index_cast %add3A_968 : i32 to index
      %get3A_970 = tpu.vector_load %arg8[%get3A_969] {strides = array<i32>} : memref<1024xi32, #tpu.memory_space<vmem>>, vector<16xi32>,
      %and3A_971 = arith.constant 255 : i32
      %and3A_972 = vector.broadcast %and3A_971 : i32 to vector<16xi32>
      %and3A_973 = arith.andi %get3A_970, %and3A_972 : vector<16xi32>
      %shift_right_logical3A_974 = arith.constant 8 : i32
      %shift_right_logical3A_975 = vector.broadcast %shift_right_logical3A_974 : i32 to vector<16xi32>
      %shift_right_logical3A_976 = arith.shrui %get3A_970, %shift_right_logical3A_975 : vector<16xi32>
      %and3A_977 = arith.constant 255 : i32
      %and3A_978 = vector.broadcast %and3A_977 : i32 to vector<16xi32>
      %and3A_979 = arith.andi %shift_right_logical3A_976, %and3A_978 : vector<16xi32>
      %shift_right_logical3A_980 = arith.constant 16 : i32
      %shift_right_logical3A_981 = vector.broadcast %shift_right_logical3A_980 : i32 to vector<16xi32>
      %shift_right_logical3A_982 = arith.shrui %get3A_970, %shift_right_logical3A_981 : vector<16xi32>
      %and3A_983 = arith.constant 255 : i32
      %and3A_984 = vector.broadcast %and3A_983 : i32 to vector<16xi32>
      %and3A_985 = arith.andi %shift_right_logical3A_982, %and3A_984 : vector<16xi32>
      %shift_right_logical3A_986 = arith.constant 24 : i32
      %shift_right_logical3A_987 = vector.broadcast %shift_right_logical3A_986 : i32 to vector<16xi32>
      %shift_right_logical3A_988 = arith.shrui %get3A_970, %shift_right_logical3A_987 : vector<16xi32>
      %sub3A_989 = arith.constant 1 : i32
      %sub3A_990 = vector.broadcast %sub3A_989 : i32 to vector<16xi32>
      %sub3A_991 = arith.subi %and3A_973, %sub3A_990 : vector<16xi32>
      %max3A_992 = arith.constant 0 : i32
      %max3A_993 = vector.broadcast %max3A_992 : i32 to vector<16xi32>
      %max3A_994 = arith.maxsi %sub3A_991, %max3A_993 : vector<16xi32>
      %sub3A_995 = arith.constant 1 : i32
      %sub3A_996 = vector.broadcast %sub3A_995 : i32 to vector<16xi32>
      %sub3A_997 = arith.subi %and3A_985, %sub3A_996 : vector<16xi32>
      %max3A_998 = arith.constant 0 : i32
      %max3A_999 = vector.broadcast %max3A_998 : i32 to vector<16xi32>
      %max3A_1000 = arith.maxsi %sub3A_997, %max3A_999 : vector<16xi32>
      %ge3A_1001 = arith.constant 1 : i32
      %ge3A_1002 = vector.broadcast %ge3A_1001 : i32 to vector<16xi32>
      %ge3A_1003 = arith.cmpi sge, %and3A_979, %ge3A_1002 : vector<16xi32>
      %le3A_1004 = arith.constant 12 : i32
      %le3A_1005 = vector.broadcast %le3A_1004 : i32 to vector<16xi32>
      %le3A_1006 = arith.cmpi sle, %and3A_979, %le3A_1005 : vector<16xi32>
      %and3A_1007 = arith.andi %ge3A_1003, %le3A_1006 : vector<16xi1>
      %sub3A_1008 = arith.constant 1 : i32
      %sub3A_1009 = vector.broadcast %sub3A_1008 : i32 to vector<16xi32>
      %sub3A_1010 = arith.subi %and3A_979, %sub3A_1009 : vector<16xi32>
      %jit3A_1011 = arith.constant 0 : i32
      %broadcast_in_dim3A_1012 = vector.broadcast %jit3A_1011 : i32 to vector<16xi32>
      %select_n3A_1013 = arith.select %and3A_1007, %sub3A_1010, %broadcast_in_dim3A_1012 : vector<16xi1>, vector<16xi32>
      %ge3A_1014 = arith.constant 1 : i32
      %ge3A_1015 = vector.broadcast %ge3A_1014 : i32 to vector<16xi32>
      %ge3A_1016 = arith.cmpi sge, %shift_right_logical3A_988, %ge3A_1015 : vector<16xi32>
      %le3A_1017 = arith.constant 12 : i32
      %le3A_1018 = vector.broadcast %le3A_1017 : i32 to vector<16xi32>
      %le3A_1019 = arith.cmpi sle, %shift_right_logical3A_988, %le3A_1018 : vector<16xi32>
      %and3A_1020 = arith.andi %ge3A_1016, %le3A_1019 : vector<16xi1>
      %sub3A_1021 = arith.constant 1 : i32
      %sub3A_1022 = vector.broadcast %sub3A_1021 : i32 to vector<16xi32>
      %sub3A_1023 = arith.subi %shift_right_logical3A_988, %sub3A_1022 : vector<16xi32>
      %jit3A_1024 = arith.constant 0 : i32
      %broadcast_in_dim3A_1025 = vector.broadcast %jit3A_1024 : i32 to vector<16xi32>
      %select_n3A_1026 = arith.select %and3A_1020, %sub3A_1023, %broadcast_in_dim3A_1025 : vector<16xi1>, vector<16xi32>
      %mul3A_1027 = arith.constant 32 : i32
      %mul3A_1028 = vector.broadcast %mul3A_1027 : i32 to vector<16xi32>
      %mul3A_1029 = arith.muli %max3A_994, %mul3A_1028 : vector<16xi32>
      %add3A_1030 = arith.addi %mul3A_1029, %max3A_1000 : vector<16xi32>
      %swap3A_1031 = arith.constant 1 : i32
      %swap3A_1032 = arith.index_cast %swap3A_1031 : i32 to index
      %swap3A_1033 = arith.constant 64 : index
      %swap3A_1034 = tpu.vector_load %arg9[%swap3A_1032, %swap3A_1033] {strides = array<i32>} : memref<2x128xi32, #tpu.memory_space<vmem>>, vector<16xi32>,
      tpu.vector_store %arg9[%swap3A_1032, %swap3A_1033], %add3A_1030 {strides = array<i32>} : memref<2x128xi32, #tpu.memory_space<vmem>>, vector<16xi32>,
      %mul3A_1035 = arith.constant 16 : i32
      %mul3A_1036 = vector.broadcast %mul3A_1035 : i32 to vector<16xi32>
      %mul3A_1037 = arith.muli %select_n3A_1013, %mul3A_1036 : vector<16xi32>
      %add3A_1038 = arith.addi %mul3A_1037, %select_n3A_1026 : vector<16xi32>
      %swap3A_1039 = arith.constant 1 : i32
      %swap3A_1040 = arith.index_cast %swap3A_1039 : i32 to index
      %swap3A_1041 = arith.constant 64 : index
      %swap3A_1042 = tpu.vector_load %arg10[%swap3A_1040, %swap3A_1041] {strides = array<i32>} : memref<2x128xi32, #tpu.memory_space<vmem>>, vector<16xi32>,
      tpu.vector_store %arg10[%swap3A_1040, %swap3A_1041], %add3A_1038 {strides = array<i32>} : memref<2x128xi32, #tpu.memory_space<vmem>>, vector<16xi32>,
      %add3A_1043 = arith.constant 208 : i32
      %add3A_1044 = arith.addi %mul3A_50, %add3A_1043 : i32
      %get3A_1045 = arith.index_cast %add3A_1044 : i32 to index
      %get3A_1046 = tpu.vector_load %arg8[%get3A_1045] {strides = array<i32>} : memref<1024xi32, #tpu.memory_space<vmem>>, vector<16xi32>,
      %and3A_1047 = arith.constant 255 : i32
      %and3A_1048 = vector.broadcast %and3A_1047 : i32 to vector<16xi32>
      %and3A_1049 = arith.andi %get3A_1046, %and3A_1048 : vector<16xi32>
      %shift_right_logical3A_1050 = arith.constant 8 : i32
      %shift_right_logical3A_1051 = vector.broadcast %shift_right_logical3A_1050 : i32 to vector<16xi32>
      %shift_right_logical3A_1052 = arith.shrui %get3A_1046, %shift_right_logical3A_1051 : vector<16xi32>
      %and3A_1053 = arith.constant 255 : i32
      %and3A_1054 = vector.broadcast %and3A_1053 : i32 to vector<16xi32>
      %and3A_1055 = arith.andi %shift_right_logical3A_1052, %and3A_1054 : vector<16xi32>
      %shift_right_logical3A_1056 = arith.constant 16 : i32
      %shift_right_logical3A_1057 = vector.broadcast %shift_right_logical3A_1056 : i32 to vector<16xi32>
      %shift_right_logical3A_1058 = arith.shrui %get3A_1046, %shift_right_logical3A_1057 : vector<16xi32>
      %and3A_1059 = arith.constant 255 : i32
      %and3A_1060 = vector.broadcast %and3A_1059 : i32 to vector<16xi32>
      %and3A_1061 = arith.andi %shift_right_logical3A_1058, %and3A_1060 : vector<16xi32>
      %shift_right_logical3A_1062 = arith.constant 24 : i32
      %shift_right_logical3A_1063 = vector.broadcast %shift_right_logical3A_1062 : i32 to vector<16xi32>
      %shift_right_logical3A_1064 = arith.shrui %get3A_1046, %shift_right_logical3A_1063 : vector<16xi32>
      %sub3A_1065 = arith.constant 1 : i32
      %sub3A_1066 = vector.broadcast %sub3A_1065 : i32 to vector<16xi32>
      %sub3A_1067 = arith.subi %and3A_1049, %sub3A_1066 : vector<16xi32>
      %max3A_1068 = arith.constant 0 : i32
      %max3A_1069 = vector.broadcast %max3A_1068 : i32 to vector<16xi32>
      %max3A_1070 = arith.maxsi %sub3A_1067, %max3A_1069 : vector<16xi32>
      %sub3A_1071 = arith.constant 1 : i32
      %sub3A_1072 = vector.broadcast %sub3A_1071 : i32 to vector<16xi32>
      %sub3A_1073 = arith.subi %and3A_1061, %sub3A_1072 : vector<16xi32>
      %max3A_1074 = arith.constant 0 : i32
      %max3A_1075 = vector.broadcast %max3A_1074 : i32 to vector<16xi32>
      %max3A_1076 = arith.maxsi %sub3A_1073, %max3A_1075 : vector<16xi32>
      %ge3A_1077 = arith.constant 1 : i32
      %ge3A_1078 = vector.broadcast %ge3A_1077 : i32 to vector<16xi32>
      %ge3A_1079 = arith.cmpi sge, %and3A_1055, %ge3A_1078 : vector<16xi32>
      %le3A_1080 = arith.constant 12 : i32
      %le3A_1081 = vector.broadcast %le3A_1080 : i32 to vector<16xi32>
      %le3A_1082 = arith.cmpi sle, %and3A_1055, %le3A_1081 : vector<16xi32>
      %and3A_1083 = arith.andi %ge3A_1079, %le3A_1082 : vector<16xi1>
      %sub3A_1084 = arith.constant 1 : i32
      %sub3A_1085 = vector.broadcast %sub3A_1084 : i32 to vector<16xi32>
      %sub3A_1086 = arith.subi %and3A_1055, %sub3A_1085 : vector<16xi32>
      %jit3A_1087 = arith.constant 0 : i32
      %broadcast_in_dim3A_1088 = vector.broadcast %jit3A_1087 : i32 to vector<16xi32>
      %select_n3A_1089 = arith.select %and3A_1083, %sub3A_1086, %broadcast_in_dim3A_1088 : vector<16xi1>, vector<16xi32>
      %ge3A_1090 = arith.constant 1 : i32
      %ge3A_1091 = vector.broadcast %ge3A_1090 : i32 to vector<16xi32>
      %ge3A_1092 = arith.cmpi sge, %shift_right_logical3A_1064, %ge3A_1091 : vector<16xi32>
      %le3A_1093 = arith.constant 12 : i32
      %le3A_1094 = vector.broadcast %le3A_1093 : i32 to vector<16xi32>
      %le3A_1095 = arith.cmpi sle, %shift_right_logical3A_1064, %le3A_1094 : vector<16xi32>
      %and3A_1096 = arith.andi %ge3A_1092, %le3A_1095 : vector<16xi1>
      %sub3A_1097 = arith.constant 1 : i32
      %sub3A_1098 = vector.broadcast %sub3A_1097 : i32 to vector<16xi32>
      %sub3A_1099 = arith.subi %shift_right_logical3A_1064, %sub3A_1098 : vector<16xi32>
      %jit3A_1100 = arith.constant 0 : i32
      %broadcast_in_dim3A_1101 = vector.broadcast %jit3A_1100 : i32 to vector<16xi32>
      %select_n3A_1102 = arith.select %and3A_1096, %sub3A_1099, %broadcast_in_dim3A_1101 : vector<16xi1>, vector<16xi32>
      %mul3A_1103 = arith.constant 32 : i32
      %mul3A_1104 = vector.broadcast %mul3A_1103 : i32 to vector<16xi32>
      %mul3A_1105 = arith.muli %max3A_1070, %mul3A_1104 : vector<16xi32>
      %add3A_1106 = arith.addi %mul3A_1105, %max3A_1076 : vector<16xi32>
      %swap3A_1107 = arith.constant 1 : i32
      %swap3A_1108 = arith.index_cast %swap3A_1107 : i32 to index
      %swap3A_1109 = arith.constant 80 : index
      %swap3A_1110 = tpu.vector_load %arg9[%swap3A_1108, %swap3A_1109] {strides = array<i32>} : memref<2x128xi32, #tpu.memory_space<vmem>>, vector<16xi32>,
      tpu.vector_store %arg9[%swap3A_1108, %swap3A_1109], %add3A_1106 {strides = array<i32>} : memref<2x128xi32, #tpu.memory_space<vmem>>, vector<16xi32>,
      %mul3A_1111 = arith.constant 16 : i32
      %mul3A_1112 = vector.broadcast %mul3A_1111 : i32 to vector<16xi32>
      %mul3A_1113 = arith.muli %select_n3A_1089, %mul3A_1112 : vector<16xi32>
      %add3A_1114 = arith.addi %mul3A_1113, %select_n3A_1102 : vector<16xi32>
      %swap3A_1115 = arith.constant 1 : i32
      %swap3A_1116 = arith.index_cast %swap3A_1115 : i32 to index
      %swap3A_1117 = arith.constant 80 : index
      %swap3A_1118 = tpu.vector_load %arg10[%swap3A_1116, %swap3A_1117] {strides = array<i32>} : memref<2x128xi32, #tpu.memory_space<vmem>>, vector<16xi32>,
      tpu.vector_store %arg10[%swap3A_1116, %swap3A_1117], %add3A_1114 {strides = array<i32>} : memref<2x128xi32, #tpu.memory_space<vmem>>, vector<16xi32>,
      %add3A_1119 = arith.constant 224 : i32
      %add3A_1120 = arith.addi %mul3A_50, %add3A_1119 : i32
      %get3A_1121 = arith.index_cast %add3A_1120 : i32 to index
      %get3A_1122 = tpu.vector_load %arg8[%get3A_1121] {strides = array<i32>} : memref<1024xi32, #tpu.memory_space<vmem>>, vector<16xi32>,
      %and3A_1123 = arith.constant 255 : i32
      %and3A_1124 = vector.broadcast %and3A_1123 : i32 to vector<16xi32>
      %and3A_1125 = arith.andi %get3A_1122, %and3A_1124 : vector<16xi32>
      %shift_right_logical3A_1126 = arith.constant 8 : i32
      %shift_right_logical3A_1127 = vector.broadcast %shift_right_logical3A_1126 : i32 to vector<16xi32>
      %shift_right_logical3A_1128 = arith.shrui %get3A_1122, %shift_right_logical3A_1127 : vector<16xi32>
      %and3A_1129 = arith.constant 255 : i32
      %and3A_1130 = vector.broadcast %and3A_1129 : i32 to vector<16xi32>
      %and3A_1131 = arith.andi %shift_right_logical3A_1128, %and3A_1130 : vector<16xi32>
      %shift_right_logical3A_1132 = arith.constant 16 : i32
      %shift_right_logical3A_1133 = vector.broadcast %shift_right_logical3A_1132 : i32 to vector<16xi32>
      %shift_right_logical3A_1134 = arith.shrui %get3A_1122, %shift_right_logical3A_1133 : vector<16xi32>
      %and3A_1135 = arith.constant 255 : i32
      %and3A_1136 = vector.broadcast %and3A_1135 : i32 to vector<16xi32>
      %and3A_1137 = arith.andi %shift_right_logical3A_1134, %and3A_1136 : vector<16xi32>
      %shift_right_logical3A_1138 = arith.constant 24 : i32
      %shift_right_logical3A_1139 = vector.broadcast %shift_right_logical3A_1138 : i32 to vector<16xi32>
      %shift_right_logical3A_1140 = arith.shrui %get3A_1122, %shift_right_logical3A_1139 : vector<16xi32>
      %sub3A_1141 = arith.constant 1 : i32
      %sub3A_1142 = vector.broadcast %sub3A_1141 : i32 to vector<16xi32>
      %sub3A_1143 = arith.subi %and3A_1125, %sub3A_1142 : vector<16xi32>
      %max3A_1144 = arith.constant 0 : i32
      %max3A_1145 = vector.broadcast %max3A_1144 : i32 to vector<16xi32>
      %max3A_1146 = arith.maxsi %sub3A_1143, %max3A_1145 : vector<16xi32>
      %sub3A_1147 = arith.constant 1 : i32
      %sub3A_1148 = vector.broadcast %sub3A_1147 : i32 to vector<16xi32>
      %sub3A_1149 = arith.subi %and3A_1137, %sub3A_1148 : vector<16xi32>
      %max3A_1150 = arith.constant 0 : i32
      %max3A_1151 = vector.broadcast %max3A_1150 : i32 to vector<16xi32>
      %max3A_1152 = arith.maxsi %sub3A_1149, %max3A_1151 : vector<16xi32>
      %ge3A_1153 = arith.constant 1 : i32
      %ge3A_1154 = vector.broadcast %ge3A_1153 : i32 to vector<16xi32>
      %ge3A_1155 = arith.cmpi sge, %and3A_1131, %ge3A_1154 : vector<16xi32>
      %le3A_1156 = arith.constant 12 : i32
      %le3A_1157 = vector.broadcast %le3A_1156 : i32 to vector<16xi32>
      %le3A_1158 = arith.cmpi sle, %and3A_1131, %le3A_1157 : vector<16xi32>
      %and3A_1159 = arith.andi %ge3A_1155, %le3A_1158 : vector<16xi1>
      %sub3A_1160 = arith.constant 1 : i32
      %sub3A_1161 = vector.broadcast %sub3A_1160 : i32 to vector<16xi32>
      %sub3A_1162 = arith.subi %and3A_1131, %sub3A_1161 : vector<16xi32>
      %jit3A_1163 = arith.constant 0 : i32
      %broadcast_in_dim3A_1164 = vector.broadcast %jit3A_1163 : i32 to vector<16xi32>
      %select_n3A_1165 = arith.select %and3A_1159, %sub3A_1162, %broadcast_in_dim3A_1164 : vector<16xi1>, vector<16xi32>
      %ge3A_1166 = arith.constant 1 : i32
      %ge3A_1167 = vector.broadcast %ge3A_1166 : i32 to vector<16xi32>
      %ge3A_1168 = arith.cmpi sge, %shift_right_logical3A_1140, %ge3A_1167 : vector<16xi32>
      %le3A_1169 = arith.constant 12 : i32
      %le3A_1170 = vector.broadcast %le3A_1169 : i32 to vector<16xi32>
      %le3A_1171 = arith.cmpi sle, %shift_right_logical3A_1140, %le3A_1170 : vector<16xi32>
      %and3A_1172 = arith.andi %ge3A_1168, %le3A_1171 : vector<16xi1>
      %sub3A_1173 = arith.constant 1 : i32
      %sub3A_1174 = vector.broadcast %sub3A_1173 : i32 to vector<16xi32>
      %sub3A_1175 = arith.subi %shift_right_logical3A_1140, %sub3A_1174 : vector<16xi32>
      %jit3A_1176 = arith.constant 0 : i32
      %broadcast_in_dim3A_1177 = vector.broadcast %jit3A_1176 : i32 to vector<16xi32>
      %select_n3A_1178 = arith.select %and3A_1172, %sub3A_1175, %broadcast_in_dim3A_1177 : vector<16xi1>, vector<16xi32>
      %mul3A_1179 = arith.constant 32 : i32
      %mul3A_1180 = vector.broadcast %mul3A_1179 : i32 to vector<16xi32>
      %mul3A_1181 = arith.muli %max3A_1146, %mul3A_1180 : vector<16xi32>
      %add3A_1182 = arith.addi %mul3A_1181, %max3A_1152 : vector<16xi32>
      %swap3A_1183 = arith.constant 1 : i32
      %swap3A_1184 = arith.index_cast %swap3A_1183 : i32 to index
      %swap3A_1185 = arith.constant 96 : index
      %swap3A_1186 = tpu.vector_load %arg9[%swap3A_1184, %swap3A_1185] {strides = array<i32>} : memref<2x128xi32, #tpu.memory_space<vmem>>, vector<16xi32>,
      tpu.vector_store %arg9[%swap3A_1184, %swap3A_1185], %add3A_1182 {strides = array<i32>} : memref<2x128xi32, #tpu.memory_space<vmem>>, vector<16xi32>,
      %mul3A_1187 = arith.constant 16 : i32
      %mul3A_1188 = vector.broadcast %mul3A_1187 : i32 to vector<16xi32>
      %mul3A_1189 = arith.muli %select_n3A_1165, %mul3A_1188 : vector<16xi32>
      %add3A_1190 = arith.addi %mul3A_1189, %select_n3A_1178 : vector<16xi32>
      %swap3A_1191 = arith.constant 1 : i32
      %swap3A_1192 = arith.index_cast %swap3A_1191 : i32 to index
      %swap3A_1193 = arith.constant 96 : index
      %swap3A_1194 = tpu.vector_load %arg10[%swap3A_1192, %swap3A_1193] {strides = array<i32>} : memref<2x128xi32, #tpu.memory_space<vmem>>, vector<16xi32>,
      tpu.vector_store %arg10[%swap3A_1192, %swap3A_1193], %add3A_1190 {strides = array<i32>} : memref<2x128xi32, #tpu.memory_space<vmem>>, vector<16xi32>,
      %add3A_1195 = arith.constant 240 : i32
      %add3A_1196 = arith.addi %mul3A_50, %add3A_1195 : i32
      %get3A_1197 = arith.index_cast %add3A_1196 : i32 to index
      %get3A_1198 = tpu.vector_load %arg8[%get3A_1197] {strides = array<i32>} : memref<1024xi32, #tpu.memory_space<vmem>>, vector<16xi32>,
      %and3A_1199 = arith.constant 255 : i32
      %and3A_1200 = vector.broadcast %and3A_1199 : i32 to vector<16xi32>
      %and3A_1201 = arith.andi %get3A_1198, %and3A_1200 : vector<16xi32>
      %shift_right_logical3A_1202 = arith.constant 8 : i32
      %shift_right_logical3A_1203 = vector.broadcast %shift_right_logical3A_1202 : i32 to vector<16xi32>
      %shift_right_logical3A_1204 = arith.shrui %get3A_1198, %shift_right_logical3A_1203 : vector<16xi32>
      %and3A_1205 = arith.constant 255 : i32
      %and3A_1206 = vector.broadcast %and3A_1205 : i32 to vector<16xi32>
      %and3A_1207 = arith.andi %shift_right_logical3A_1204, %and3A_1206 : vector<16xi32>
      %shift_right_logical3A_1208 = arith.constant 16 : i32
      %shift_right_logical3A_1209 = vector.broadcast %shift_right_logical3A_1208 : i32 to vector<16xi32>
      %shift_right_logical3A_1210 = arith.shrui %get3A_1198, %shift_right_logical3A_1209 : vector<16xi32>
      %and3A_1211 = arith.constant 255 : i32
      %and3A_1212 = vector.broadcast %and3A_1211 : i32 to vector<16xi32>
      %and3A_1213 = arith.andi %shift_right_logical3A_1210, %and3A_1212 : vector<16xi32>
      %shift_right_logical3A_1214 = arith.constant 24 : i32
      %shift_right_logical3A_1215 = vector.broadcast %shift_right_logical3A_1214 : i32 to vector<16xi32>
      %shift_right_logical3A_1216 = arith.shrui %get3A_1198, %shift_right_logical3A_1215 : vector<16xi32>
      %sub3A_1217 = arith.constant 1 : i32
      %sub3A_1218 = vector.broadcast %sub3A_1217 : i32 to vector<16xi32>
      %sub3A_1219 = arith.subi %and3A_1201, %sub3A_1218 : vector<16xi32>
      %max3A_1220 = arith.constant 0 : i32
      %max3A_1221 = vector.broadcast %max3A_1220 : i32 to vector<16xi32>
      %max3A_1222 = arith.maxsi %sub3A_1219, %max3A_1221 : vector<16xi32>
      %sub3A_1223 = arith.constant 1 : i32
      %sub3A_1224 = vector.broadcast %sub3A_1223 : i32 to vector<16xi32>
      %sub3A_1225 = arith.subi %and3A_1213, %sub3A_1224 : vector<16xi32>
      %max3A_1226 = arith.constant 0 : i32
      %max3A_1227 = vector.broadcast %max3A_1226 : i32 to vector<16xi32>
      %max3A_1228 = arith.maxsi %sub3A_1225, %max3A_1227 : vector<16xi32>
      %ge3A_1229 = arith.constant 1 : i32
      %ge3A_1230 = vector.broadcast %ge3A_1229 : i32 to vector<16xi32>
      %ge3A_1231 = arith.cmpi sge, %and3A_1207, %ge3A_1230 : vector<16xi32>
      %le3A_1232 = arith.constant 12 : i32
      %le3A_1233 = vector.broadcast %le3A_1232 : i32 to vector<16xi32>
      %le3A_1234 = arith.cmpi sle, %and3A_1207, %le3A_1233 : vector<16xi32>
      %and3A_1235 = arith.andi %ge3A_1231, %le3A_1234 : vector<16xi1>
      %sub3A_1236 = arith.constant 1 : i32
      %sub3A_1237 = vector.broadcast %sub3A_1236 : i32 to vector<16xi32>
      %sub3A_1238 = arith.subi %and3A_1207, %sub3A_1237 : vector<16xi32>
      %jit3A_1239 = arith.constant 0 : i32
      %broadcast_in_dim3A_1240 = vector.broadcast %jit3A_1239 : i32 to vector<16xi32>
      %select_n3A_1241 = arith.select %and3A_1235, %sub3A_1238, %broadcast_in_dim3A_1240 : vector<16xi1>, vector<16xi32>
      %ge3A_1242 = arith.constant 1 : i32
      %ge3A_1243 = vector.broadcast %ge3A_1242 : i32 to vector<16xi32>
      %ge3A_1244 = arith.cmpi sge, %shift_right_logical3A_1216, %ge3A_1243 : vector<16xi32>
      %le3A_1245 = arith.constant 12 : i32
      %le3A_1246 = vector.broadcast %le3A_1245 : i32 to vector<16xi32>
      %le3A_1247 = arith.cmpi sle, %shift_right_logical3A_1216, %le3A_1246 : vector<16xi32>
      %and3A_1248 = arith.andi %ge3A_1244, %le3A_1247 : vector<16xi1>
      %sub3A_1249 = arith.constant 1 : i32
      %sub3A_1250 = vector.broadcast %sub3A_1249 : i32 to vector<16xi32>
      %sub3A_1251 = arith.subi %shift_right_logical3A_1216, %sub3A_1250 : vector<16xi32>
      %jit3A_1252 = arith.constant 0 : i32
      %broadcast_in_dim3A_1253 = vector.broadcast %jit3A_1252 : i32 to vector<16xi32>
      %select_n3A_1254 = arith.select %and3A_1248, %sub3A_1251, %broadcast_in_dim3A_1253 : vector<16xi1>, vector<16xi32>
      %mul3A_1255 = arith.constant 32 : i32
      %mul3A_1256 = vector.broadcast %mul3A_1255 : i32 to vector<16xi32>
      %mul3A_1257 = arith.muli %max3A_1222, %mul3A_1256 : vector<16xi32>
      %add3A_1258 = arith.addi %mul3A_1257, %max3A_1228 : vector<16xi32>
      %swap3A_1259 = arith.constant 1 : i32
      %swap3A_1260 = arith.index_cast %swap3A_1259 : i32 to index
      %swap3A_1261 = arith.constant 112 : index
      %swap3A_1262 = tpu.vector_load %arg9[%swap3A_1260, %swap3A_1261] {strides = array<i32>} : memref<2x128xi32, #tpu.memory_space<vmem>>, vector<16xi32>,
      tpu.vector_store %arg9[%swap3A_1260, %swap3A_1261], %add3A_1258 {strides = array<i32>} : memref<2x128xi32, #tpu.memory_space<vmem>>, vector<16xi32>,
      %mul3A_1263 = arith.constant 16 : i32
      %mul3A_1264 = vector.broadcast %mul3A_1263 : i32 to vector<16xi32>
      %mul3A_1265 = arith.muli %select_n3A_1241, %mul3A_1264 : vector<16xi32>
      %add3A_1266 = arith.addi %mul3A_1265, %select_n3A_1254 : vector<16xi32>
      %swap3A_1267 = arith.constant 1 : i32
      %swap3A_1268 = arith.index_cast %swap3A_1267 : i32 to index
      %swap3A_1269 = arith.constant 112 : index
      %swap3A_1270 = tpu.vector_load %arg10[%swap3A_1268, %swap3A_1269] {strides = array<i32>} : memref<2x128xi32, #tpu.memory_space<vmem>>, vector<16xi32>,
      tpu.vector_store %arg10[%swap3A_1268, %swap3A_1269], %add3A_1266 {strides = array<i32>} : memref<2x128xi32, #tpu.memory_space<vmem>>, vector<16xi32>,
      %add3A_1271 = arith.constant 256 : i32
      %add3A_1272 = arith.addi %mul3A_50, %add3A_1271 : i32
      %add3A_1273 = arith.constant 0 : i32
      %add3A_1274 = arith.addi %add3A_1272, %add3A_1273 : i32
      %get3A_1275 = arith.index_cast %add3A_1274 : i32 to index
      %get3A_1276 = tpu.vector_load %arg8[%get3A_1275] {strides = array<i32>} : memref<1024xi32, #tpu.memory_space<vmem>>, vector<16xi32>,
      %and3A_1277 = arith.constant 255 : i32
      %and3A_1278 = vector.broadcast %and3A_1277 : i32 to vector<16xi32>
      %and3A_1279 = arith.andi %get3A_1276, %and3A_1278 : vector<16xi32>
      %shift_right_logical3A_1280 = arith.constant 8 : i32
      %shift_right_logical3A_1281 = vector.broadcast %shift_right_logical3A_1280 : i32 to vector<16xi32>
      %shift_right_logical3A_1282 = arith.shrui %get3A_1276, %shift_right_logical3A_1281 : vector<16xi32>
      %and3A_1283 = arith.constant 255 : i32
      %and3A_1284 = vector.broadcast %and3A_1283 : i32 to vector<16xi32>
      %and3A_1285 = arith.andi %shift_right_logical3A_1282, %and3A_1284 : vector<16xi32>
      %shift_right_logical3A_1286 = arith.constant 16 : i32
      %shift_right_logical3A_1287 = vector.broadcast %shift_right_logical3A_1286 : i32 to vector<16xi32>
      %shift_right_logical3A_1288 = arith.shrui %get3A_1276, %shift_right_logical3A_1287 : vector<16xi32>
      %and3A_1289 = arith.constant 255 : i32
      %and3A_1290 = vector.broadcast %and3A_1289 : i32 to vector<16xi32>
      %and3A_1291 = arith.andi %shift_right_logical3A_1288, %and3A_1290 : vector<16xi32>
      %shift_right_logical3A_1292 = arith.constant 24 : i32
      %shift_right_logical3A_1293 = vector.broadcast %shift_right_logical3A_1292 : i32 to vector<16xi32>
      %shift_right_logical3A_1294 = arith.shrui %get3A_1276, %shift_right_logical3A_1293 : vector<16xi32>
      %sub3A_1295 = arith.constant 1 : i32
      %sub3A_1296 = vector.broadcast %sub3A_1295 : i32 to vector<16xi32>
      %sub3A_1297 = arith.subi %and3A_1279, %sub3A_1296 : vector<16xi32>
      %max3A_1298 = arith.constant 0 : i32
      %max3A_1299 = vector.broadcast %max3A_1298 : i32 to vector<16xi32>
      %max3A_1300 = arith.maxsi %sub3A_1297, %max3A_1299 : vector<16xi32>
      %sub3A_1301 = arith.constant 1 : i32
      %sub3A_1302 = vector.broadcast %sub3A_1301 : i32 to vector<16xi32>
      %sub3A_1303 = arith.subi %and3A_1291, %sub3A_1302 : vector<16xi32>
      %max3A_1304 = arith.constant 0 : i32
      %max3A_1305 = vector.broadcast %max3A_1304 : i32 to vector<16xi32>
      %max3A_1306 = arith.maxsi %sub3A_1303, %max3A_1305 : vector<16xi32>
      %ge3A_1307 = arith.constant 1 : i32
      %ge3A_1308 = vector.broadcast %ge3A_1307 : i32 to vector<16xi32>
      %ge3A_1309 = arith.cmpi sge, %and3A_1285, %ge3A_1308 : vector<16xi32>
      %le3A_1310 = arith.constant 12 : i32
      %le3A_1311 = vector.broadcast %le3A_1310 : i32 to vector<16xi32>
      %le3A_1312 = arith.cmpi sle, %and3A_1285, %le3A_1311 : vector<16xi32>
      %and3A_1313 = arith.andi %ge3A_1309, %le3A_1312 : vector<16xi1>
      %sub3A_1314 = arith.constant 1 : i32
      %sub3A_1315 = vector.broadcast %sub3A_1314 : i32 to vector<16xi32>
      %sub3A_1316 = arith.subi %and3A_1285, %sub3A_1315 : vector<16xi32>
      %jit3A_1317 = arith.constant 0 : i32
      %broadcast_in_dim3A_1318 = vector.broadcast %jit3A_1317 : i32 to vector<16xi32>
      %select_n3A_1319 = arith.select %and3A_1313, %sub3A_1316, %broadcast_in_dim3A_1318 : vector<16xi1>, vector<16xi32>
      %ge3A_1320 = arith.constant 1 : i32
      %ge3A_1321 = vector.broadcast %ge3A_1320 : i32 to vector<16xi32>
      %ge3A_1322 = arith.cmpi sge, %shift_right_logical3A_1294, %ge3A_1321 : vector<16xi32>
      %le3A_1323 = arith.constant 12 : i32
      %le3A_1324 = vector.broadcast %le3A_1323 : i32 to vector<16xi32>
      %le3A_1325 = arith.cmpi sle, %shift_right_logical3A_1294, %le3A_1324 : vector<16xi32>
      %and3A_1326 = arith.andi %ge3A_1322, %le3A_1325 : vector<16xi1>
      %sub3A_1327 = arith.constant 1 : i32
      %sub3A_1328 = vector.broadcast %sub3A_1327 : i32 to vector<16xi32>
      %sub3A_1329 = arith.subi %shift_right_logical3A_1294, %sub3A_1328 : vector<16xi32>
      %jit3A_1330 = arith.constant 0 : i32
      %broadcast_in_dim3A_1331 = vector.broadcast %jit3A_1330 : i32 to vector<16xi32>
      %select_n3A_1332 = arith.select %and3A_1326, %sub3A_1329, %broadcast_in_dim3A_1331 : vector<16xi1>, vector<16xi32>
      %mul3A_1333 = arith.constant 32 : i32
      %mul3A_1334 = vector.broadcast %mul3A_1333 : i32 to vector<16xi32>
      %mul3A_1335 = arith.muli %max3A_1300, %mul3A_1334 : vector<16xi32>
      %add3A_1336 = arith.addi %mul3A_1335, %max3A_1306 : vector<16xi32>
      %swap3A_1337 = arith.constant 0 : i32
      %swap3A_1338 = arith.index_cast %swap3A_1337 : i32 to index
      %swap3A_1339 = arith.constant 0 : index
      %swap3A_1340 = tpu.vector_load %arg11[%swap3A_1338, %swap3A_1339] {strides = array<i32>} : memref<2x128xi32, #tpu.memory_space<vmem>>, vector<16xi32>,
      tpu.vector_store %arg11[%swap3A_1338, %swap3A_1339], %add3A_1336 {strides = array<i32>} : memref<2x128xi32, #tpu.memory_space<vmem>>, vector<16xi32>,
      %mul3A_1341 = arith.constant 16 : i32
      %mul3A_1342 = vector.broadcast %mul3A_1341 : i32 to vector<16xi32>
      %mul3A_1343 = arith.muli %select_n3A_1319, %mul3A_1342 : vector<16xi32>
      %add3A_1344 = arith.addi %mul3A_1343, %select_n3A_1332 : vector<16xi32>
      %swap3A_1345 = arith.constant 0 : i32
      %swap3A_1346 = arith.index_cast %swap3A_1345 : i32 to index
      %swap3A_1347 = arith.constant 0 : index
      %swap3A_1348 = tpu.vector_load %arg12[%swap3A_1346, %swap3A_1347] {strides = array<i32>} : memref<2x128xi32, #tpu.memory_space<vmem>>, vector<16xi32>,
      tpu.vector_store %arg12[%swap3A_1346, %swap3A_1347], %add3A_1344 {strides = array<i32>} : memref<2x128xi32, #tpu.memory_space<vmem>>, vector<16xi32>,
      %add3A_1349 = arith.constant 256 : i32
      %add3A_1350 = arith.addi %mul3A_50, %add3A_1349 : i32
      %add3A_1351 = arith.constant 16 : i32
      %add3A_1352 = arith.addi %add3A_1350, %add3A_1351 : i32
      %get3A_1353 = arith.index_cast %add3A_1352 : i32 to index
      %get3A_1354 = tpu.vector_load %arg8[%get3A_1353] {strides = array<i32>} : memref<1024xi32, #tpu.memory_space<vmem>>, vector<16xi32>,
      %and3A_1355 = arith.constant 255 : i32
      %and3A_1356 = vector.broadcast %and3A_1355 : i32 to vector<16xi32>
      %and3A_1357 = arith.andi %get3A_1354, %and3A_1356 : vector<16xi32>
      %shift_right_logical3A_1358 = arith.constant 8 : i32
      %shift_right_logical3A_1359 = vector.broadcast %shift_right_logical3A_1358 : i32 to vector<16xi32>
      %shift_right_logical3A_1360 = arith.shrui %get3A_1354, %shift_right_logical3A_1359 : vector<16xi32>
      %and3A_1361 = arith.constant 255 : i32
      %and3A_1362 = vector.broadcast %and3A_1361 : i32 to vector<16xi32>
      %and3A_1363 = arith.andi %shift_right_logical3A_1360, %and3A_1362 : vector<16xi32>
      %shift_right_logical3A_1364 = arith.constant 16 : i32
      %shift_right_logical3A_1365 = vector.broadcast %shift_right_logical3A_1364 : i32 to vector<16xi32>
      %shift_right_logical3A_1366 = arith.shrui %get3A_1354, %shift_right_logical3A_1365 : vector<16xi32>
      %and3A_1367 = arith.constant 255 : i32
      %and3A_1368 = vector.broadcast %and3A_1367 : i32 to vector<16xi32>
      %and3A_1369 = arith.andi %shift_right_logical3A_1366, %and3A_1368 : vector<16xi32>
      %shift_right_logical3A_1370 = arith.constant 24 : i32
      %shift_right_logical3A_1371 = vector.broadcast %shift_right_logical3A_1370 : i32 to vector<16xi32>
      %shift_right_logical3A_1372 = arith.shrui %get3A_1354, %shift_right_logical3A_1371 : vector<16xi32>
      %sub3A_1373 = arith.constant 1 : i32
      %sub3A_1374 = vector.broadcast %sub3A_1373 : i32 to vector<16xi32>
      %sub3A_1375 = arith.subi %and3A_1357, %sub3A_1374 : vector<16xi32>
      %max3A_1376 = arith.constant 0 : i32
      %max3A_1377 = vector.broadcast %max3A_1376 : i32 to vector<16xi32>
      %max3A_1378 = arith.maxsi %sub3A_1375, %max3A_1377 : vector<16xi32>
      %sub3A_1379 = arith.constant 1 : i32
      %sub3A_1380 = vector.broadcast %sub3A_1379 : i32 to vector<16xi32>
      %sub3A_1381 = arith.subi %and3A_1369, %sub3A_1380 : vector<16xi32>
      %max3A_1382 = arith.constant 0 : i32
      %max3A_1383 = vector.broadcast %max3A_1382 : i32 to vector<16xi32>
      %max3A_1384 = arith.maxsi %sub3A_1381, %max3A_1383 : vector<16xi32>
      %ge3A_1385 = arith.constant 1 : i32
      %ge3A_1386 = vector.broadcast %ge3A_1385 : i32 to vector<16xi32>
      %ge3A_1387 = arith.cmpi sge, %and3A_1363, %ge3A_1386 : vector<16xi32>
      %le3A_1388 = arith.constant 12 : i32
      %le3A_1389 = vector.broadcast %le3A_1388 : i32 to vector<16xi32>
      %le3A_1390 = arith.cmpi sle, %and3A_1363, %le3A_1389 : vector<16xi32>
      %and3A_1391 = arith.andi %ge3A_1387, %le3A_1390 : vector<16xi1>
      %sub3A_1392 = arith.constant 1 : i32
      %sub3A_1393 = vector.broadcast %sub3A_1392 : i32 to vector<16xi32>
      %sub3A_1394 = arith.subi %and3A_1363, %sub3A_1393 : vector<16xi32>
      %jit3A_1395 = arith.constant 0 : i32
      %broadcast_in_dim3A_1396 = vector.broadcast %jit3A_1395 : i32 to vector<16xi32>
      %select_n3A_1397 = arith.select %and3A_1391, %sub3A_1394, %broadcast_in_dim3A_1396 : vector<16xi1>, vector<16xi32>
      %ge3A_1398 = arith.constant 1 : i32
      %ge3A_1399 = vector.broadcast %ge3A_1398 : i32 to vector<16xi32>
      %ge3A_1400 = arith.cmpi sge, %shift_right_logical3A_1372, %ge3A_1399 : vector<16xi32>
      %le3A_1401 = arith.constant 12 : i32
      %le3A_1402 = vector.broadcast %le3A_1401 : i32 to vector<16xi32>
      %le3A_1403 = arith.cmpi sle, %shift_right_logical3A_1372, %le3A_1402 : vector<16xi32>
      %and3A_1404 = arith.andi %ge3A_1400, %le3A_1403 : vector<16xi1>
      %sub3A_1405 = arith.constant 1 : i32
      %sub3A_1406 = vector.broadcast %sub3A_1405 : i32 to vector<16xi32>
      %sub3A_1407 = arith.subi %shift_right_logical3A_1372, %sub3A_1406 : vector<16xi32>
      %jit3A_1408 = arith.constant 0 : i32
      %broadcast_in_dim3A_1409 = vector.broadcast %jit3A_1408 : i32 to vector<16xi32>
      %select_n3A_1410 = arith.select %and3A_1404, %sub3A_1407, %broadcast_in_dim3A_1409 : vector<16xi1>, vector<16xi32>
      %mul3A_1411 = arith.constant 32 : i32
      %mul3A_1412 = vector.broadcast %mul3A_1411 : i32 to vector<16xi32>
      %mul3A_1413 = arith.muli %max3A_1378, %mul3A_1412 : vector<16xi32>
      %add3A_1414 = arith.addi %mul3A_1413, %max3A_1384 : vector<16xi32>
      %swap3A_1415 = arith.constant 0 : i32
      %swap3A_1416 = arith.index_cast %swap3A_1415 : i32 to index
      %swap3A_1417 = arith.constant 16 : index
      %swap3A_1418 = tpu.vector_load %arg11[%swap3A_1416, %swap3A_1417] {strides = array<i32>} : memref<2x128xi32, #tpu.memory_space<vmem>>, vector<16xi32>,
      tpu.vector_store %arg11[%swap3A_1416, %swap3A_1417], %add3A_1414 {strides = array<i32>} : memref<2x128xi32, #tpu.memory_space<vmem>>, vector<16xi32>,
      %mul3A_1419 = arith.constant 16 : i32
      %mul3A_1420 = vector.broadcast %mul3A_1419 : i32 to vector<16xi32>
      %mul3A_1421 = arith.muli %select_n3A_1397, %mul3A_1420 : vector<16xi32>
      %add3A_1422 = arith.addi %mul3A_1421, %select_n3A_1410 : vector<16xi32>
      %swap3A_1423 = arith.constant 0 : i32
      %swap3A_1424 = arith.index_cast %swap3A_1423 : i32 to index
      %swap3A_1425 = arith.constant 16 : index
      %swap3A_1426 = tpu.vector_load %arg12[%swap3A_1424, %swap3A_1425] {strides = array<i32>} : memref<2x128xi32, #tpu.memory_space<vmem>>, vector<16xi32>,
      tpu.vector_store %arg12[%swap3A_1424, %swap3A_1425], %add3A_1422 {strides = array<i32>} : memref<2x128xi32, #tpu.memory_space<vmem>>, vector<16xi32>,
      %add3A_1427 = arith.constant 256 : i32
      %add3A_1428 = arith.addi %mul3A_50, %add3A_1427 : i32
      %add3A_1429 = arith.constant 32 : i32
      %add3A_1430 = arith.addi %add3A_1428, %add3A_1429 : i32
      %get3A_1431 = arith.index_cast %add3A_1430 : i32 to index
      %get3A_1432 = tpu.vector_load %arg8[%get3A_1431] {strides = array<i32>} : memref<1024xi32, #tpu.memory_space<vmem>>, vector<16xi32>,
      %and3A_1433 = arith.constant 255 : i32
      %and3A_1434 = vector.broadcast %and3A_1433 : i32 to vector<16xi32>
      %and3A_1435 = arith.andi %get3A_1432, %and3A_1434 : vector<16xi32>
      %shift_right_logical3A_1436 = arith.constant 8 : i32
      %shift_right_logical3A_1437 = vector.broadcast %shift_right_logical3A_1436 : i32 to vector<16xi32>
      %shift_right_logical3A_1438 = arith.shrui %get3A_1432, %shift_right_logical3A_1437 : vector<16xi32>
      %and3A_1439 = arith.constant 255 : i32
      %and3A_1440 = vector.broadcast %and3A_1439 : i32 to vector<16xi32>
      %and3A_1441 = arith.andi %shift_right_logical3A_1438, %and3A_1440 : vector<16xi32>
      %shift_right_logical3A_1442 = arith.constant 16 : i32
      %shift_right_logical3A_1443 = vector.broadcast %shift_right_logical3A_1442 : i32 to vector<16xi32>
      %shift_right_logical3A_1444 = arith.shrui %get3A_1432, %shift_right_logical3A_1443 : vector<16xi32>
      %and3A_1445 = arith.constant 255 : i32
      %and3A_1446 = vector.broadcast %and3A_1445 : i32 to vector<16xi32>
      %and3A_1447 = arith.andi %shift_right_logical3A_1444, %and3A_1446 : vector<16xi32>
      %shift_right_logical3A_1448 = arith.constant 24 : i32
      %shift_right_logical3A_1449 = vector.broadcast %shift_right_logical3A_1448 : i32 to vector<16xi32>
      %shift_right_logical3A_1450 = arith.shrui %get3A_1432, %shift_right_logical3A_1449 : vector<16xi32>
      %sub3A_1451 = arith.constant 1 : i32
      %sub3A_1452 = vector.broadcast %sub3A_1451 : i32 to vector<16xi32>
      %sub3A_1453 = arith.subi %and3A_1435, %sub3A_1452 : vector<16xi32>
      %max3A_1454 = arith.constant 0 : i32
      %max3A_1455 = vector.broadcast %max3A_1454 : i32 to vector<16xi32>
      %max3A_1456 = arith.maxsi %sub3A_1453, %max3A_1455 : vector<16xi32>
      %sub3A_1457 = arith.constant 1 : i32
      %sub3A_1458 = vector.broadcast %sub3A_1457 : i32 to vector<16xi32>
      %sub3A_1459 = arith.subi %and3A_1447, %sub3A_1458 : vector<16xi32>
      %max3A_1460 = arith.constant 0 : i32
      %max3A_1461 = vector.broadcast %max3A_1460 : i32 to vector<16xi32>
      %max3A_1462 = arith.maxsi %sub3A_1459, %max3A_1461 : vector<16xi32>
      %ge3A_1463 = arith.constant 1 : i32
      %ge3A_1464 = vector.broadcast %ge3A_1463 : i32 to vector<16xi32>
      %ge3A_1465 = arith.cmpi sge, %and3A_1441, %ge3A_1464 : vector<16xi32>
      %le3A_1466 = arith.constant 12 : i32
      %le3A_1467 = vector.broadcast %le3A_1466 : i32 to vector<16xi32>
      %le3A_1468 = arith.cmpi sle, %and3A_1441, %le3A_1467 : vector<16xi32>
      %and3A_1469 = arith.andi %ge3A_1465, %le3A_1468 : vector<16xi1>
      %sub3A_1470 = arith.constant 1 : i32
      %sub3A_1471 = vector.broadcast %sub3A_1470 : i32 to vector<16xi32>
      %sub3A_1472 = arith.subi %and3A_1441, %sub3A_1471 : vector<16xi32>
      %jit3A_1473 = arith.constant 0 : i32
      %broadcast_in_dim3A_1474 = vector.broadcast %jit3A_1473 : i32 to vector<16xi32>
      %select_n3A_1475 = arith.select %and3A_1469, %sub3A_1472, %broadcast_in_dim3A_1474 : vector<16xi1>, vector<16xi32>
      %ge3A_1476 = arith.constant 1 : i32
      %ge3A_1477 = vector.broadcast %ge3A_1476 : i32 to vector<16xi32>
      %ge3A_1478 = arith.cmpi sge, %shift_right_logical3A_1450, %ge3A_1477 : vector<16xi32>
      %le3A_1479 = arith.constant 12 : i32
      %le3A_1480 = vector.broadcast %le3A_1479 : i32 to vector<16xi32>
      %le3A_1481 = arith.cmpi sle, %shift_right_logical3A_1450, %le3A_1480 : vector<16xi32>
      %and3A_1482 = arith.andi %ge3A_1478, %le3A_1481 : vector<16xi1>
      %sub3A_1483 = arith.constant 1 : i32
      %sub3A_1484 = vector.broadcast %sub3A_1483 : i32 to vector<16xi32>
      %sub3A_1485 = arith.subi %shift_right_logical3A_1450, %sub3A_1484 : vector<16xi32>
      %jit3A_1486 = arith.constant 0 : i32
      %broadcast_in_dim3A_1487 = vector.broadcast %jit3A_1486 : i32 to vector<16xi32>
      %select_n3A_1488 = arith.select %and3A_1482, %sub3A_1485, %broadcast_in_dim3A_1487 : vector<16xi1>, vector<16xi32>
      %mul3A_1489 = arith.constant 32 : i32
      %mul3A_1490 = vector.broadcast %mul3A_1489 : i32 to vector<16xi32>
      %mul3A_1491 = arith.muli %max3A_1456, %mul3A_1490 : vector<16xi32>
      %add3A_1492 = arith.addi %mul3A_1491, %max3A_1462 : vector<16xi32>
      %swap3A_1493 = arith.constant 0 : i32
      %swap3A_1494 = arith.index_cast %swap3A_1493 : i32 to index
      %swap3A_1495 = arith.constant 32 : index
      %swap3A_1496 = tpu.vector_load %arg11[%swap3A_1494, %swap3A_1495] {strides = array<i32>} : memref<2x128xi32, #tpu.memory_space<vmem>>, vector<16xi32>,
      tpu.vector_store %arg11[%swap3A_1494, %swap3A_1495], %add3A_1492 {strides = array<i32>} : memref<2x128xi32, #tpu.memory_space<vmem>>, vector<16xi32>,
      %mul3A_1497 = arith.constant 16 : i32
      %mul3A_1498 = vector.broadcast %mul3A_1497 : i32 to vector<16xi32>
      %mul3A_1499 = arith.muli %select_n3A_1475, %mul3A_1498 : vector<16xi32>
      %add3A_1500 = arith.addi %mul3A_1499, %select_n3A_1488 : vector<16xi32>
      %swap3A_1501 = arith.constant 0 : i32
      %swap3A_1502 = arith.index_cast %swap3A_1501 : i32 to index
      %swap3A_1503 = arith.constant 32 : index
      %swap3A_1504 = tpu.vector_load %arg12[%swap3A_1502, %swap3A_1503] {strides = array<i32>} : memref<2x128xi32, #tpu.memory_space<vmem>>, vector<16xi32>,
      tpu.vector_store %arg12[%swap3A_1502, %swap3A_1503], %add3A_1500 {strides = array<i32>} : memref<2x128xi32, #tpu.memory_space<vmem>>, vector<16xi32>,
      %add3A_1505 = arith.constant 256 : i32
      %add3A_1506 = arith.addi %mul3A_50, %add3A_1505 : i32
      %add3A_1507 = arith.constant 48 : i32
      %add3A_1508 = arith.addi %add3A_1506, %add3A_1507 : i32
      %get3A_1509 = arith.index_cast %add3A_1508 : i32 to index
      %get3A_1510 = tpu.vector_load %arg8[%get3A_1509] {strides = array<i32>} : memref<1024xi32, #tpu.memory_space<vmem>>, vector<16xi32>,
      %and3A_1511 = arith.constant 255 : i32
      %and3A_1512 = vector.broadcast %and3A_1511 : i32 to vector<16xi32>
      %and3A_1513 = arith.andi %get3A_1510, %and3A_1512 : vector<16xi32>
      %shift_right_logical3A_1514 = arith.constant 8 : i32
      %shift_right_logical3A_1515 = vector.broadcast %shift_right_logical3A_1514 : i32 to vector<16xi32>
      %shift_right_logical3A_1516 = arith.shrui %get3A_1510, %shift_right_logical3A_1515 : vector<16xi32>
      %and3A_1517 = arith.constant 255 : i32
      %and3A_1518 = vector.broadcast %and3A_1517 : i32 to vector<16xi32>
      %and3A_1519 = arith.andi %shift_right_logical3A_1516, %and3A_1518 : vector<16xi32>
      %shift_right_logical3A_1520 = arith.constant 16 : i32
      %shift_right_logical3A_1521 = vector.broadcast %shift_right_logical3A_1520 : i32 to vector<16xi32>
      %shift_right_logical3A_1522 = arith.shrui %get3A_1510, %shift_right_logical3A_1521 : vector<16xi32>
      %and3A_1523 = arith.constant 255 : i32
      %and3A_1524 = vector.broadcast %and3A_1523 : i32 to vector<16xi32>
      %and3A_1525 = arith.andi %shift_right_logical3A_1522, %and3A_1524 : vector<16xi32>
      %shift_right_logical3A_1526 = arith.constant 24 : i32
      %shift_right_logical3A_1527 = vector.broadcast %shift_right_logical3A_1526 : i32 to vector<16xi32>
      %shift_right_logical3A_1528 = arith.shrui %get3A_1510, %shift_right_logical3A_1527 : vector<16xi32>
      %sub3A_1529 = arith.constant 1 : i32
      %sub3A_1530 = vector.broadcast %sub3A_1529 : i32 to vector<16xi32>
      %sub3A_1531 = arith.subi %and3A_1513, %sub3A_1530 : vector<16xi32>
      %max3A_1532 = arith.constant 0 : i32
      %max3A_1533 = vector.broadcast %max3A_1532 : i32 to vector<16xi32>
      %max3A_1534 = arith.maxsi %sub3A_1531, %max3A_1533 : vector<16xi32>
      %sub3A_1535 = arith.constant 1 : i32
      %sub3A_1536 = vector.broadcast %sub3A_1535 : i32 to vector<16xi32>
      %sub3A_1537 = arith.subi %and3A_1525, %sub3A_1536 : vector<16xi32>
      %max3A_1538 = arith.constant 0 : i32
      %max3A_1539 = vector.broadcast %max3A_1538 : i32 to vector<16xi32>
      %max3A_1540 = arith.maxsi %sub3A_1537, %max3A_1539 : vector<16xi32>
      %ge3A_1541 = arith.constant 1 : i32
      %ge3A_1542 = vector.broadcast %ge3A_1541 : i32 to vector<16xi32>
      %ge3A_1543 = arith.cmpi sge, %and3A_1519, %ge3A_1542 : vector<16xi32>
      %le3A_1544 = arith.constant 12 : i32
      %le3A_1545 = vector.broadcast %le3A_1544 : i32 to vector<16xi32>
      %le3A_1546 = arith.cmpi sle, %and3A_1519, %le3A_1545 : vector<16xi32>
      %and3A_1547 = arith.andi %ge3A_1543, %le3A_1546 : vector<16xi1>
      %sub3A_1548 = arith.constant 1 : i32
      %sub3A_1549 = vector.broadcast %sub3A_1548 : i32 to vector<16xi32>
      %sub3A_1550 = arith.subi %and3A_1519, %sub3A_1549 : vector<16xi32>
      %jit3A_1551 = arith.constant 0 : i32
      %broadcast_in_dim3A_1552 = vector.broadcast %jit3A_1551 : i32 to vector<16xi32>
      %select_n3A_1553 = arith.select %and3A_1547, %sub3A_1550, %broadcast_in_dim3A_1552 : vector<16xi1>, vector<16xi32>
      %ge3A_1554 = arith.constant 1 : i32
      %ge3A_1555 = vector.broadcast %ge3A_1554 : i32 to vector<16xi32>
      %ge3A_1556 = arith.cmpi sge, %shift_right_logical3A_1528, %ge3A_1555 : vector<16xi32>
      %le3A_1557 = arith.constant 12 : i32
      %le3A_1558 = vector.broadcast %le3A_1557 : i32 to vector<16xi32>
      %le3A_1559 = arith.cmpi sle, %shift_right_logical3A_1528, %le3A_1558 : vector<16xi32>
      %and3A_1560 = arith.andi %ge3A_1556, %le3A_1559 : vector<16xi1>
      %sub3A_1561 = arith.constant 1 : i32
      %sub3A_1562 = vector.broadcast %sub3A_1561 : i32 to vector<16xi32>
      %sub3A_1563 = arith.subi %shift_right_logical3A_1528, %sub3A_1562 : vector<16xi32>
      %jit3A_1564 = arith.constant 0 : i32
      %broadcast_in_dim3A_1565 = vector.broadcast %jit3A_1564 : i32 to vector<16xi32>
      %select_n3A_1566 = arith.select %and3A_1560, %sub3A_1563, %broadcast_in_dim3A_1565 : vector<16xi1>, vector<16xi32>
      %mul3A_1567 = arith.constant 32 : i32
      %mul3A_1568 = vector.broadcast %mul3A_1567 : i32 to vector<16xi32>
      %mul3A_1569 = arith.muli %max3A_1534, %mul3A_1568 : vector<16xi32>
      %add3A_1570 = arith.addi %mul3A_1569, %max3A_1540 : vector<16xi32>
      %swap3A_1571 = arith.constant 0 : i32
      %swap3A_1572 = arith.index_cast %swap3A_1571 : i32 to index
      %swap3A_1573 = arith.constant 48 : index
      %swap3A_1574 = tpu.vector_load %arg11[%swap3A_1572, %swap3A_1573] {strides = array<i32>} : memref<2x128xi32, #tpu.memory_space<vmem>>, vector<16xi32>,
      tpu.vector_store %arg11[%swap3A_1572, %swap3A_1573], %add3A_1570 {strides = array<i32>} : memref<2x128xi32, #tpu.memory_space<vmem>>, vector<16xi32>,
      %mul3A_1575 = arith.constant 16 : i32
      %mul3A_1576 = vector.broadcast %mul3A_1575 : i32 to vector<16xi32>
      %mul3A_1577 = arith.muli %select_n3A_1553, %mul3A_1576 : vector<16xi32>
      %add3A_1578 = arith.addi %mul3A_1577, %select_n3A_1566 : vector<16xi32>
      %swap3A_1579 = arith.constant 0 : i32
      %swap3A_1580 = arith.index_cast %swap3A_1579 : i32 to index
      %swap3A_1581 = arith.constant 48 : index
      %swap3A_1582 = tpu.vector_load %arg12[%swap3A_1580, %swap3A_1581] {strides = array<i32>} : memref<2x128xi32, #tpu.memory_space<vmem>>, vector<16xi32>,
      tpu.vector_store %arg12[%swap3A_1580, %swap3A_1581], %add3A_1578 {strides = array<i32>} : memref<2x128xi32, #tpu.memory_space<vmem>>, vector<16xi32>,
      %add3A_1583 = arith.constant 256 : i32
      %add3A_1584 = arith.addi %mul3A_50, %add3A_1583 : i32
      %add3A_1585 = arith.constant 64 : i32
      %add3A_1586 = arith.addi %add3A_1584, %add3A_1585 : i32
      %get3A_1587 = arith.index_cast %add3A_1586 : i32 to index
      %get3A_1588 = tpu.vector_load %arg8[%get3A_1587] {strides = array<i32>} : memref<1024xi32, #tpu.memory_space<vmem>>, vector<16xi32>,
      %and3A_1589 = arith.constant 255 : i32
      %and3A_1590 = vector.broadcast %and3A_1589 : i32 to vector<16xi32>
      %and3A_1591 = arith.andi %get3A_1588, %and3A_1590 : vector<16xi32>
      %shift_right_logical3A_1592 = arith.constant 8 : i32
      %shift_right_logical3A_1593 = vector.broadcast %shift_right_logical3A_1592 : i32 to vector<16xi32>
      %shift_right_logical3A_1594 = arith.shrui %get3A_1588, %shift_right_logical3A_1593 : vector<16xi32>
      %and3A_1595 = arith.constant 255 : i32
      %and3A_1596 = vector.broadcast %and3A_1595 : i32 to vector<16xi32>
      %and3A_1597 = arith.andi %shift_right_logical3A_1594, %and3A_1596 : vector<16xi32>
      %shift_right_logical3A_1598 = arith.constant 16 : i32
      %shift_right_logical3A_1599 = vector.broadcast %shift_right_logical3A_1598 : i32 to vector<16xi32>
      %shift_right_logical3A_1600 = arith.shrui %get3A_1588, %shift_right_logical3A_1599 : vector<16xi32>
      %and3A_1601 = arith.constant 255 : i32
      %and3A_1602 = vector.broadcast %and3A_1601 : i32 to vector<16xi32>
      %and3A_1603 = arith.andi %shift_right_logical3A_1600, %and3A_1602 : vector<16xi32>
      %shift_right_logical3A_1604 = arith.constant 24 : i32
      %shift_right_logical3A_1605 = vector.broadcast %shift_right_logical3A_1604 : i32 to vector<16xi32>
      %shift_right_logical3A_1606 = arith.shrui %get3A_1588, %shift_right_logical3A_1605 : vector<16xi32>
      %sub3A_1607 = arith.constant 1 : i32
      %sub3A_1608 = vector.broadcast %sub3A_1607 : i32 to vector<16xi32>
      %sub3A_1609 = arith.subi %and3A_1591, %sub3A_1608 : vector<16xi32>
      %max3A_1610 = arith.constant 0 : i32
      %max3A_1611 = vector.broadcast %max3A_1610 : i32 to vector<16xi32>
      %max3A_1612 = arith.maxsi %sub3A_1609, %max3A_1611 : vector<16xi32>
      %sub3A_1613 = arith.constant 1 : i32
      %sub3A_1614 = vector.broadcast %sub3A_1613 : i32 to vector<16xi32>
      %sub3A_1615 = arith.subi %and3A_1603, %sub3A_1614 : vector<16xi32>
      %max3A_1616 = arith.constant 0 : i32
      %max3A_1617 = vector.broadcast %max3A_1616 : i32 to vector<16xi32>
      %max3A_1618 = arith.maxsi %sub3A_1615, %max3A_1617 : vector<16xi32>
      %ge3A_1619 = arith.constant 1 : i32
      %ge3A_1620 = vector.broadcast %ge3A_1619 : i32 to vector<16xi32>
      %ge3A_1621 = arith.cmpi sge, %and3A_1597, %ge3A_1620 : vector<16xi32>
      %le3A_1622 = arith.constant 12 : i32
      %le3A_1623 = vector.broadcast %le3A_1622 : i32 to vector<16xi32>
      %le3A_1624 = arith.cmpi sle, %and3A_1597, %le3A_1623 : vector<16xi32>
      %and3A_1625 = arith.andi %ge3A_1621, %le3A_1624 : vector<16xi1>
      %sub3A_1626 = arith.constant 1 : i32
      %sub3A_1627 = vector.broadcast %sub3A_1626 : i32 to vector<16xi32>
      %sub3A_1628 = arith.subi %and3A_1597, %sub3A_1627 : vector<16xi32>
      %jit3A_1629 = arith.constant 0 : i32
      %broadcast_in_dim3A_1630 = vector.broadcast %jit3A_1629 : i32 to vector<16xi32>
      %select_n3A_1631 = arith.select %and3A_1625, %sub3A_1628, %broadcast_in_dim3A_1630 : vector<16xi1>, vector<16xi32>
      %ge3A_1632 = arith.constant 1 : i32
      %ge3A_1633 = vector.broadcast %ge3A_1632 : i32 to vector<16xi32>
      %ge3A_1634 = arith.cmpi sge, %shift_right_logical3A_1606, %ge3A_1633 : vector<16xi32>
      %le3A_1635 = arith.constant 12 : i32
      %le3A_1636 = vector.broadcast %le3A_1635 : i32 to vector<16xi32>
      %le3A_1637 = arith.cmpi sle, %shift_right_logical3A_1606, %le3A_1636 : vector<16xi32>
      %and3A_1638 = arith.andi %ge3A_1634, %le3A_1637 : vector<16xi1>
      %sub3A_1639 = arith.constant 1 : i32
      %sub3A_1640 = vector.broadcast %sub3A_1639 : i32 to vector<16xi32>
      %sub3A_1641 = arith.subi %shift_right_logical3A_1606, %sub3A_1640 : vector<16xi32>
      %jit3A_1642 = arith.constant 0 : i32
      %broadcast_in_dim3A_1643 = vector.broadcast %jit3A_1642 : i32 to vector<16xi32>
      %select_n3A_1644 = arith.select %and3A_1638, %sub3A_1641, %broadcast_in_dim3A_1643 : vector<16xi1>, vector<16xi32>
      %mul3A_1645 = arith.constant 32 : i32
      %mul3A_1646 = vector.broadcast %mul3A_1645 : i32 to vector<16xi32>
      %mul3A_1647 = arith.muli %max3A_1612, %mul3A_1646 : vector<16xi32>
      %add3A_1648 = arith.addi %mul3A_1647, %max3A_1618 : vector<16xi32>
      %swap3A_1649 = arith.constant 0 : i32
      %swap3A_1650 = arith.index_cast %swap3A_1649 : i32 to index
      %swap3A_1651 = arith.constant 64 : index
      %swap3A_1652 = tpu.vector_load %arg11[%swap3A_1650, %swap3A_1651] {strides = array<i32>} : memref<2x128xi32, #tpu.memory_space<vmem>>, vector<16xi32>,
      tpu.vector_store %arg11[%swap3A_1650, %swap3A_1651], %add3A_1648 {strides = array<i32>} : memref<2x128xi32, #tpu.memory_space<vmem>>, vector<16xi32>,
      %mul3A_1653 = arith.constant 16 : i32
      %mul3A_1654 = vector.broadcast %mul3A_1653 : i32 to vector<16xi32>
      %mul3A_1655 = arith.muli %select_n3A_1631, %mul3A_1654 : vector<16xi32>
      %add3A_1656 = arith.addi %mul3A_1655, %select_n3A_1644 : vector<16xi32>
      %swap3A_1657 = arith.constant 0 : i32
      %swap3A_1658 = arith.index_cast %swap3A_1657 : i32 to index
      %swap3A_1659 = arith.constant 64 : index
      %swap3A_1660 = tpu.vector_load %arg12[%swap3A_1658, %swap3A_1659] {strides = array<i32>} : memref<2x128xi32, #tpu.memory_space<vmem>>, vector<16xi32>,
      tpu.vector_store %arg12[%swap3A_1658, %swap3A_1659], %add3A_1656 {strides = array<i32>} : memref<2x128xi32, #tpu.memory_space<vmem>>, vector<16xi32>,
      %add3A_1661 = arith.constant 256 : i32
      %add3A_1662 = arith.addi %mul3A_50, %add3A_1661 : i32
      %add3A_1663 = arith.constant 80 : i32
      %add3A_1664 = arith.addi %add3A_1662, %add3A_1663 : i32
      %get3A_1665 = arith.index_cast %add3A_1664 : i32 to index
      %get3A_1666 = tpu.vector_load %arg8[%get3A_1665] {strides = array<i32>} : memref<1024xi32, #tpu.memory_space<vmem>>, vector<16xi32>,
      %and3A_1667 = arith.constant 255 : i32
      %and3A_1668 = vector.broadcast %and3A_1667 : i32 to vector<16xi32>
      %and3A_1669 = arith.andi %get3A_1666, %and3A_1668 : vector<16xi32>
      %shift_right_logical3A_1670 = arith.constant 8 : i32
      %shift_right_logical3A_1671 = vector.broadcast %shift_right_logical3A_1670 : i32 to vector<16xi32>
      %shift_right_logical3A_1672 = arith.shrui %get3A_1666, %shift_right_logical3A_1671 : vector<16xi32>
      %and3A_1673 = arith.constant 255 : i32
      %and3A_1674 = vector.broadcast %and3A_1673 : i32 to vector<16xi32>
      %and3A_1675 = arith.andi %shift_right_logical3A_1672, %and3A_1674 : vector<16xi32>
      %shift_right_logical3A_1676 = arith.constant 16 : i32
      %shift_right_logical3A_1677 = vector.broadcast %shift_right_logical3A_1676 : i32 to vector<16xi32>
      %shift_right_logical3A_1678 = arith.shrui %get3A_1666, %shift_right_logical3A_1677 : vector<16xi32>
      %and3A_1679 = arith.constant 255 : i32
      %and3A_1680 = vector.broadcast %and3A_1679 : i32 to vector<16xi32>
      %and3A_1681 = arith.andi %shift_right_logical3A_1678, %and3A_1680 : vector<16xi32>
      %shift_right_logical3A_1682 = arith.constant 24 : i32
      %shift_right_logical3A_1683 = vector.broadcast %shift_right_logical3A_1682 : i32 to vector<16xi32>
      %shift_right_logical3A_1684 = arith.shrui %get3A_1666, %shift_right_logical3A_1683 : vector<16xi32>
      %sub3A_1685 = arith.constant 1 : i32
      %sub3A_1686 = vector.broadcast %sub3A_1685 : i32 to vector<16xi32>
      %sub3A_1687 = arith.subi %and3A_1669, %sub3A_1686 : vector<16xi32>
      %max3A_1688 = arith.constant 0 : i32
      %max3A_1689 = vector.broadcast %max3A_1688 : i32 to vector<16xi32>
      %max3A_1690 = arith.maxsi %sub3A_1687, %max3A_1689 : vector<16xi32>
      %sub3A_1691 = arith.constant 1 : i32
      %sub3A_1692 = vector.broadcast %sub3A_1691 : i32 to vector<16xi32>
      %sub3A_1693 = arith.subi %and3A_1681, %sub3A_1692 : vector<16xi32>
      %max3A_1694 = arith.constant 0 : i32
      %max3A_1695 = vector.broadcast %max3A_1694 : i32 to vector<16xi32>
      %max3A_1696 = arith.maxsi %sub3A_1693, %max3A_1695 : vector<16xi32>
      %ge3A_1697 = arith.constant 1 : i32
      %ge3A_1698 = vector.broadcast %ge3A_1697 : i32 to vector<16xi32>
      %ge3A_1699 = arith.cmpi sge, %and3A_1675, %ge3A_1698 : vector<16xi32>
      %le3A_1700 = arith.constant 12 : i32
      %le3A_1701 = vector.broadcast %le3A_1700 : i32 to vector<16xi32>
      %le3A_1702 = arith.cmpi sle, %and3A_1675, %le3A_1701 : vector<16xi32>
      %and3A_1703 = arith.andi %ge3A_1699, %le3A_1702 : vector<16xi1>
      %sub3A_1704 = arith.constant 1 : i32
      %sub3A_1705 = vector.broadcast %sub3A_1704 : i32 to vector<16xi32>
      %sub3A_1706 = arith.subi %and3A_1675, %sub3A_1705 : vector<16xi32>
      %jit3A_1707 = arith.constant 0 : i32
      %broadcast_in_dim3A_1708 = vector.broadcast %jit3A_1707 : i32 to vector<16xi32>
      %select_n3A_1709 = arith.select %and3A_1703, %sub3A_1706, %broadcast_in_dim3A_1708 : vector<16xi1>, vector<16xi32>
      %ge3A_1710 = arith.constant 1 : i32
      %ge3A_1711 = vector.broadcast %ge3A_1710 : i32 to vector<16xi32>
      %ge3A_1712 = arith.cmpi sge, %shift_right_logical3A_1684, %ge3A_1711 : vector<16xi32>
      %le3A_1713 = arith.constant 12 : i32
      %le3A_1714 = vector.broadcast %le3A_1713 : i32 to vector<16xi32>
      %le3A_1715 = arith.cmpi sle, %shift_right_logical3A_1684, %le3A_1714 : vector<16xi32>
      %and3A_1716 = arith.andi %ge3A_1712, %le3A_1715 : vector<16xi1>
      %sub3A_1717 = arith.constant 1 : i32
      %sub3A_1718 = vector.broadcast %sub3A_1717 : i32 to vector<16xi32>
      %sub3A_1719 = arith.subi %shift_right_logical3A_1684, %sub3A_1718 : vector<16xi32>
      %jit3A_1720 = arith.constant 0 : i32
      %broadcast_in_dim3A_1721 = vector.broadcast %jit3A_1720 : i32 to vector<16xi32>
      %select_n3A_1722 = arith.select %and3A_1716, %sub3A_1719, %broadcast_in_dim3A_1721 : vector<16xi1>, vector<16xi32>
      %mul3A_1723 = arith.constant 32 : i32
      %mul3A_1724 = vector.broadcast %mul3A_1723 : i32 to vector<16xi32>
      %mul3A_1725 = arith.muli %max3A_1690, %mul3A_1724 : vector<16xi32>
      %add3A_1726 = arith.addi %mul3A_1725, %max3A_1696 : vector<16xi32>
      %swap3A_1727 = arith.constant 0 : i32
      %swap3A_1728 = arith.index_cast %swap3A_1727 : i32 to index
      %swap3A_1729 = arith.constant 80 : index
      %swap3A_1730 = tpu.vector_load %arg11[%swap3A_1728, %swap3A_1729] {strides = array<i32>} : memref<2x128xi32, #tpu.memory_space<vmem>>, vector<16xi32>,
      tpu.vector_store %arg11[%swap3A_1728, %swap3A_1729], %add3A_1726 {strides = array<i32>} : memref<2x128xi32, #tpu.memory_space<vmem>>, vector<16xi32>,
      %mul3A_1731 = arith.constant 16 : i32
      %mul3A_1732 = vector.broadcast %mul3A_1731 : i32 to vector<16xi32>
      %mul3A_1733 = arith.muli %select_n3A_1709, %mul3A_1732 : vector<16xi32>
      %add3A_1734 = arith.addi %mul3A_1733, %select_n3A_1722 : vector<16xi32>
      %swap3A_1735 = arith.constant 0 : i32
      %swap3A_1736 = arith.index_cast %swap3A_1735 : i32 to index
      %swap3A_1737 = arith.constant 80 : index
      %swap3A_1738 = tpu.vector_load %arg12[%swap3A_1736, %swap3A_1737] {strides = array<i32>} : memref<2x128xi32, #tpu.memory_space<vmem>>, vector<16xi32>,
      tpu.vector_store %arg12[%swap3A_1736, %swap3A_1737], %add3A_1734 {strides = array<i32>} : memref<2x128xi32, #tpu.memory_space<vmem>>, vector<16xi32>,
      %add3A_1739 = arith.constant 256 : i32
      %add3A_1740 = arith.addi %mul3A_50, %add3A_1739 : i32
      %add3A_1741 = arith.constant 96 : i32
      %add3A_1742 = arith.addi %add3A_1740, %add3A_1741 : i32
      %get3A_1743 = arith.index_cast %add3A_1742 : i32 to index
      %get3A_1744 = tpu.vector_load %arg8[%get3A_1743] {strides = array<i32>} : memref<1024xi32, #tpu.memory_space<vmem>>, vector<16xi32>,
      %and3A_1745 = arith.constant 255 : i32
      %and3A_1746 = vector.broadcast %and3A_1745 : i32 to vector<16xi32>
      %and3A_1747 = arith.andi %get3A_1744, %and3A_1746 : vector<16xi32>
      %shift_right_logical3A_1748 = arith.constant 8 : i32
      %shift_right_logical3A_1749 = vector.broadcast %shift_right_logical3A_1748 : i32 to vector<16xi32>
      %shift_right_logical3A_1750 = arith.shrui %get3A_1744, %shift_right_logical3A_1749 : vector<16xi32>
      %and3A_1751 = arith.constant 255 : i32
      %and3A_1752 = vector.broadcast %and3A_1751 : i32 to vector<16xi32>
      %and3A_1753 = arith.andi %shift_right_logical3A_1750, %and3A_1752 : vector<16xi32>
      %shift_right_logical3A_1754 = arith.constant 16 : i32
      %shift_right_logical3A_1755 = vector.broadcast %shift_right_logical3A_1754 : i32 to vector<16xi32>
      %shift_right_logical3A_1756 = arith.shrui %get3A_1744, %shift_right_logical3A_1755 : vector<16xi32>
      %and3A_1757 = arith.constant 255 : i32
      %and3A_1758 = vector.broadcast %and3A_1757 : i32 to vector<16xi32>
      %and3A_1759 = arith.andi %shift_right_logical3A_1756, %and3A_1758 : vector<16xi32>
      %shift_right_logical3A_1760 = arith.constant 24 : i32
      %shift_right_logical3A_1761 = vector.broadcast %shift_right_logical3A_1760 : i32 to vector<16xi32>
      %shift_right_logical3A_1762 = arith.shrui %get3A_1744, %shift_right_logical3A_1761 : vector<16xi32>
      %sub3A_1763 = arith.constant 1 : i32
      %sub3A_1764 = vector.broadcast %sub3A_1763 : i32 to vector<16xi32>
      %sub3A_1765 = arith.subi %and3A_1747, %sub3A_1764 : vector<16xi32>
      %max3A_1766 = arith.constant 0 : i32
      %max3A_1767 = vector.broadcast %max3A_1766 : i32 to vector<16xi32>
      %max3A_1768 = arith.maxsi %sub3A_1765, %max3A_1767 : vector<16xi32>
      %sub3A_1769 = arith.constant 1 : i32
      %sub3A_1770 = vector.broadcast %sub3A_1769 : i32 to vector<16xi32>
      %sub3A_1771 = arith.subi %and3A_1759, %sub3A_1770 : vector<16xi32>
      %max3A_1772 = arith.constant 0 : i32
      %max3A_1773 = vector.broadcast %max3A_1772 : i32 to vector<16xi32>
      %max3A_1774 = arith.maxsi %sub3A_1771, %max3A_1773 : vector<16xi32>
      %ge3A_1775 = arith.constant 1 : i32
      %ge3A_1776 = vector.broadcast %ge3A_1775 : i32 to vector<16xi32>
      %ge3A_1777 = arith.cmpi sge, %and3A_1753, %ge3A_1776 : vector<16xi32>
      %le3A_1778 = arith.constant 12 : i32
      %le3A_1779 = vector.broadcast %le3A_1778 : i32 to vector<16xi32>
      %le3A_1780 = arith.cmpi sle, %and3A_1753, %le3A_1779 : vector<16xi32>
      %and3A_1781 = arith.andi %ge3A_1777, %le3A_1780 : vector<16xi1>
      %sub3A_1782 = arith.constant 1 : i32
      %sub3A_1783 = vector.broadcast %sub3A_1782 : i32 to vector<16xi32>
      %sub3A_1784 = arith.subi %and3A_1753, %sub3A_1783 : vector<16xi32>
      %jit3A_1785 = arith.constant 0 : i32
      %broadcast_in_dim3A_1786 = vector.broadcast %jit3A_1785 : i32 to vector<16xi32>
      %select_n3A_1787 = arith.select %and3A_1781, %sub3A_1784, %broadcast_in_dim3A_1786 : vector<16xi1>, vector<16xi32>
      %ge3A_1788 = arith.constant 1 : i32
      %ge3A_1789 = vector.broadcast %ge3A_1788 : i32 to vector<16xi32>
      %ge3A_1790 = arith.cmpi sge, %shift_right_logical3A_1762, %ge3A_1789 : vector<16xi32>
      %le3A_1791 = arith.constant 12 : i32
      %le3A_1792 = vector.broadcast %le3A_1791 : i32 to vector<16xi32>
      %le3A_1793 = arith.cmpi sle, %shift_right_logical3A_1762, %le3A_1792 : vector<16xi32>
      %and3A_1794 = arith.andi %ge3A_1790, %le3A_1793 : vector<16xi1>
      %sub3A_1795 = arith.constant 1 : i32
      %sub3A_1796 = vector.broadcast %sub3A_1795 : i32 to vector<16xi32>
      %sub3A_1797 = arith.subi %shift_right_logical3A_1762, %sub3A_1796 : vector<16xi32>
      %jit3A_1798 = arith.constant 0 : i32
      %broadcast_in_dim3A_1799 = vector.broadcast %jit3A_1798 : i32 to vector<16xi32>
      %select_n3A_1800 = arith.select %and3A_1794, %sub3A_1797, %broadcast_in_dim3A_1799 : vector<16xi1>, vector<16xi32>
      %mul3A_1801 = arith.constant 32 : i32
      %mul3A_1802 = vector.broadcast %mul3A_1801 : i32 to vector<16xi32>
      %mul3A_1803 = arith.muli %max3A_1768, %mul3A_1802 : vector<16xi32>
      %add3A_1804 = arith.addi %mul3A_1803, %max3A_1774 : vector<16xi32>
      %swap3A_1805 = arith.constant 0 : i32
      %swap3A_1806 = arith.index_cast %swap3A_1805 : i32 to index
      %swap3A_1807 = arith.constant 96 : index
      %swap3A_1808 = tpu.vector_load %arg11[%swap3A_1806, %swap3A_1807] {strides = array<i32>} : memref<2x128xi32, #tpu.memory_space<vmem>>, vector<16xi32>,
      tpu.vector_store %arg11[%swap3A_1806, %swap3A_1807], %add3A_1804 {strides = array<i32>} : memref<2x128xi32, #tpu.memory_space<vmem>>, vector<16xi32>,
      %mul3A_1809 = arith.constant 16 : i32
      %mul3A_1810 = vector.broadcast %mul3A_1809 : i32 to vector<16xi32>
      %mul3A_1811 = arith.muli %select_n3A_1787, %mul3A_1810 : vector<16xi32>
      %add3A_1812 = arith.addi %mul3A_1811, %select_n3A_1800 : vector<16xi32>
      %swap3A_1813 = arith.constant 0 : i32
      %swap3A_1814 = arith.index_cast %swap3A_1813 : i32 to index
      %swap3A_1815 = arith.constant 96 : index
      %swap3A_1816 = tpu.vector_load %arg12[%swap3A_1814, %swap3A_1815] {strides = array<i32>} : memref<2x128xi32, #tpu.memory_space<vmem>>, vector<16xi32>,
      tpu.vector_store %arg12[%swap3A_1814, %swap3A_1815], %add3A_1812 {strides = array<i32>} : memref<2x128xi32, #tpu.memory_space<vmem>>, vector<16xi32>,
      %add3A_1817 = arith.constant 256 : i32
      %add3A_1818 = arith.addi %mul3A_50, %add3A_1817 : i32
      %add3A_1819 = arith.constant 112 : i32
      %add3A_1820 = arith.addi %add3A_1818, %add3A_1819 : i32
      %get3A_1821 = arith.index_cast %add3A_1820 : i32 to index
      %get3A_1822 = tpu.vector_load %arg8[%get3A_1821] {strides = array<i32>} : memref<1024xi32, #tpu.memory_space<vmem>>, vector<16xi32>,
      %and3A_1823 = arith.constant 255 : i32
      %and3A_1824 = vector.broadcast %and3A_1823 : i32 to vector<16xi32>
      %and3A_1825 = arith.andi %get3A_1822, %and3A_1824 : vector<16xi32>
      %shift_right_logical3A_1826 = arith.constant 8 : i32
      %shift_right_logical3A_1827 = vector.broadcast %shift_right_logical3A_1826 : i32 to vector<16xi32>
      %shift_right_logical3A_1828 = arith.shrui %get3A_1822, %shift_right_logical3A_1827 : vector<16xi32>
      %and3A_1829 = arith.constant 255 : i32
      %and3A_1830 = vector.broadcast %and3A_1829 : i32 to vector<16xi32>
      %and3A_1831 = arith.andi %shift_right_logical3A_1828, %and3A_1830 : vector<16xi32>
      %shift_right_logical3A_1832 = arith.constant 16 : i32
      %shift_right_logical3A_1833 = vector.broadcast %shift_right_logical3A_1832 : i32 to vector<16xi32>
      %shift_right_logical3A_1834 = arith.shrui %get3A_1822, %shift_right_logical3A_1833 : vector<16xi32>
      %and3A_1835 = arith.constant 255 : i32
      %and3A_1836 = vector.broadcast %and3A_1835 : i32 to vector<16xi32>
      %and3A_1837 = arith.andi %shift_right_logical3A_1834, %and3A_1836 : vector<16xi32>
      %shift_right_logical3A_1838 = arith.constant 24 : i32
      %shift_right_logical3A_1839 = vector.broadcast %shift_right_logical3A_1838 : i32 to vector<16xi32>
      %shift_right_logical3A_1840 = arith.shrui %get3A_1822, %shift_right_logical3A_1839 : vector<16xi32>
      %sub3A_1841 = arith.constant 1 : i32
      %sub3A_1842 = vector.broadcast %sub3A_1841 : i32 to vector<16xi32>
      %sub3A_1843 = arith.subi %and3A_1825, %sub3A_1842 : vector<16xi32>
      %max3A_1844 = arith.constant 0 : i32
      %max3A_1845 = vector.broadcast %max3A_1844 : i32 to vector<16xi32>
      %max3A_1846 = arith.maxsi %sub3A_1843, %max3A_1845 : vector<16xi32>
      %sub3A_1847 = arith.constant 1 : i32
      %sub3A_1848 = vector.broadcast %sub3A_1847 : i32 to vector<16xi32>
      %sub3A_1849 = arith.subi %and3A_1837, %sub3A_1848 : vector<16xi32>
      %max3A_1850 = arith.constant 0 : i32
      %max3A_1851 = vector.broadcast %max3A_1850 : i32 to vector<16xi32>
      %max3A_1852 = arith.maxsi %sub3A_1849, %max3A_1851 : vector<16xi32>
      %ge3A_1853 = arith.constant 1 : i32
      %ge3A_1854 = vector.broadcast %ge3A_1853 : i32 to vector<16xi32>
      %ge3A_1855 = arith.cmpi sge, %and3A_1831, %ge3A_1854 : vector<16xi32>
      %le3A_1856 = arith.constant 12 : i32
      %le3A_1857 = vector.broadcast %le3A_1856 : i32 to vector<16xi32>
      %le3A_1858 = arith.cmpi sle, %and3A_1831, %le3A_1857 : vector<16xi32>
      %and3A_1859 = arith.andi %ge3A_1855, %le3A_1858 : vector<16xi1>
      %sub3A_1860 = arith.constant 1 : i32
      %sub3A_1861 = vector.broadcast %sub3A_1860 : i32 to vector<16xi32>
      %sub3A_1862 = arith.subi %and3A_1831, %sub3A_1861 : vector<16xi32>
      %jit3A_1863 = arith.constant 0 : i32
      %broadcast_in_dim3A_1864 = vector.broadcast %jit3A_1863 : i32 to vector<16xi32>
      %select_n3A_1865 = arith.select %and3A_1859, %sub3A_1862, %broadcast_in_dim3A_1864 : vector<16xi1>, vector<16xi32>
      %ge3A_1866 = arith.constant 1 : i32
      %ge3A_1867 = vector.broadcast %ge3A_1866 : i32 to vector<16xi32>
      %ge3A_1868 = arith.cmpi sge, %shift_right_logical3A_1840, %ge3A_1867 : vector<16xi32>
      %le3A_1869 = arith.constant 12 : i32
      %le3A_1870 = vector.broadcast %le3A_1869 : i32 to vector<16xi32>
      %le3A_1871 = arith.cmpi sle, %shift_right_logical3A_1840, %le3A_1870 : vector<16xi32>
      %and3A_1872 = arith.andi %ge3A_1868, %le3A_1871 : vector<16xi1>
      %sub3A_1873 = arith.constant 1 : i32
      %sub3A_1874 = vector.broadcast %sub3A_1873 : i32 to vector<16xi32>
      %sub3A_1875 = arith.subi %shift_right_logical3A_1840, %sub3A_1874 : vector<16xi32>
      %jit3A_1876 = arith.constant 0 : i32
      %broadcast_in_dim3A_1877 = vector.broadcast %jit3A_1876 : i32 to vector<16xi32>
      %select_n3A_1878 = arith.select %and3A_1872, %sub3A_1875, %broadcast_in_dim3A_1877 : vector<16xi1>, vector<16xi32>
      %mul3A_1879 = arith.constant 32 : i32
      %mul3A_1880 = vector.broadcast %mul3A_1879 : i32 to vector<16xi32>
      %mul3A_1881 = arith.muli %max3A_1846, %mul3A_1880 : vector<16xi32>
      %add3A_1882 = arith.addi %mul3A_1881, %max3A_1852 : vector<16xi32>
      %swap3A_1883 = arith.constant 0 : i32
      %swap3A_1884 = arith.index_cast %swap3A_1883 : i32 to index
      %swap3A_1885 = arith.constant 112 : index
      %swap3A_1886 = tpu.vector_load %arg11[%swap3A_1884, %swap3A_1885] {strides = array<i32>} : memref<2x128xi32, #tpu.memory_space<vmem>>, vector<16xi32>,
      tpu.vector_store %arg11[%swap3A_1884, %swap3A_1885], %add3A_1882 {strides = array<i32>} : memref<2x128xi32, #tpu.memory_space<vmem>>, vector<16xi32>,
      %mul3A_1887 = arith.constant 16 : i32
      %mul3A_1888 = vector.broadcast %mul3A_1887 : i32 to vector<16xi32>
      %mul3A_1889 = arith.muli %select_n3A_1865, %mul3A_1888 : vector<16xi32>
      %add3A_1890 = arith.addi %mul3A_1889, %select_n3A_1878 : vector<16xi32>
      %swap3A_1891 = arith.constant 0 : i32
      %swap3A_1892 = arith.index_cast %swap3A_1891 : i32 to index
      %swap3A_1893 = arith.constant 112 : index
      %swap3A_1894 = tpu.vector_load %arg12[%swap3A_1892, %swap3A_1893] {strides = array<i32>} : memref<2x128xi32, #tpu.memory_space<vmem>>, vector<16xi32>,
      tpu.vector_store %arg12[%swap3A_1892, %swap3A_1893], %add3A_1890 {strides = array<i32>} : memref<2x128xi32, #tpu.memory_space<vmem>>, vector<16xi32>,
      %add3A_1895 = arith.constant 256 : i32
      %add3A_1896 = arith.addi %mul3A_50, %add3A_1895 : i32
      %add3A_1897 = arith.constant 128 : i32
      %add3A_1898 = arith.addi %add3A_1896, %add3A_1897 : i32
      %get3A_1899 = arith.index_cast %add3A_1898 : i32 to index
      %get3A_1900 = tpu.vector_load %arg8[%get3A_1899] {strides = array<i32>} : memref<1024xi32, #tpu.memory_space<vmem>>, vector<16xi32>,
      %and3A_1901 = arith.constant 255 : i32
      %and3A_1902 = vector.broadcast %and3A_1901 : i32 to vector<16xi32>
      %and3A_1903 = arith.andi %get3A_1900, %and3A_1902 : vector<16xi32>
      %shift_right_logical3A_1904 = arith.constant 8 : i32
      %shift_right_logical3A_1905 = vector.broadcast %shift_right_logical3A_1904 : i32 to vector<16xi32>
      %shift_right_logical3A_1906 = arith.shrui %get3A_1900, %shift_right_logical3A_1905 : vector<16xi32>
      %and3A_1907 = arith.constant 255 : i32
      %and3A_1908 = vector.broadcast %and3A_1907 : i32 to vector<16xi32>
      %and3A_1909 = arith.andi %shift_right_logical3A_1906, %and3A_1908 : vector<16xi32>
      %shift_right_logical3A_1910 = arith.constant 16 : i32
      %shift_right_logical3A_1911 = vector.broadcast %shift_right_logical3A_1910 : i32 to vector<16xi32>
      %shift_right_logical3A_1912 = arith.shrui %get3A_1900, %shift_right_logical3A_1911 : vector<16xi32>
      %and3A_1913 = arith.constant 255 : i32
      %and3A_1914 = vector.broadcast %and3A_1913 : i32 to vector<16xi32>
      %and3A_1915 = arith.andi %shift_right_logical3A_1912, %and3A_1914 : vector<16xi32>
      %shift_right_logical3A_1916 = arith.constant 24 : i32
      %shift_right_logical3A_1917 = vector.broadcast %shift_right_logical3A_1916 : i32 to vector<16xi32>
      %shift_right_logical3A_1918 = arith.shrui %get3A_1900, %shift_right_logical3A_1917 : vector<16xi32>
      %sub3A_1919 = arith.constant 1 : i32
      %sub3A_1920 = vector.broadcast %sub3A_1919 : i32 to vector<16xi32>
      %sub3A_1921 = arith.subi %and3A_1903, %sub3A_1920 : vector<16xi32>
      %max3A_1922 = arith.constant 0 : i32
      %max3A_1923 = vector.broadcast %max3A_1922 : i32 to vector<16xi32>
      %max3A_1924 = arith.maxsi %sub3A_1921, %max3A_1923 : vector<16xi32>
      %sub3A_1925 = arith.constant 1 : i32
      %sub3A_1926 = vector.broadcast %sub3A_1925 : i32 to vector<16xi32>
      %sub3A_1927 = arith.subi %and3A_1915, %sub3A_1926 : vector<16xi32>
      %max3A_1928 = arith.constant 0 : i32
      %max3A_1929 = vector.broadcast %max3A_1928 : i32 to vector<16xi32>
      %max3A_1930 = arith.maxsi %sub3A_1927, %max3A_1929 : vector<16xi32>
      %ge3A_1931 = arith.constant 1 : i32
      %ge3A_1932 = vector.broadcast %ge3A_1931 : i32 to vector<16xi32>
      %ge3A_1933 = arith.cmpi sge, %and3A_1909, %ge3A_1932 : vector<16xi32>
      %le3A_1934 = arith.constant 12 : i32
      %le3A_1935 = vector.broadcast %le3A_1934 : i32 to vector<16xi32>
      %le3A_1936 = arith.cmpi sle, %and3A_1909, %le3A_1935 : vector<16xi32>
      %and3A_1937 = arith.andi %ge3A_1933, %le3A_1936 : vector<16xi1>
      %sub3A_1938 = arith.constant 1 : i32
      %sub3A_1939 = vector.broadcast %sub3A_1938 : i32 to vector<16xi32>
      %sub3A_1940 = arith.subi %and3A_1909, %sub3A_1939 : vector<16xi32>
      %jit3A_1941 = arith.constant 0 : i32
      %broadcast_in_dim3A_1942 = vector.broadcast %jit3A_1941 : i32 to vector<16xi32>
      %select_n3A_1943 = arith.select %and3A_1937, %sub3A_1940, %broadcast_in_dim3A_1942 : vector<16xi1>, vector<16xi32>
      %ge3A_1944 = arith.constant 1 : i32
      %ge3A_1945 = vector.broadcast %ge3A_1944 : i32 to vector<16xi32>
      %ge3A_1946 = arith.cmpi sge, %shift_right_logical3A_1918, %ge3A_1945 : vector<16xi32>
      %le3A_1947 = arith.constant 12 : i32
      %le3A_1948 = vector.broadcast %le3A_1947 : i32 to vector<16xi32>
      %le3A_1949 = arith.cmpi sle, %shift_right_logical3A_1918, %le3A_1948 : vector<16xi32>
      %and3A_1950 = arith.andi %ge3A_1946, %le3A_1949 : vector<16xi1>
      %sub3A_1951 = arith.constant 1 : i32
      %sub3A_1952 = vector.broadcast %sub3A_1951 : i32 to vector<16xi32>
      %sub3A_1953 = arith.subi %shift_right_logical3A_1918, %sub3A_1952 : vector<16xi32>
      %jit3A_1954 = arith.constant 0 : i32
      %broadcast_in_dim3A_1955 = vector.broadcast %jit3A_1954 : i32 to vector<16xi32>
      %select_n3A_1956 = arith.select %and3A_1950, %sub3A_1953, %broadcast_in_dim3A_1955 : vector<16xi1>, vector<16xi32>
      %mul3A_1957 = arith.constant 32 : i32
      %mul3A_1958 = vector.broadcast %mul3A_1957 : i32 to vector<16xi32>
      %mul3A_1959 = arith.muli %max3A_1924, %mul3A_1958 : vector<16xi32>
      %add3A_1960 = arith.addi %mul3A_1959, %max3A_1930 : vector<16xi32>
      %swap3A_1961 = arith.constant 1 : i32
      %swap3A_1962 = arith.index_cast %swap3A_1961 : i32 to index
      %swap3A_1963 = arith.constant 0 : index
      %swap3A_1964 = tpu.vector_load %arg11[%swap3A_1962, %swap3A_1963] {strides = array<i32>} : memref<2x128xi32, #tpu.memory_space<vmem>>, vector<16xi32>,
      tpu.vector_store %arg11[%swap3A_1962, %swap3A_1963], %add3A_1960 {strides = array<i32>} : memref<2x128xi32, #tpu.memory_space<vmem>>, vector<16xi32>,
      %mul3A_1965 = arith.constant 16 : i32
      %mul3A_1966 = vector.broadcast %mul3A_1965 : i32 to vector<16xi32>
      %mul3A_1967 = arith.muli %select_n3A_1943, %mul3A_1966 : vector<16xi32>
      %add3A_1968 = arith.addi %mul3A_1967, %select_n3A_1956 : vector<16xi32>
      %swap3A_1969 = arith.constant 1 : i32
      %swap3A_1970 = arith.index_cast %swap3A_1969 : i32 to index
      %swap3A_1971 = arith.constant 0 : index
      %swap3A_1972 = tpu.vector_load %arg12[%swap3A_1970, %swap3A_1971] {strides = array<i32>} : memref<2x128xi32, #tpu.memory_space<vmem>>, vector<16xi32>,
      tpu.vector_store %arg12[%swap3A_1970, %swap3A_1971], %add3A_1968 {strides = array<i32>} : memref<2x128xi32, #tpu.memory_space<vmem>>, vector<16xi32>,
      %add3A_1973 = arith.constant 256 : i32
      %add3A_1974 = arith.addi %mul3A_50, %add3A_1973 : i32
      %add3A_1975 = arith.constant 144 : i32
      %add3A_1976 = arith.addi %add3A_1974, %add3A_1975 : i32
      %get3A_1977 = arith.index_cast %add3A_1976 : i32 to index
      %get3A_1978 = tpu.vector_load %arg8[%get3A_1977] {strides = array<i32>} : memref<1024xi32, #tpu.memory_space<vmem>>, vector<16xi32>,
      %and3A_1979 = arith.constant 255 : i32
      %and3A_1980 = vector.broadcast %and3A_1979 : i32 to vector<16xi32>
      %and3A_1981 = arith.andi %get3A_1978, %and3A_1980 : vector<16xi32>
      %shift_right_logical3A_1982 = arith.constant 8 : i32
      %shift_right_logical3A_1983 = vector.broadcast %shift_right_logical3A_1982 : i32 to vector<16xi32>
      %shift_right_logical3A_1984 = arith.shrui %get3A_1978, %shift_right_logical3A_1983 : vector<16xi32>
      %and3A_1985 = arith.constant 255 : i32
      %and3A_1986 = vector.broadcast %and3A_1985 : i32 to vector<16xi32>
      %and3A_1987 = arith.andi %shift_right_logical3A_1984, %and3A_1986 : vector<16xi32>
      %shift_right_logical3A_1988 = arith.constant 16 : i32
      %shift_right_logical3A_1989 = vector.broadcast %shift_right_logical3A_1988 : i32 to vector<16xi32>
      %shift_right_logical3A_1990 = arith.shrui %get3A_1978, %shift_right_logical3A_1989 : vector<16xi32>
      %and3A_1991 = arith.constant 255 : i32
      %and3A_1992 = vector.broadcast %and3A_1991 : i32 to vector<16xi32>
      %and3A_1993 = arith.andi %shift_right_logical3A_1990, %and3A_1992 : vector<16xi32>
      %shift_right_logical3A_1994 = arith.constant 24 : i32
      %shift_right_logical3A_1995 = vector.broadcast %shift_right_logical3A_1994 : i32 to vector<16xi32>
      %shift_right_logical3A_1996 = arith.shrui %get3A_1978, %shift_right_logical3A_1995 : vector<16xi32>
      %sub3A_1997 = arith.constant 1 : i32
      %sub3A_1998 = vector.broadcast %sub3A_1997 : i32 to vector<16xi32>
      %sub3A_1999 = arith.subi %and3A_1981, %sub3A_1998 : vector<16xi32>
      %max3A_2000 = arith.constant 0 : i32
      %max3A_2001 = vector.broadcast %max3A_2000 : i32 to vector<16xi32>
      %max3A_2002 = arith.maxsi %sub3A_1999, %max3A_2001 : vector<16xi32>
      %sub3A_2003 = arith.constant 1 : i32
      %sub3A_2004 = vector.broadcast %sub3A_2003 : i32 to vector<16xi32>
      %sub3A_2005 = arith.subi %and3A_1993, %sub3A_2004 : vector<16xi32>
      %max3A_2006 = arith.constant 0 : i32
      %max3A_2007 = vector.broadcast %max3A_2006 : i32 to vector<16xi32>
      %max3A_2008 = arith.maxsi %sub3A_2005, %max3A_2007 : vector<16xi32>
      %ge3A_2009 = arith.constant 1 : i32
      %ge3A_2010 = vector.broadcast %ge3A_2009 : i32 to vector<16xi32>
      %ge3A_2011 = arith.cmpi sge, %and3A_1987, %ge3A_2010 : vector<16xi32>
      %le3A_2012 = arith.constant 12 : i32
      %le3A_2013 = vector.broadcast %le3A_2012 : i32 to vector<16xi32>
      %le3A_2014 = arith.cmpi sle, %and3A_1987, %le3A_2013 : vector<16xi32>
      %and3A_2015 = arith.andi %ge3A_2011, %le3A_2014 : vector<16xi1>
      %sub3A_2016 = arith.constant 1 : i32
      %sub3A_2017 = vector.broadcast %sub3A_2016 : i32 to vector<16xi32>
      %sub3A_2018 = arith.subi %and3A_1987, %sub3A_2017 : vector<16xi32>
      %jit3A_2019 = arith.constant 0 : i32
      %broadcast_in_dim3A_2020 = vector.broadcast %jit3A_2019 : i32 to vector<16xi32>
      %select_n3A_2021 = arith.select %and3A_2015, %sub3A_2018, %broadcast_in_dim3A_2020 : vector<16xi1>, vector<16xi32>
      %ge3A_2022 = arith.constant 1 : i32
      %ge3A_2023 = vector.broadcast %ge3A_2022 : i32 to vector<16xi32>
      %ge3A_2024 = arith.cmpi sge, %shift_right_logical3A_1996, %ge3A_2023 : vector<16xi32>
      %le3A_2025 = arith.constant 12 : i32
      %le3A_2026 = vector.broadcast %le3A_2025 : i32 to vector<16xi32>
      %le3A_2027 = arith.cmpi sle, %shift_right_logical3A_1996, %le3A_2026 : vector<16xi32>
      %and3A_2028 = arith.andi %ge3A_2024, %le3A_2027 : vector<16xi1>
      %sub3A_2029 = arith.constant 1 : i32
      %sub3A_2030 = vector.broadcast %sub3A_2029 : i32 to vector<16xi32>
      %sub3A_2031 = arith.subi %shift_right_logical3A_1996, %sub3A_2030 : vector<16xi32>
      %jit3A_2032 = arith.constant 0 : i32
      %broadcast_in_dim3A_2033 = vector.broadcast %jit3A_2032 : i32 to vector<16xi32>
      %select_n3A_2034 = arith.select %and3A_2028, %sub3A_2031, %broadcast_in_dim3A_2033 : vector<16xi1>, vector<16xi32>
      %mul3A_2035 = arith.constant 32 : i32
      %mul3A_2036 = vector.broadcast %mul3A_2035 : i32 to vector<16xi32>
      %mul3A_2037 = arith.muli %max3A_2002, %mul3A_2036 : vector<16xi32>
      %add3A_2038 = arith.addi %mul3A_2037, %max3A_2008 : vector<16xi32>
      %swap3A_2039 = arith.constant 1 : i32
      %swap3A_2040 = arith.index_cast %swap3A_2039 : i32 to index
      %swap3A_2041 = arith.constant 16 : index
      %swap3A_2042 = tpu.vector_load %arg11[%swap3A_2040, %swap3A_2041] {strides = array<i32>} : memref<2x128xi32, #tpu.memory_space<vmem>>, vector<16xi32>,
      tpu.vector_store %arg11[%swap3A_2040, %swap3A_2041], %add3A_2038 {strides = array<i32>} : memref<2x128xi32, #tpu.memory_space<vmem>>, vector<16xi32>,
      %mul3A_2043 = arith.constant 16 : i32
      %mul3A_2044 = vector.broadcast %mul3A_2043 : i32 to vector<16xi32>
      %mul3A_2045 = arith.muli %select_n3A_2021, %mul3A_2044 : vector<16xi32>
      %add3A_2046 = arith.addi %mul3A_2045, %select_n3A_2034 : vector<16xi32>
      %swap3A_2047 = arith.constant 1 : i32
      %swap3A_2048 = arith.index_cast %swap3A_2047 : i32 to index
      %swap3A_2049 = arith.constant 16 : index
      %swap3A_2050 = tpu.vector_load %arg12[%swap3A_2048, %swap3A_2049] {strides = array<i32>} : memref<2x128xi32, #tpu.memory_space<vmem>>, vector<16xi32>,
      tpu.vector_store %arg12[%swap3A_2048, %swap3A_2049], %add3A_2046 {strides = array<i32>} : memref<2x128xi32, #tpu.memory_space<vmem>>, vector<16xi32>,
      %add3A_2051 = arith.constant 256 : i32
      %add3A_2052 = arith.addi %mul3A_50, %add3A_2051 : i32
      %add3A_2053 = arith.constant 160 : i32
      %add3A_2054 = arith.addi %add3A_2052, %add3A_2053 : i32
      %get3A_2055 = arith.index_cast %add3A_2054 : i32 to index
      %get3A_2056 = tpu.vector_load %arg8[%get3A_2055] {strides = array<i32>} : memref<1024xi32, #tpu.memory_space<vmem>>, vector<16xi32>,
      %and3A_2057 = arith.constant 255 : i32
      %and3A_2058 = vector.broadcast %and3A_2057 : i32 to vector<16xi32>
      %and3A_2059 = arith.andi %get3A_2056, %and3A_2058 : vector<16xi32>
      %shift_right_logical3A_2060 = arith.constant 8 : i32
      %shift_right_logical3A_2061 = vector.broadcast %shift_right_logical3A_2060 : i32 to vector<16xi32>
      %shift_right_logical3A_2062 = arith.shrui %get3A_2056, %shift_right_logical3A_2061 : vector<16xi32>
      %and3A_2063 = arith.constant 255 : i32
      %and3A_2064 = vector.broadcast %and3A_2063 : i32 to vector<16xi32>
      %and3A_2065 = arith.andi %shift_right_logical3A_2062, %and3A_2064 : vector<16xi32>
      %shift_right_logical3A_2066 = arith.constant 16 : i32
      %shift_right_logical3A_2067 = vector.broadcast %shift_right_logical3A_2066 : i32 to vector<16xi32>
      %shift_right_logical3A_2068 = arith.shrui %get3A_2056, %shift_right_logical3A_2067 : vector<16xi32>
      %and3A_2069 = arith.constant 255 : i32
      %and3A_2070 = vector.broadcast %and3A_2069 : i32 to vector<16xi32>
      %and3A_2071 = arith.andi %shift_right_logical3A_2068, %and3A_2070 : vector<16xi32>
      %shift_right_logical3A_2072 = arith.constant 24 : i32
      %shift_right_logical3A_2073 = vector.broadcast %shift_right_logical3A_2072 : i32 to vector<16xi32>
      %shift_right_logical3A_2074 = arith.shrui %get3A_2056, %shift_right_logical3A_2073 : vector<16xi32>
      %sub3A_2075 = arith.constant 1 : i32
      %sub3A_2076 = vector.broadcast %sub3A_2075 : i32 to vector<16xi32>
      %sub3A_2077 = arith.subi %and3A_2059, %sub3A_2076 : vector<16xi32>
      %max3A_2078 = arith.constant 0 : i32
      %max3A_2079 = vector.broadcast %max3A_2078 : i32 to vector<16xi32>
      %max3A_2080 = arith.maxsi %sub3A_2077, %max3A_2079 : vector<16xi32>
      %sub3A_2081 = arith.constant 1 : i32
      %sub3A_2082 = vector.broadcast %sub3A_2081 : i32 to vector<16xi32>
      %sub3A_2083 = arith.subi %and3A_2071, %sub3A_2082 : vector<16xi32>
      %max3A_2084 = arith.constant 0 : i32
      %max3A_2085 = vector.broadcast %max3A_2084 : i32 to vector<16xi32>
      %max3A_2086 = arith.maxsi %sub3A_2083, %max3A_2085 : vector<16xi32>
      %ge3A_2087 = arith.constant 1 : i32
      %ge3A_2088 = vector.broadcast %ge3A_2087 : i32 to vector<16xi32>
      %ge3A_2089 = arith.cmpi sge, %and3A_2065, %ge3A_2088 : vector<16xi32>
      %le3A_2090 = arith.constant 12 : i32
      %le3A_2091 = vector.broadcast %le3A_2090 : i32 to vector<16xi32>
      %le3A_2092 = arith.cmpi sle, %and3A_2065, %le3A_2091 : vector<16xi32>
      %and3A_2093 = arith.andi %ge3A_2089, %le3A_2092 : vector<16xi1>
      %sub3A_2094 = arith.constant 1 : i32
      %sub3A_2095 = vector.broadcast %sub3A_2094 : i32 to vector<16xi32>
      %sub3A_2096 = arith.subi %and3A_2065, %sub3A_2095 : vector<16xi32>
      %jit3A_2097 = arith.constant 0 : i32
      %broadcast_in_dim3A_2098 = vector.broadcast %jit3A_2097 : i32 to vector<16xi32>
      %select_n3A_2099 = arith.select %and3A_2093, %sub3A_2096, %broadcast_in_dim3A_2098 : vector<16xi1>, vector<16xi32>
      %ge3A_2100 = arith.constant 1 : i32
      %ge3A_2101 = vector.broadcast %ge3A_2100 : i32 to vector<16xi32>
      %ge3A_2102 = arith.cmpi sge, %shift_right_logical3A_2074, %ge3A_2101 : vector<16xi32>
      %le3A_2103 = arith.constant 12 : i32
      %le3A_2104 = vector.broadcast %le3A_2103 : i32 to vector<16xi32>
      %le3A_2105 = arith.cmpi sle, %shift_right_logical3A_2074, %le3A_2104 : vector<16xi32>
      %and3A_2106 = arith.andi %ge3A_2102, %le3A_2105 : vector<16xi1>
      %sub3A_2107 = arith.constant 1 : i32
      %sub3A_2108 = vector.broadcast %sub3A_2107 : i32 to vector<16xi32>
      %sub3A_2109 = arith.subi %shift_right_logical3A_2074, %sub3A_2108 : vector<16xi32>
      %jit3A_2110 = arith.constant 0 : i32
      %broadcast_in_dim3A_2111 = vector.broadcast %jit3A_2110 : i32 to vector<16xi32>
      %select_n3A_2112 = arith.select %and3A_2106, %sub3A_2109, %broadcast_in_dim3A_2111 : vector<16xi1>, vector<16xi32>
      %mul3A_2113 = arith.constant 32 : i32
      %mul3A_2114 = vector.broadcast %mul3A_2113 : i32 to vector<16xi32>
      %mul3A_2115 = arith.muli %max3A_2080, %mul3A_2114 : vector<16xi32>
      %add3A_2116 = arith.addi %mul3A_2115, %max3A_2086 : vector<16xi32>
      %swap3A_2117 = arith.constant 1 : i32
      %swap3A_2118 = arith.index_cast %swap3A_2117 : i32 to index
      %swap3A_2119 = arith.constant 32 : index
      %swap3A_2120 = tpu.vector_load %arg11[%swap3A_2118, %swap3A_2119] {strides = array<i32>} : memref<2x128xi32, #tpu.memory_space<vmem>>, vector<16xi32>,
      tpu.vector_store %arg11[%swap3A_2118, %swap3A_2119], %add3A_2116 {strides = array<i32>} : memref<2x128xi32, #tpu.memory_space<vmem>>, vector<16xi32>,
      %mul3A_2121 = arith.constant 16 : i32
      %mul3A_2122 = vector.broadcast %mul3A_2121 : i32 to vector<16xi32>
      %mul3A_2123 = arith.muli %select_n3A_2099, %mul3A_2122 : vector<16xi32>
      %add3A_2124 = arith.addi %mul3A_2123, %select_n3A_2112 : vector<16xi32>
      %swap3A_2125 = arith.constant 1 : i32
      %swap3A_2126 = arith.index_cast %swap3A_2125 : i32 to index
      %swap3A_2127 = arith.constant 32 : index
      %swap3A_2128 = tpu.vector_load %arg12[%swap3A_2126, %swap3A_2127] {strides = array<i32>} : memref<2x128xi32, #tpu.memory_space<vmem>>, vector<16xi32>,
      tpu.vector_store %arg12[%swap3A_2126, %swap3A_2127], %add3A_2124 {strides = array<i32>} : memref<2x128xi32, #tpu.memory_space<vmem>>, vector<16xi32>,
      %add3A_2129 = arith.constant 256 : i32
      %add3A_2130 = arith.addi %mul3A_50, %add3A_2129 : i32
      %add3A_2131 = arith.constant 176 : i32
      %add3A_2132 = arith.addi %add3A_2130, %add3A_2131 : i32
      %get3A_2133 = arith.index_cast %add3A_2132 : i32 to index
      %get3A_2134 = tpu.vector_load %arg8[%get3A_2133] {strides = array<i32>} : memref<1024xi32, #tpu.memory_space<vmem>>, vector<16xi32>,
      %and3A_2135 = arith.constant 255 : i32
      %and3A_2136 = vector.broadcast %and3A_2135 : i32 to vector<16xi32>
      %and3A_2137 = arith.andi %get3A_2134, %and3A_2136 : vector<16xi32>
      %shift_right_logical3A_2138 = arith.constant 8 : i32
      %shift_right_logical3A_2139 = vector.broadcast %shift_right_logical3A_2138 : i32 to vector<16xi32>
      %shift_right_logical3A_2140 = arith.shrui %get3A_2134, %shift_right_logical3A_2139 : vector<16xi32>
      %and3A_2141 = arith.constant 255 : i32
      %and3A_2142 = vector.broadcast %and3A_2141 : i32 to vector<16xi32>
      %and3A_2143 = arith.andi %shift_right_logical3A_2140, %and3A_2142 : vector<16xi32>
      %shift_right_logical3A_2144 = arith.constant 16 : i32
      %shift_right_logical3A_2145 = vector.broadcast %shift_right_logical3A_2144 : i32 to vector<16xi32>
      %shift_right_logical3A_2146 = arith.shrui %get3A_2134, %shift_right_logical3A_2145 : vector<16xi32>
      %and3A_2147 = arith.constant 255 : i32
      %and3A_2148 = vector.broadcast %and3A_2147 : i32 to vector<16xi32>
      %and3A_2149 = arith.andi %shift_right_logical3A_2146, %and3A_2148 : vector<16xi32>
      %shift_right_logical3A_2150 = arith.constant 24 : i32
      %shift_right_logical3A_2151 = vector.broadcast %shift_right_logical3A_2150 : i32 to vector<16xi32>
      %shift_right_logical3A_2152 = arith.shrui %get3A_2134, %shift_right_logical3A_2151 : vector<16xi32>
      %sub3A_2153 = arith.constant 1 : i32
      %sub3A_2154 = vector.broadcast %sub3A_2153 : i32 to vector<16xi32>
      %sub3A_2155 = arith.subi %and3A_2137, %sub3A_2154 : vector<16xi32>
      %max3A_2156 = arith.constant 0 : i32
      %max3A_2157 = vector.broadcast %max3A_2156 : i32 to vector<16xi32>
      %max3A_2158 = arith.maxsi %sub3A_2155, %max3A_2157 : vector<16xi32>
      %sub3A_2159 = arith.constant 1 : i32
      %sub3A_2160 = vector.broadcast %sub3A_2159 : i32 to vector<16xi32>
      %sub3A_2161 = arith.subi %and3A_2149, %sub3A_2160 : vector<16xi32>
      %max3A_2162 = arith.constant 0 : i32
      %max3A_2163 = vector.broadcast %max3A_2162 : i32 to vector<16xi32>
      %max3A_2164 = arith.maxsi %sub3A_2161, %max3A_2163 : vector<16xi32>
      %ge3A_2165 = arith.constant 1 : i32
      %ge3A_2166 = vector.broadcast %ge3A_2165 : i32 to vector<16xi32>
      %ge3A_2167 = arith.cmpi sge, %and3A_2143, %ge3A_2166 : vector<16xi32>
      %le3A_2168 = arith.constant 12 : i32
      %le3A_2169 = vector.broadcast %le3A_2168 : i32 to vector<16xi32>
      %le3A_2170 = arith.cmpi sle, %and3A_2143, %le3A_2169 : vector<16xi32>
      %and3A_2171 = arith.andi %ge3A_2167, %le3A_2170 : vector<16xi1>
      %sub3A_2172 = arith.constant 1 : i32
      %sub3A_2173 = vector.broadcast %sub3A_2172 : i32 to vector<16xi32>
      %sub3A_2174 = arith.subi %and3A_2143, %sub3A_2173 : vector<16xi32>
      %jit3A_2175 = arith.constant 0 : i32
      %broadcast_in_dim3A_2176 = vector.broadcast %jit3A_2175 : i32 to vector<16xi32>
      %select_n3A_2177 = arith.select %and3A_2171, %sub3A_2174, %broadcast_in_dim3A_2176 : vector<16xi1>, vector<16xi32>
      %ge3A_2178 = arith.constant 1 : i32
      %ge3A_2179 = vector.broadcast %ge3A_2178 : i32 to vector<16xi32>
      %ge3A_2180 = arith.cmpi sge, %shift_right_logical3A_2152, %ge3A_2179 : vector<16xi32>
      %le3A_2181 = arith.constant 12 : i32
      %le3A_2182 = vector.broadcast %le3A_2181 : i32 to vector<16xi32>
      %le3A_2183 = arith.cmpi sle, %shift_right_logical3A_2152, %le3A_2182 : vector<16xi32>
      %and3A_2184 = arith.andi %ge3A_2180, %le3A_2183 : vector<16xi1>
      %sub3A_2185 = arith.constant 1 : i32
      %sub3A_2186 = vector.broadcast %sub3A_2185 : i32 to vector<16xi32>
      %sub3A_2187 = arith.subi %shift_right_logical3A_2152, %sub3A_2186 : vector<16xi32>
      %jit3A_2188 = arith.constant 0 : i32
      %broadcast_in_dim3A_2189 = vector.broadcast %jit3A_2188 : i32 to vector<16xi32>
      %select_n3A_2190 = arith.select %and3A_2184, %sub3A_2187, %broadcast_in_dim3A_2189 : vector<16xi1>, vector<16xi32>
      %mul3A_2191 = arith.constant 32 : i32
      %mul3A_2192 = vector.broadcast %mul3A_2191 : i32 to vector<16xi32>
      %mul3A_2193 = arith.muli %max3A_2158, %mul3A_2192 : vector<16xi32>
      %add3A_2194 = arith.addi %mul3A_2193, %max3A_2164 : vector<16xi32>
      %swap3A_2195 = arith.constant 1 : i32
      %swap3A_2196 = arith.index_cast %swap3A_2195 : i32 to index
      %swap3A_2197 = arith.constant 48 : index
      %swap3A_2198 = tpu.vector_load %arg11[%swap3A_2196, %swap3A_2197] {strides = array<i32>} : memref<2x128xi32, #tpu.memory_space<vmem>>, vector<16xi32>,
      tpu.vector_store %arg11[%swap3A_2196, %swap3A_2197], %add3A_2194 {strides = array<i32>} : memref<2x128xi32, #tpu.memory_space<vmem>>, vector<16xi32>,
      %mul3A_2199 = arith.constant 16 : i32
      %mul3A_2200 = vector.broadcast %mul3A_2199 : i32 to vector<16xi32>
      %mul3A_2201 = arith.muli %select_n3A_2177, %mul3A_2200 : vector<16xi32>
      %add3A_2202 = arith.addi %mul3A_2201, %select_n3A_2190 : vector<16xi32>
      %swap3A_2203 = arith.constant 1 : i32
      %swap3A_2204 = arith.index_cast %swap3A_2203 : i32 to index
      %swap3A_2205 = arith.constant 48 : index
      %swap3A_2206 = tpu.vector_load %arg12[%swap3A_2204, %swap3A_2205] {strides = array<i32>} : memref<2x128xi32, #tpu.memory_space<vmem>>, vector<16xi32>,
      tpu.vector_store %arg12[%swap3A_2204, %swap3A_2205], %add3A_2202 {strides = array<i32>} : memref<2x128xi32, #tpu.memory_space<vmem>>, vector<16xi32>,
      %add3A_2207 = arith.constant 256 : i32
      %add3A_2208 = arith.addi %mul3A_50, %add3A_2207 : i32
      %add3A_2209 = arith.constant 192 : i32
      %add3A_2210 = arith.addi %add3A_2208, %add3A_2209 : i32
      %get3A_2211 = arith.index_cast %add3A_2210 : i32 to index
      %get3A_2212 = tpu.vector_load %arg8[%get3A_2211] {strides = array<i32>} : memref<1024xi32, #tpu.memory_space<vmem>>, vector<16xi32>,
      %and3A_2213 = arith.constant 255 : i32
      %and3A_2214 = vector.broadcast %and3A_2213 : i32 to vector<16xi32>
      %and3A_2215 = arith.andi %get3A_2212, %and3A_2214 : vector<16xi32>
      %shift_right_logical3A_2216 = arith.constant 8 : i32
      %shift_right_logical3A_2217 = vector.broadcast %shift_right_logical3A_2216 : i32 to vector<16xi32>
      %shift_right_logical3A_2218 = arith.shrui %get3A_2212, %shift_right_logical3A_2217 : vector<16xi32>
      %and3A_2219 = arith.constant 255 : i32
      %and3A_2220 = vector.broadcast %and3A_2219 : i32 to vector<16xi32>
      %and3A_2221 = arith.andi %shift_right_logical3A_2218, %and3A_2220 : vector<16xi32>
      %shift_right_logical3A_2222 = arith.constant 16 : i32
      %shift_right_logical3A_2223 = vector.broadcast %shift_right_logical3A_2222 : i32 to vector<16xi32>
      %shift_right_logical3A_2224 = arith.shrui %get3A_2212, %shift_right_logical3A_2223 : vector<16xi32>
      %and3A_2225 = arith.constant 255 : i32
      %and3A_2226 = vector.broadcast %and3A_2225 : i32 to vector<16xi32>
      %and3A_2227 = arith.andi %shift_right_logical3A_2224, %and3A_2226 : vector<16xi32>
      %shift_right_logical3A_2228 = arith.constant 24 : i32
      %shift_right_logical3A_2229 = vector.broadcast %shift_right_logical3A_2228 : i32 to vector<16xi32>
      %shift_right_logical3A_2230 = arith.shrui %get3A_2212, %shift_right_logical3A_2229 : vector<16xi32>
      %sub3A_2231 = arith.constant 1 : i32
      %sub3A_2232 = vector.broadcast %sub3A_2231 : i32 to vector<16xi32>
      %sub3A_2233 = arith.subi %and3A_2215, %sub3A_2232 : vector<16xi32>
      %max3A_2234 = arith.constant 0 : i32
      %max3A_2235 = vector.broadcast %max3A_2234 : i32 to vector<16xi32>
      %max3A_2236 = arith.maxsi %sub3A_2233, %max3A_2235 : vector<16xi32>
      %sub3A_2237 = arith.constant 1 : i32
      %sub3A_2238 = vector.broadcast %sub3A_2237 : i32 to vector<16xi32>
      %sub3A_2239 = arith.subi %and3A_2227, %sub3A_2238 : vector<16xi32>
      %max3A_2240 = arith.constant 0 : i32
      %max3A_2241 = vector.broadcast %max3A_2240 : i32 to vector<16xi32>
      %max3A_2242 = arith.maxsi %sub3A_2239, %max3A_2241 : vector<16xi32>
      %ge3A_2243 = arith.constant 1 : i32
      %ge3A_2244 = vector.broadcast %ge3A_2243 : i32 to vector<16xi32>
      %ge3A_2245 = arith.cmpi sge, %and3A_2221, %ge3A_2244 : vector<16xi32>
      %le3A_2246 = arith.constant 12 : i32
      %le3A_2247 = vector.broadcast %le3A_2246 : i32 to vector<16xi32>
      %le3A_2248 = arith.cmpi sle, %and3A_2221, %le3A_2247 : vector<16xi32>
      %and3A_2249 = arith.andi %ge3A_2245, %le3A_2248 : vector<16xi1>
      %sub3A_2250 = arith.constant 1 : i32
      %sub3A_2251 = vector.broadcast %sub3A_2250 : i32 to vector<16xi32>
      %sub3A_2252 = arith.subi %and3A_2221, %sub3A_2251 : vector<16xi32>
      %jit3A_2253 = arith.constant 0 : i32
      %broadcast_in_dim3A_2254 = vector.broadcast %jit3A_2253 : i32 to vector<16xi32>
      %select_n3A_2255 = arith.select %and3A_2249, %sub3A_2252, %broadcast_in_dim3A_2254 : vector<16xi1>, vector<16xi32>
      %ge3A_2256 = arith.constant 1 : i32
      %ge3A_2257 = vector.broadcast %ge3A_2256 : i32 to vector<16xi32>
      %ge3A_2258 = arith.cmpi sge, %shift_right_logical3A_2230, %ge3A_2257 : vector<16xi32>
      %le3A_2259 = arith.constant 12 : i32
      %le3A_2260 = vector.broadcast %le3A_2259 : i32 to vector<16xi32>
      %le3A_2261 = arith.cmpi sle, %shift_right_logical3A_2230, %le3A_2260 : vector<16xi32>
      %and3A_2262 = arith.andi %ge3A_2258, %le3A_2261 : vector<16xi1>
      %sub3A_2263 = arith.constant 1 : i32
      %sub3A_2264 = vector.broadcast %sub3A_2263 : i32 to vector<16xi32>
      %sub3A_2265 = arith.subi %shift_right_logical3A_2230, %sub3A_2264 : vector<16xi32>
      %jit3A_2266 = arith.constant 0 : i32
      %broadcast_in_dim3A_2267 = vector.broadcast %jit3A_2266 : i32 to vector<16xi32>
      %select_n3A_2268 = arith.select %and3A_2262, %sub3A_2265, %broadcast_in_dim3A_2267 : vector<16xi1>, vector<16xi32>
      %mul3A_2269 = arith.constant 32 : i32
      %mul3A_2270 = vector.broadcast %mul3A_2269 : i32 to vector<16xi32>
      %mul3A_2271 = arith.muli %max3A_2236, %mul3A_2270 : vector<16xi32>
      %add3A_2272 = arith.addi %mul3A_2271, %max3A_2242 : vector<16xi32>
      %swap3A_2273 = arith.constant 1 : i32
      %swap3A_2274 = arith.index_cast %swap3A_2273 : i32 to index
      %swap3A_2275 = arith.constant 64 : index
      %swap3A_2276 = tpu.vector_load %arg11[%swap3A_2274, %swap3A_2275] {strides = array<i32>} : memref<2x128xi32, #tpu.memory_space<vmem>>, vector<16xi32>,
      tpu.vector_store %arg11[%swap3A_2274, %swap3A_2275], %add3A_2272 {strides = array<i32>} : memref<2x128xi32, #tpu.memory_space<vmem>>, vector<16xi32>,
      %mul3A_2277 = arith.constant 16 : i32
      %mul3A_2278 = vector.broadcast %mul3A_2277 : i32 to vector<16xi32>
      %mul3A_2279 = arith.muli %select_n3A_2255, %mul3A_2278 : vector<16xi32>
      %add3A_2280 = arith.addi %mul3A_2279, %select_n3A_2268 : vector<16xi32>
      %swap3A_2281 = arith.constant 1 : i32
      %swap3A_2282 = arith.index_cast %swap3A_2281 : i32 to index
      %swap3A_2283 = arith.constant 64 : index
      %swap3A_2284 = tpu.vector_load %arg12[%swap3A_2282, %swap3A_2283] {strides = array<i32>} : memref<2x128xi32, #tpu.memory_space<vmem>>, vector<16xi32>,
      tpu.vector_store %arg12[%swap3A_2282, %swap3A_2283], %add3A_2280 {strides = array<i32>} : memref<2x128xi32, #tpu.memory_space<vmem>>, vector<16xi32>,
      %add3A_2285 = arith.constant 256 : i32
      %add3A_2286 = arith.addi %mul3A_50, %add3A_2285 : i32
      %add3A_2287 = arith.constant 208 : i32
      %add3A_2288 = arith.addi %add3A_2286, %add3A_2287 : i32
      %get3A_2289 = arith.index_cast %add3A_2288 : i32 to index
      %get3A_2290 = tpu.vector_load %arg8[%get3A_2289] {strides = array<i32>} : memref<1024xi32, #tpu.memory_space<vmem>>, vector<16xi32>,
      %and3A_2291 = arith.constant 255 : i32
      %and3A_2292 = vector.broadcast %and3A_2291 : i32 to vector<16xi32>
      %and3A_2293 = arith.andi %get3A_2290, %and3A_2292 : vector<16xi32>
      %shift_right_logical3A_2294 = arith.constant 8 : i32
      %shift_right_logical3A_2295 = vector.broadcast %shift_right_logical3A_2294 : i32 to vector<16xi32>
      %shift_right_logical3A_2296 = arith.shrui %get3A_2290, %shift_right_logical3A_2295 : vector<16xi32>
      %and3A_2297 = arith.constant 255 : i32
      %and3A_2298 = vector.broadcast %and3A_2297 : i32 to vector<16xi32>
      %and3A_2299 = arith.andi %shift_right_logical3A_2296, %and3A_2298 : vector<16xi32>
      %shift_right_logical3A_2300 = arith.constant 16 : i32
      %shift_right_logical3A_2301 = vector.broadcast %shift_right_logical3A_2300 : i32 to vector<16xi32>
      %shift_right_logical3A_2302 = arith.shrui %get3A_2290, %shift_right_logical3A_2301 : vector<16xi32>
      %and3A_2303 = arith.constant 255 : i32
      %and3A_2304 = vector.broadcast %and3A_2303 : i32 to vector<16xi32>
      %and3A_2305 = arith.andi %shift_right_logical3A_2302, %and3A_2304 : vector<16xi32>
      %shift_right_logical3A_2306 = arith.constant 24 : i32
      %shift_right_logical3A_2307 = vector.broadcast %shift_right_logical3A_2306 : i32 to vector<16xi32>
      %shift_right_logical3A_2308 = arith.shrui %get3A_2290, %shift_right_logical3A_2307 : vector<16xi32>
      %sub3A_2309 = arith.constant 1 : i32
      %sub3A_2310 = vector.broadcast %sub3A_2309 : i32 to vector<16xi32>
      %sub3A_2311 = arith.subi %and3A_2293, %sub3A_2310 : vector<16xi32>
      %max3A_2312 = arith.constant 0 : i32
      %max3A_2313 = vector.broadcast %max3A_2312 : i32 to vector<16xi32>
      %max3A_2314 = arith.maxsi %sub3A_2311, %max3A_2313 : vector<16xi32>
      %sub3A_2315 = arith.constant 1 : i32
      %sub3A_2316 = vector.broadcast %sub3A_2315 : i32 to vector<16xi32>
      %sub3A_2317 = arith.subi %and3A_2305, %sub3A_2316 : vector<16xi32>
      %max3A_2318 = arith.constant 0 : i32
      %max3A_2319 = vector.broadcast %max3A_2318 : i32 to vector<16xi32>
      %max3A_2320 = arith.maxsi %sub3A_2317, %max3A_2319 : vector<16xi32>
      %ge3A_2321 = arith.constant 1 : i32
      %ge3A_2322 = vector.broadcast %ge3A_2321 : i32 to vector<16xi32>
      %ge3A_2323 = arith.cmpi sge, %and3A_2299, %ge3A_2322 : vector<16xi32>
      %le3A_2324 = arith.constant 12 : i32
      %le3A_2325 = vector.broadcast %le3A_2324 : i32 to vector<16xi32>
      %le3A_2326 = arith.cmpi sle, %and3A_2299, %le3A_2325 : vector<16xi32>
      %and3A_2327 = arith.andi %ge3A_2323, %le3A_2326 : vector<16xi1>
      %sub3A_2328 = arith.constant 1 : i32
      %sub3A_2329 = vector.broadcast %sub3A_2328 : i32 to vector<16xi32>
      %sub3A_2330 = arith.subi %and3A_2299, %sub3A_2329 : vector<16xi32>
      %jit3A_2331 = arith.constant 0 : i32
      %broadcast_in_dim3A_2332 = vector.broadcast %jit3A_2331 : i32 to vector<16xi32>
      %select_n3A_2333 = arith.select %and3A_2327, %sub3A_2330, %broadcast_in_dim3A_2332 : vector<16xi1>, vector<16xi32>
      %ge3A_2334 = arith.constant 1 : i32
      %ge3A_2335 = vector.broadcast %ge3A_2334 : i32 to vector<16xi32>
      %ge3A_2336 = arith.cmpi sge, %shift_right_logical3A_2308, %ge3A_2335 : vector<16xi32>
      %le3A_2337 = arith.constant 12 : i32
      %le3A_2338 = vector.broadcast %le3A_2337 : i32 to vector<16xi32>
      %le3A_2339 = arith.cmpi sle, %shift_right_logical3A_2308, %le3A_2338 : vector<16xi32>
      %and3A_2340 = arith.andi %ge3A_2336, %le3A_2339 : vector<16xi1>
      %sub3A_2341 = arith.constant 1 : i32
      %sub3A_2342 = vector.broadcast %sub3A_2341 : i32 to vector<16xi32>
      %sub3A_2343 = arith.subi %shift_right_logical3A_2308, %sub3A_2342 : vector<16xi32>
      %jit3A_2344 = arith.constant 0 : i32
      %broadcast_in_dim3A_2345 = vector.broadcast %jit3A_2344 : i32 to vector<16xi32>
      %select_n3A_2346 = arith.select %and3A_2340, %sub3A_2343, %broadcast_in_dim3A_2345 : vector<16xi1>, vector<16xi32>
      %mul3A_2347 = arith.constant 32 : i32
      %mul3A_2348 = vector.broadcast %mul3A_2347 : i32 to vector<16xi32>
      %mul3A_2349 = arith.muli %max3A_2314, %mul3A_2348 : vector<16xi32>
      %add3A_2350 = arith.addi %mul3A_2349, %max3A_2320 : vector<16xi32>
      %swap3A_2351 = arith.constant 1 : i32
      %swap3A_2352 = arith.index_cast %swap3A_2351 : i32 to index
      %swap3A_2353 = arith.constant 80 : index
      %swap3A_2354 = tpu.vector_load %arg11[%swap3A_2352, %swap3A_2353] {strides = array<i32>} : memref<2x128xi32, #tpu.memory_space<vmem>>, vector<16xi32>,
      tpu.vector_store %arg11[%swap3A_2352, %swap3A_2353], %add3A_2350 {strides = array<i32>} : memref<2x128xi32, #tpu.memory_space<vmem>>, vector<16xi32>,
      %mul3A_2355 = arith.constant 16 : i32
      %mul3A_2356 = vector.broadcast %mul3A_2355 : i32 to vector<16xi32>
      %mul3A_2357 = arith.muli %select_n3A_2333, %mul3A_2356 : vector<16xi32>
      %add3A_2358 = arith.addi %mul3A_2357, %select_n3A_2346 : vector<16xi32>
      %swap3A_2359 = arith.constant 1 : i32
      %swap3A_2360 = arith.index_cast %swap3A_2359 : i32 to index
      %swap3A_2361 = arith.constant 80 : index
      %swap3A_2362 = tpu.vector_load %arg12[%swap3A_2360, %swap3A_2361] {strides = array<i32>} : memref<2x128xi32, #tpu.memory_space<vmem>>, vector<16xi32>,
      tpu.vector_store %arg12[%swap3A_2360, %swap3A_2361], %add3A_2358 {strides = array<i32>} : memref<2x128xi32, #tpu.memory_space<vmem>>, vector<16xi32>,
      %add3A_2363 = arith.constant 256 : i32
      %add3A_2364 = arith.addi %mul3A_50, %add3A_2363 : i32
      %add3A_2365 = arith.constant 224 : i32
      %add3A_2366 = arith.addi %add3A_2364, %add3A_2365 : i32
      %get3A_2367 = arith.index_cast %add3A_2366 : i32 to index
      %get3A_2368 = tpu.vector_load %arg8[%get3A_2367] {strides = array<i32>} : memref<1024xi32, #tpu.memory_space<vmem>>, vector<16xi32>,
      %and3A_2369 = arith.constant 255 : i32
      %and3A_2370 = vector.broadcast %and3A_2369 : i32 to vector<16xi32>
      %and3A_2371 = arith.andi %get3A_2368, %and3A_2370 : vector<16xi32>
      %shift_right_logical3A_2372 = arith.constant 8 : i32
      %shift_right_logical3A_2373 = vector.broadcast %shift_right_logical3A_2372 : i32 to vector<16xi32>
      %shift_right_logical3A_2374 = arith.shrui %get3A_2368, %shift_right_logical3A_2373 : vector<16xi32>
      %and3A_2375 = arith.constant 255 : i32
      %and3A_2376 = vector.broadcast %and3A_2375 : i32 to vector<16xi32>
      %and3A_2377 = arith.andi %shift_right_logical3A_2374, %and3A_2376 : vector<16xi32>
      %shift_right_logical3A_2378 = arith.constant 16 : i32
      %shift_right_logical3A_2379 = vector.broadcast %shift_right_logical3A_2378 : i32 to vector<16xi32>
      %shift_right_logical3A_2380 = arith.shrui %get3A_2368, %shift_right_logical3A_2379 : vector<16xi32>
      %and3A_2381 = arith.constant 255 : i32
      %and3A_2382 = vector.broadcast %and3A_2381 : i32 to vector<16xi32>
      %and3A_2383 = arith.andi %shift_right_logical3A_2380, %and3A_2382 : vector<16xi32>
      %shift_right_logical3A_2384 = arith.constant 24 : i32
      %shift_right_logical3A_2385 = vector.broadcast %shift_right_logical3A_2384 : i32 to vector<16xi32>
      %shift_right_logical3A_2386 = arith.shrui %get3A_2368, %shift_right_logical3A_2385 : vector<16xi32>
      %sub3A_2387 = arith.constant 1 : i32
      %sub3A_2388 = vector.broadcast %sub3A_2387 : i32 to vector<16xi32>
      %sub3A_2389 = arith.subi %and3A_2371, %sub3A_2388 : vector<16xi32>
      %max3A_2390 = arith.constant 0 : i32
      %max3A_2391 = vector.broadcast %max3A_2390 : i32 to vector<16xi32>
      %max3A_2392 = arith.maxsi %sub3A_2389, %max3A_2391 : vector<16xi32>
      %sub3A_2393 = arith.constant 1 : i32
      %sub3A_2394 = vector.broadcast %sub3A_2393 : i32 to vector<16xi32>
      %sub3A_2395 = arith.subi %and3A_2383, %sub3A_2394 : vector<16xi32>
      %max3A_2396 = arith.constant 0 : i32
      %max3A_2397 = vector.broadcast %max3A_2396 : i32 to vector<16xi32>
      %max3A_2398 = arith.maxsi %sub3A_2395, %max3A_2397 : vector<16xi32>
      %ge3A_2399 = arith.constant 1 : i32
      %ge3A_2400 = vector.broadcast %ge3A_2399 : i32 to vector<16xi32>
      %ge3A_2401 = arith.cmpi sge, %and3A_2377, %ge3A_2400 : vector<16xi32>
      %le3A_2402 = arith.constant 12 : i32
      %le3A_2403 = vector.broadcast %le3A_2402 : i32 to vector<16xi32>
      %le3A_2404 = arith.cmpi sle, %and3A_2377, %le3A_2403 : vector<16xi32>
      %and3A_2405 = arith.andi %ge3A_2401, %le3A_2404 : vector<16xi1>
      %sub3A_2406 = arith.constant 1 : i32
      %sub3A_2407 = vector.broadcast %sub3A_2406 : i32 to vector<16xi32>
      %sub3A_2408 = arith.subi %and3A_2377, %sub3A_2407 : vector<16xi32>
      %jit3A_2409 = arith.constant 0 : i32
      %broadcast_in_dim3A_2410 = vector.broadcast %jit3A_2409 : i32 to vector<16xi32>
      %select_n3A_2411 = arith.select %and3A_2405, %sub3A_2408, %broadcast_in_dim3A_2410 : vector<16xi1>, vector<16xi32>
      %ge3A_2412 = arith.constant 1 : i32
      %ge3A_2413 = vector.broadcast %ge3A_2412 : i32 to vector<16xi32>
      %ge3A_2414 = arith.cmpi sge, %shift_right_logical3A_2386, %ge3A_2413 : vector<16xi32>
      %le3A_2415 = arith.constant 12 : i32
      %le3A_2416 = vector.broadcast %le3A_2415 : i32 to vector<16xi32>
      %le3A_2417 = arith.cmpi sle, %shift_right_logical3A_2386, %le3A_2416 : vector<16xi32>
      %and3A_2418 = arith.andi %ge3A_2414, %le3A_2417 : vector<16xi1>
      %sub3A_2419 = arith.constant 1 : i32
      %sub3A_2420 = vector.broadcast %sub3A_2419 : i32 to vector<16xi32>
      %sub3A_2421 = arith.subi %shift_right_logical3A_2386, %sub3A_2420 : vector<16xi32>
      %jit3A_2422 = arith.constant 0 : i32
      %broadcast_in_dim3A_2423 = vector.broadcast %jit3A_2422 : i32 to vector<16xi32>
      %select_n3A_2424 = arith.select %and3A_2418, %sub3A_2421, %broadcast_in_dim3A_2423 : vector<16xi1>, vector<16xi32>
      %mul3A_2425 = arith.constant 32 : i32
      %mul3A_2426 = vector.broadcast %mul3A_2425 : i32 to vector<16xi32>
      %mul3A_2427 = arith.muli %max3A_2392, %mul3A_2426 : vector<16xi32>
      %add3A_2428 = arith.addi %mul3A_2427, %max3A_2398 : vector<16xi32>
      %swap3A_2429 = arith.constant 1 : i32
      %swap3A_2430 = arith.index_cast %swap3A_2429 : i32 to index
      %swap3A_2431 = arith.constant 96 : index
      %swap3A_2432 = tpu.vector_load %arg11[%swap3A_2430, %swap3A_2431] {strides = array<i32>} : memref<2x128xi32, #tpu.memory_space<vmem>>, vector<16xi32>,
      tpu.vector_store %arg11[%swap3A_2430, %swap3A_2431], %add3A_2428 {strides = array<i32>} : memref<2x128xi32, #tpu.memory_space<vmem>>, vector<16xi32>,
      %mul3A_2433 = arith.constant 16 : i32
      %mul3A_2434 = vector.broadcast %mul3A_2433 : i32 to vector<16xi32>
      %mul3A_2435 = arith.muli %select_n3A_2411, %mul3A_2434 : vector<16xi32>
      %add3A_2436 = arith.addi %mul3A_2435, %select_n3A_2424 : vector<16xi32>
      %swap3A_2437 = arith.constant 1 : i32
      %swap3A_2438 = arith.index_cast %swap3A_2437 : i32 to index
      %swap3A_2439 = arith.constant 96 : index
      %swap3A_2440 = tpu.vector_load %arg12[%swap3A_2438, %swap3A_2439] {strides = array<i32>} : memref<2x128xi32, #tpu.memory_space<vmem>>, vector<16xi32>,
      tpu.vector_store %arg12[%swap3A_2438, %swap3A_2439], %add3A_2436 {strides = array<i32>} : memref<2x128xi32, #tpu.memory_space<vmem>>, vector<16xi32>,
      %add3A_2441 = arith.constant 256 : i32
      %add3A_2442 = arith.addi %mul3A_50, %add3A_2441 : i32
      %add3A_2443 = arith.constant 240 : i32
      %add3A_2444 = arith.addi %add3A_2442, %add3A_2443 : i32
      %get3A_2445 = arith.index_cast %add3A_2444 : i32 to index
      %get3A_2446 = tpu.vector_load %arg8[%get3A_2445] {strides = array<i32>} : memref<1024xi32, #tpu.memory_space<vmem>>, vector<16xi32>,
      %and3A_2447 = arith.constant 255 : i32
      %and3A_2448 = vector.broadcast %and3A_2447 : i32 to vector<16xi32>
      %and3A_2449 = arith.andi %get3A_2446, %and3A_2448 : vector<16xi32>
      %shift_right_logical3A_2450 = arith.constant 8 : i32
      %shift_right_logical3A_2451 = vector.broadcast %shift_right_logical3A_2450 : i32 to vector<16xi32>
      %shift_right_logical3A_2452 = arith.shrui %get3A_2446, %shift_right_logical3A_2451 : vector<16xi32>
      %and3A_2453 = arith.constant 255 : i32
      %and3A_2454 = vector.broadcast %and3A_2453 : i32 to vector<16xi32>
      %and3A_2455 = arith.andi %shift_right_logical3A_2452, %and3A_2454 : vector<16xi32>
      %shift_right_logical3A_2456 = arith.constant 16 : i32
      %shift_right_logical3A_2457 = vector.broadcast %shift_right_logical3A_2456 : i32 to vector<16xi32>
      %shift_right_logical3A_2458 = arith.shrui %get3A_2446, %shift_right_logical3A_2457 : vector<16xi32>
      %and3A_2459 = arith.constant 255 : i32
      %and3A_2460 = vector.broadcast %and3A_2459 : i32 to vector<16xi32>
      %and3A_2461 = arith.andi %shift_right_logical3A_2458, %and3A_2460 : vector<16xi32>
      %shift_right_logical3A_2462 = arith.constant 24 : i32
      %shift_right_logical3A_2463 = vector.broadcast %shift_right_logical3A_2462 : i32 to vector<16xi32>
      %shift_right_logical3A_2464 = arith.shrui %get3A_2446, %shift_right_logical3A_2463 : vector<16xi32>
      %sub3A_2465 = arith.constant 1 : i32
      %sub3A_2466 = vector.broadcast %sub3A_2465 : i32 to vector<16xi32>
      %sub3A_2467 = arith.subi %and3A_2449, %sub3A_2466 : vector<16xi32>
      %max3A_2468 = arith.constant 0 : i32
      %max3A_2469 = vector.broadcast %max3A_2468 : i32 to vector<16xi32>
      %max3A_2470 = arith.maxsi %sub3A_2467, %max3A_2469 : vector<16xi32>
      %sub3A_2471 = arith.constant 1 : i32
      %sub3A_2472 = vector.broadcast %sub3A_2471 : i32 to vector<16xi32>
      %sub3A_2473 = arith.subi %and3A_2461, %sub3A_2472 : vector<16xi32>
      %max3A_2474 = arith.constant 0 : i32
      %max3A_2475 = vector.broadcast %max3A_2474 : i32 to vector<16xi32>
      %max3A_2476 = arith.maxsi %sub3A_2473, %max3A_2475 : vector<16xi32>
      %ge3A_2477 = arith.constant 1 : i32
      %ge3A_2478 = vector.broadcast %ge3A_2477 : i32 to vector<16xi32>
      %ge3A_2479 = arith.cmpi sge, %and3A_2455, %ge3A_2478 : vector<16xi32>
      %le3A_2480 = arith.constant 12 : i32
      %le3A_2481 = vector.broadcast %le3A_2480 : i32 to vector<16xi32>
      %le3A_2482 = arith.cmpi sle, %and3A_2455, %le3A_2481 : vector<16xi32>
      %and3A_2483 = arith.andi %ge3A_2479, %le3A_2482 : vector<16xi1>
      %sub3A_2484 = arith.constant 1 : i32
      %sub3A_2485 = vector.broadcast %sub3A_2484 : i32 to vector<16xi32>
      %sub3A_2486 = arith.subi %and3A_2455, %sub3A_2485 : vector<16xi32>
      %jit3A_2487 = arith.constant 0 : i32
      %broadcast_in_dim3A_2488 = vector.broadcast %jit3A_2487 : i32 to vector<16xi32>
      %select_n3A_2489 = arith.select %and3A_2483, %sub3A_2486, %broadcast_in_dim3A_2488 : vector<16xi1>, vector<16xi32>
      %ge3A_2490 = arith.constant 1 : i32
      %ge3A_2491 = vector.broadcast %ge3A_2490 : i32 to vector<16xi32>
      %ge3A_2492 = arith.cmpi sge, %shift_right_logical3A_2464, %ge3A_2491 : vector<16xi32>
      %le3A_2493 = arith.constant 12 : i32
      %le3A_2494 = vector.broadcast %le3A_2493 : i32 to vector<16xi32>
      %le3A_2495 = arith.cmpi sle, %shift_right_logical3A_2464, %le3A_2494 : vector<16xi32>
      %and3A_2496 = arith.andi %ge3A_2492, %le3A_2495 : vector<16xi1>
      %sub3A_2497 = arith.constant 1 : i32
      %sub3A_2498 = vector.broadcast %sub3A_2497 : i32 to vector<16xi32>
      %sub3A_2499 = arith.subi %shift_right_logical3A_2464, %sub3A_2498 : vector<16xi32>
      %jit3A_2500 = arith.constant 0 : i32
      %broadcast_in_dim3A_2501 = vector.broadcast %jit3A_2500 : i32 to vector<16xi32>
      %select_n3A_2502 = arith.select %and3A_2496, %sub3A_2499, %broadcast_in_dim3A_2501 : vector<16xi1>, vector<16xi32>
      %mul3A_2503 = arith.constant 32 : i32
      %mul3A_2504 = vector.broadcast %mul3A_2503 : i32 to vector<16xi32>
      %mul3A_2505 = arith.muli %max3A_2470, %mul3A_2504 : vector<16xi32>
      %add3A_2506 = arith.addi %mul3A_2505, %max3A_2476 : vector<16xi32>
      %swap3A_2507 = arith.constant 1 : i32
      %swap3A_2508 = arith.index_cast %swap3A_2507 : i32 to index
      %swap3A_2509 = arith.constant 112 : index
      %swap3A_2510 = tpu.vector_load %arg11[%swap3A_2508, %swap3A_2509] {strides = array<i32>} : memref<2x128xi32, #tpu.memory_space<vmem>>, vector<16xi32>,
      tpu.vector_store %arg11[%swap3A_2508, %swap3A_2509], %add3A_2506 {strides = array<i32>} : memref<2x128xi32, #tpu.memory_space<vmem>>, vector<16xi32>,
      %mul3A_2511 = arith.constant 16 : i32
      %mul3A_2512 = vector.broadcast %mul3A_2511 : i32 to vector<16xi32>
      %mul3A_2513 = arith.muli %select_n3A_2489, %mul3A_2512 : vector<16xi32>
      %add3A_2514 = arith.addi %mul3A_2513, %select_n3A_2502 : vector<16xi32>
      %swap3A_2515 = arith.constant 1 : i32
      %swap3A_2516 = arith.index_cast %swap3A_2515 : i32 to index
      %swap3A_2517 = arith.constant 112 : index
      %swap3A_2518 = tpu.vector_load %arg12[%swap3A_2516, %swap3A_2517] {strides = array<i32>} : memref<2x128xi32, #tpu.memory_space<vmem>>, vector<16xi32>,
      tpu.vector_store %arg12[%swap3A_2516, %swap3A_2517], %add3A_2514 {strides = array<i32>} : memref<2x128xi32, #tpu.memory_space<vmem>>, vector<16xi32>,
      %dma_start3A_2519 = arith.constant 0 : i32
      %dma_start3A_2520 = arith.constant 0 : i32
      %dma_start3A_2521 = arith.constant 0 : i32
      %dma_start3A_2522 = tpu.memref_slice %arg13[%dma_start3A_2520, %dma_start3A_2521] : memref<256x128xf32, #tpu.memory_space<vmem>> -> memref<128x128xf32, #tpu.memory_space<vmem>>
      %dma_start3A_2523 = arith.constant 0 : i32
      %dma_start3A_2524 = tpu.memref_slice %arg9[%dma_start3A_2519, %dma_start3A_2523] : memref<2x128xi32, #tpu.memory_space<vmem>> -> memref<1x128xi32, #tpu.memory_space<vmem>>
      %dma_start3A_2525 = tpu.memref_squeeze %dma_start3A_2524 : memref<1x128xi32, #tpu.memory_space<vmem>> -> memref<128xi32, #tpu.memory_space<vmem>>
      %dma_start3A_2526 = arith.constant 0 : i32
      %dma_start3A_2527 = arith.constant 0 : i32
      %dma_start3A_2528 = tpu.memref_slice %arg6[%dma_start3A_2526, %dma_start3A_2527] : memref<1024x128xf32, #tpu.memory_space<vmem_shared>> -> memref<1024x128xf32, #tpu.memory_space<vmem_shared>>
      tpu.enqueue_indirect_dma source(%dma_start3A_2528 : memref<1024x128xf32, #tpu.memory_space<vmem_shared>>) target(%dma_start3A_2522 : memref<128x128xf32, #tpu.memory_space<vmem>>) offsets(%dma_start3A_2525 : memref<128xi32, #tpu.memory_space<vmem>>) semaphore(%arg15 : memref<!tpu.dma_semaphore, #tpu.memory_space<semaphore_mem>>)
      %dma_start3A_2529 = arith.constant 1 : i32
      %dma_start3A_2530 = arith.constant 128 : i32
      %dma_start3A_2531 = arith.constant 0 : i32
      %dma_start3A_2532 = tpu.memref_slice %arg13[%dma_start3A_2530, %dma_start3A_2531] : memref<256x128xf32, #tpu.memory_space<vmem>> -> memref<128x128xf32, #tpu.memory_space<vmem>>
      %dma_start3A_2533 = arith.constant 0 : i32
      %dma_start3A_2534 = tpu.memref_slice %arg9[%dma_start3A_2529, %dma_start3A_2533] : memref<2x128xi32, #tpu.memory_space<vmem>> -> memref<1x128xi32, #tpu.memory_space<vmem>>
      %dma_start3A_2535 = tpu.memref_squeeze %dma_start3A_2534 : memref<1x128xi32, #tpu.memory_space<vmem>> -> memref<128xi32, #tpu.memory_space<vmem>>
      %dma_start3A_2536 = arith.constant 0 : i32
      %dma_start3A_2537 = arith.constant 0 : i32
      %dma_start3A_2538 = tpu.memref_slice %arg6[%dma_start3A_2536, %dma_start3A_2537] : memref<1024x128xf32, #tpu.memory_space<vmem_shared>> -> memref<1024x128xf32, #tpu.memory_space<vmem_shared>>
      tpu.enqueue_indirect_dma source(%dma_start3A_2538 : memref<1024x128xf32, #tpu.memory_space<vmem_shared>>) target(%dma_start3A_2532 : memref<128x128xf32, #tpu.memory_space<vmem>>) offsets(%dma_start3A_2535 : memref<128xi32, #tpu.memory_space<vmem>>) semaphore(%arg15 : memref<!tpu.dma_semaphore, #tpu.memory_space<semaphore_mem>>)
      %dma_wait3A_2539 = arith.constant 0 : i32
      %dma_wait3A_2540 = arith.constant 0 : i32
      %dma_wait3A_2541 = arith.constant 0 : i32
      %dma_wait3A_2542 = tpu.memref_slice %arg13[%dma_wait3A_2540, %dma_wait3A_2541] : memref<256x128xf32, #tpu.memory_space<vmem>> -> memref<128x128xf32, #tpu.memory_space<vmem>>
      %dma_wait3A_2543 = arith.constant 0 : i32
      %dma_wait3A_2544 = tpu.memref_slice %arg9[%dma_wait3A_2539, %dma_wait3A_2543] : memref<2x128xi32, #tpu.memory_space<vmem>> -> memref<1x128xi32, #tpu.memory_space<vmem>>
      %dma_wait3A_2545 = tpu.memref_squeeze %dma_wait3A_2544 : memref<1x128xi32, #tpu.memory_space<vmem>> -> memref<128xi32, #tpu.memory_space<vmem>>
      %dma_wait3A_2546 = arith.constant 0 : i32
      %dma_wait3A_2547 = arith.constant 0 : i32
      %dma_wait3A_2548 = tpu.memref_slice %arg6[%dma_wait3A_2546, %dma_wait3A_2547] : memref<1024x128xf32, #tpu.memory_space<vmem_shared>> -> memref<1024x128xf32, #tpu.memory_space<vmem_shared>>
      tpu.wait_indirect_dma semaphore(%arg15 : memref<!tpu.dma_semaphore, #tpu.memory_space<semaphore_mem>>) src(%dma_wait3A_2548 : memref<1024x128xf32, #tpu.memory_space<vmem_shared>>) dst(%dma_wait3A_2542 : memref<128x128xf32, #tpu.memory_space<vmem>>)
      %dma_wait3A_2549 = arith.constant 1 : i32
      %dma_wait3A_2550 = arith.constant 128 : i32
      %dma_wait3A_2551 = arith.constant 0 : i32
      %dma_wait3A_2552 = tpu.memref_slice %arg13[%dma_wait3A_2550, %dma_wait3A_2551] : memref<256x128xf32, #tpu.memory_space<vmem>> -> memref<128x128xf32, #tpu.memory_space<vmem>>
      %dma_wait3A_2553 = arith.constant 0 : i32
      %dma_wait3A_2554 = tpu.memref_slice %arg9[%dma_wait3A_2549, %dma_wait3A_2553] : memref<2x128xi32, #tpu.memory_space<vmem>> -> memref<1x128xi32, #tpu.memory_space<vmem>>
      %dma_wait3A_2555 = tpu.memref_squeeze %dma_wait3A_2554 : memref<1x128xi32, #tpu.memory_space<vmem>> -> memref<128xi32, #tpu.memory_space<vmem>>
      %dma_wait3A_2556 = arith.constant 0 : i32
      %dma_wait3A_2557 = arith.constant 0 : i32
      %dma_wait3A_2558 = tpu.memref_slice %arg6[%dma_wait3A_2556, %dma_wait3A_2557] : memref<1024x128xf32, #tpu.memory_space<vmem_shared>> -> memref<1024x128xf32, #tpu.memory_space<vmem_shared>>
      tpu.wait_indirect_dma semaphore(%arg15 : memref<!tpu.dma_semaphore, #tpu.memory_space<semaphore_mem>>) src(%dma_wait3A_2558 : memref<1024x128xf32, #tpu.memory_space<vmem_shared>>) dst(%dma_wait3A_2552 : memref<128x128xf32, #tpu.memory_space<vmem>>)
      %dma_start3A_2559 = arith.constant 0 : i32
      %dma_start3A_2560 = arith.constant 0 : i32
      %dma_start3A_2561 = arith.constant 0 : i32
      %dma_start3A_2562 = tpu.memref_slice %arg13[%dma_start3A_2560, %dma_start3A_2561] : memref<256x128xf32, #tpu.memory_space<vmem>> -> memref<128x128xf32, #tpu.memory_space<vmem>>
      %dma_start3A_2563 = arith.constant 0 : i32
      %dma_start3A_2564 = tpu.memref_slice %arg10[%dma_start3A_2559, %dma_start3A_2563] : memref<2x128xi32, #tpu.memory_space<vmem>> -> memref<1x128xi32, #tpu.memory_space<vmem>>
      %dma_start3A_2565 = tpu.memref_squeeze %dma_start3A_2564 : memref<1x128xi32, #tpu.memory_space<vmem>> -> memref<128xi32, #tpu.memory_space<vmem>>
      %dma_start3A_2566 = arith.constant 0 : i32
      %dma_start3A_2567 = arith.constant 0 : i32
      %dma_start3A_2568 = tpu.memref_slice %arg7[%dma_start3A_2566, %dma_start3A_2567] : memref<256x128xf32, #tpu.memory_space<vmem_shared>> -> memref<256x128xf32, #tpu.memory_space<vmem_shared>>
      tpu.enqueue_indirect_dma source(%dma_start3A_2568 : memref<256x128xf32, #tpu.memory_space<vmem_shared>>) target(%dma_start3A_2562 : memref<128x128xf32, #tpu.memory_space<vmem>>) offsets(%dma_start3A_2565 : memref<128xi32, #tpu.memory_space<vmem>>) semaphore(%arg15 : memref<!tpu.dma_semaphore, #tpu.memory_space<semaphore_mem>>) {add = true}
      %dma_start3A_2569 = arith.constant 1 : i32
      %dma_start3A_2570 = arith.constant 128 : i32
      %dma_start3A_2571 = arith.constant 0 : i32
      %dma_start3A_2572 = tpu.memref_slice %arg13[%dma_start3A_2570, %dma_start3A_2571] : memref<256x128xf32, #tpu.memory_space<vmem>> -> memref<128x128xf32, #tpu.memory_space<vmem>>
      %dma_start3A_2573 = arith.constant 0 : i32
      %dma_start3A_2574 = tpu.memref_slice %arg10[%dma_start3A_2569, %dma_start3A_2573] : memref<2x128xi32, #tpu.memory_space<vmem>> -> memref<1x128xi32, #tpu.memory_space<vmem>>
      %dma_start3A_2575 = tpu.memref_squeeze %dma_start3A_2574 : memref<1x128xi32, #tpu.memory_space<vmem>> -> memref<128xi32, #tpu.memory_space<vmem>>
      %dma_start3A_2576 = arith.constant 0 : i32
      %dma_start3A_2577 = arith.constant 0 : i32
      %dma_start3A_2578 = tpu.memref_slice %arg7[%dma_start3A_2576, %dma_start3A_2577] : memref<256x128xf32, #tpu.memory_space<vmem_shared>> -> memref<256x128xf32, #tpu.memory_space<vmem_shared>>
      tpu.enqueue_indirect_dma source(%dma_start3A_2578 : memref<256x128xf32, #tpu.memory_space<vmem_shared>>) target(%dma_start3A_2572 : memref<128x128xf32, #tpu.memory_space<vmem>>) offsets(%dma_start3A_2575 : memref<128xi32, #tpu.memory_space<vmem>>) semaphore(%arg15 : memref<!tpu.dma_semaphore, #tpu.memory_space<semaphore_mem>>) {add = true}
      %dma_start3A_2579 = arith.constant 0 : i32
      %dma_start3A_2580 = arith.constant 0 : i32
      %dma_start3A_2581 = arith.constant 0 : i32
      %dma_start3A_2582 = tpu.memref_slice %arg14[%dma_start3A_2580, %dma_start3A_2581] : memref<256x128xf32, #tpu.memory_space<vmem>> -> memref<128x128xf32, #tpu.memory_space<vmem>>
      %dma_start3A_2583 = arith.constant 0 : i32
      %dma_start3A_2584 = tpu.memref_slice %arg11[%dma_start3A_2579, %dma_start3A_2583] : memref<2x128xi32, #tpu.memory_space<vmem>> -> memref<1x128xi32, #tpu.memory_space<vmem>>
      %dma_start3A_2585 = tpu.memref_squeeze %dma_start3A_2584 : memref<1x128xi32, #tpu.memory_space<vmem>> -> memref<128xi32, #tpu.memory_space<vmem>>
      %dma_start3A_2586 = arith.constant 0 : i32
      %dma_start3A_2587 = arith.constant 0 : i32
      %dma_start3A_2588 = tpu.memref_slice %arg6[%dma_start3A_2586, %dma_start3A_2587] : memref<1024x128xf32, #tpu.memory_space<vmem_shared>> -> memref<1024x128xf32, #tpu.memory_space<vmem_shared>>
      tpu.enqueue_indirect_dma source(%dma_start3A_2588 : memref<1024x128xf32, #tpu.memory_space<vmem_shared>>) target(%dma_start3A_2582 : memref<128x128xf32, #tpu.memory_space<vmem>>) offsets(%dma_start3A_2585 : memref<128xi32, #tpu.memory_space<vmem>>) semaphore(%arg15 : memref<!tpu.dma_semaphore, #tpu.memory_space<semaphore_mem>>)
      %dma_start3A_2589 = arith.constant 1 : i32
      %dma_start3A_2590 = arith.constant 128 : i32
      %dma_start3A_2591 = arith.constant 0 : i32
      %dma_start3A_2592 = tpu.memref_slice %arg14[%dma_start3A_2590, %dma_start3A_2591] : memref<256x128xf32, #tpu.memory_space<vmem>> -> memref<128x128xf32, #tpu.memory_space<vmem>>
      %dma_start3A_2593 = arith.constant 0 : i32
      %dma_start3A_2594 = tpu.memref_slice %arg11[%dma_start3A_2589, %dma_start3A_2593] : memref<2x128xi32, #tpu.memory_space<vmem>> -> memref<1x128xi32, #tpu.memory_space<vmem>>
      %dma_start3A_2595 = tpu.memref_squeeze %dma_start3A_2594 : memref<1x128xi32, #tpu.memory_space<vmem>> -> memref<128xi32, #tpu.memory_space<vmem>>
      %dma_start3A_2596 = arith.constant 0 : i32
      %dma_start3A_2597 = arith.constant 0 : i32
      %dma_start3A_2598 = tpu.memref_slice %arg6[%dma_start3A_2596, %dma_start3A_2597] : memref<1024x128xf32, #tpu.memory_space<vmem_shared>> -> memref<1024x128xf32, #tpu.memory_space<vmem_shared>>
      tpu.enqueue_indirect_dma source(%dma_start3A_2598 : memref<1024x128xf32, #tpu.memory_space<vmem_shared>>) target(%dma_start3A_2592 : memref<128x128xf32, #tpu.memory_space<vmem>>) offsets(%dma_start3A_2595 : memref<128xi32, #tpu.memory_space<vmem>>) semaphore(%arg15 : memref<!tpu.dma_semaphore, #tpu.memory_space<semaphore_mem>>)
      %dma_wait3A_2599 = arith.constant 0 : i32
      %dma_wait3A_2600 = arith.constant 0 : i32
      %dma_wait3A_2601 = arith.constant 0 : i32
      %dma_wait3A_2602 = tpu.memref_slice %arg13[%dma_wait3A_2600, %dma_wait3A_2601] : memref<256x128xf32, #tpu.memory_space<vmem>> -> memref<128x128xf32, #tpu.memory_space<vmem>>
      %dma_wait3A_2603 = arith.constant 0 : i32
      %dma_wait3A_2604 = tpu.memref_slice %arg10[%dma_wait3A_2599, %dma_wait3A_2603] : memref<2x128xi32, #tpu.memory_space<vmem>> -> memref<1x128xi32, #tpu.memory_space<vmem>>
      %dma_wait3A_2605 = tpu.memref_squeeze %dma_wait3A_2604 : memref<1x128xi32, #tpu.memory_space<vmem>> -> memref<128xi32, #tpu.memory_space<vmem>>
      %dma_wait3A_2606 = arith.constant 0 : i32
      %dma_wait3A_2607 = arith.constant 0 : i32
      %dma_wait3A_2608 = tpu.memref_slice %arg7[%dma_wait3A_2606, %dma_wait3A_2607] : memref<256x128xf32, #tpu.memory_space<vmem_shared>> -> memref<256x128xf32, #tpu.memory_space<vmem_shared>>
      tpu.wait_indirect_dma semaphore(%arg15 : memref<!tpu.dma_semaphore, #tpu.memory_space<semaphore_mem>>) src(%dma_wait3A_2608 : memref<256x128xf32, #tpu.memory_space<vmem_shared>>) dst(%dma_wait3A_2602 : memref<128x128xf32, #tpu.memory_space<vmem>>)
      %dma_wait3A_2609 = arith.constant 1 : i32
      %dma_wait3A_2610 = arith.constant 128 : i32
      %dma_wait3A_2611 = arith.constant 0 : i32
      %dma_wait3A_2612 = tpu.memref_slice %arg13[%dma_wait3A_2610, %dma_wait3A_2611] : memref<256x128xf32, #tpu.memory_space<vmem>> -> memref<128x128xf32, #tpu.memory_space<vmem>>
      %dma_wait3A_2613 = arith.constant 0 : i32
      %dma_wait3A_2614 = tpu.memref_slice %arg10[%dma_wait3A_2609, %dma_wait3A_2613] : memref<2x128xi32, #tpu.memory_space<vmem>> -> memref<1x128xi32, #tpu.memory_space<vmem>>
      %dma_wait3A_2615 = tpu.memref_squeeze %dma_wait3A_2614 : memref<1x128xi32, #tpu.memory_space<vmem>> -> memref<128xi32, #tpu.memory_space<vmem>>
      %dma_wait3A_2616 = arith.constant 0 : i32
      %dma_wait3A_2617 = arith.constant 0 : i32
      %dma_wait3A_2618 = tpu.memref_slice %arg7[%dma_wait3A_2616, %dma_wait3A_2617] : memref<256x128xf32, #tpu.memory_space<vmem_shared>> -> memref<256x128xf32, #tpu.memory_space<vmem_shared>>
      tpu.wait_indirect_dma semaphore(%arg15 : memref<!tpu.dma_semaphore, #tpu.memory_space<semaphore_mem>>) src(%dma_wait3A_2618 : memref<256x128xf32, #tpu.memory_space<vmem_shared>>) dst(%dma_wait3A_2612 : memref<128x128xf32, #tpu.memory_space<vmem>>)
      %dma_start3A_2619 = arith.constant 0 : i32
      %dma_start3A_2620 = tpu.memref_slice %arg5[%add3A_32, %dma_start3A_2619] : memref<409600x128xf32, #tpu.memory_space<hbm>> -> memref<256x128xf32, #tpu.memory_space<hbm>>
      %dma_start3A_2621 = arith.constant 0 : i32
      %dma_start3A_2622 = tpu.memref_slice %arg5[%add3A_32, %dma_start3A_2621] : memref<409600x128xf32, #tpu.memory_space<hbm>> -> memref<256x128xf32, #tpu.memory_space<hbm>>
      tpu.enqueue_dma source(%arg13 : memref<256x128xf32, #tpu.memory_space<vmem>>) target(%dma_start3A_2622 : memref<256x128xf32, #tpu.memory_space<hbm>>) target_semaphore(%arg16 : memref<!tpu.dma_semaphore, #tpu.memory_space<semaphore_mem>>)
      %dma_wait3A_2623 = arith.constant 0 : i32
      %dma_wait3A_2624 = arith.constant 0 : i32
      %dma_wait3A_2625 = arith.constant 0 : i32
      %dma_wait3A_2626 = tpu.memref_slice %arg14[%dma_wait3A_2624, %dma_wait3A_2625] : memref<256x128xf32, #tpu.memory_space<vmem>> -> memref<128x128xf32, #tpu.memory_space<vmem>>
      %dma_wait3A_2627 = arith.constant 0 : i32
      %dma_wait3A_2628 = tpu.memref_slice %arg11[%dma_wait3A_2623, %dma_wait3A_2627] : memref<2x128xi32, #tpu.memory_space<vmem>> -> memref<1x128xi32, #tpu.memory_space<vmem>>
      %dma_wait3A_2629 = tpu.memref_squeeze %dma_wait3A_2628 : memref<1x128xi32, #tpu.memory_space<vmem>> -> memref<128xi32, #tpu.memory_space<vmem>>
      %dma_wait3A_2630 = arith.constant 0 : i32
      %dma_wait3A_2631 = arith.constant 0 : i32
      %dma_wait3A_2632 = tpu.memref_slice %arg6[%dma_wait3A_2630, %dma_wait3A_2631] : memref<1024x128xf32, #tpu.memory_space<vmem_shared>> -> memref<1024x128xf32, #tpu.memory_space<vmem_shared>>
      tpu.wait_indirect_dma semaphore(%arg15 : memref<!tpu.dma_semaphore, #tpu.memory_space<semaphore_mem>>) src(%dma_wait3A_2632 : memref<1024x128xf32, #tpu.memory_space<vmem_shared>>) dst(%dma_wait3A_2626 : memref<128x128xf32, #tpu.memory_space<vmem>>)
      %dma_wait3A_2633 = arith.constant 1 : i32
      %dma_wait3A_2634 = arith.constant 128 : i32
      %dma_wait3A_2635 = arith.constant 0 : i32
      %dma_wait3A_2636 = tpu.memref_slice %arg14[%dma_wait3A_2634, %dma_wait3A_2635] : memref<256x128xf32, #tpu.memory_space<vmem>> -> memref<128x128xf32, #tpu.memory_space<vmem>>
      %dma_wait3A_2637 = arith.constant 0 : i32
      %dma_wait3A_2638 = tpu.memref_slice %arg11[%dma_wait3A_2633, %dma_wait3A_2637] : memref<2x128xi32, #tpu.memory_space<vmem>> -> memref<1x128xi32, #tpu.memory_space<vmem>>
      %dma_wait3A_2639 = tpu.memref_squeeze %dma_wait3A_2638 : memref<1x128xi32, #tpu.memory_space<vmem>> -> memref<128xi32, #tpu.memory_space<vmem>>
      %dma_wait3A_2640 = arith.constant 0 : i32
      %dma_wait3A_2641 = arith.constant 0 : i32
      %dma_wait3A_2642 = tpu.memref_slice %arg6[%dma_wait3A_2640, %dma_wait3A_2641] : memref<1024x128xf32, #tpu.memory_space<vmem_shared>> -> memref<1024x128xf32, #tpu.memory_space<vmem_shared>>
      tpu.wait_indirect_dma semaphore(%arg15 : memref<!tpu.dma_semaphore, #tpu.memory_space<semaphore_mem>>) src(%dma_wait3A_2642 : memref<1024x128xf32, #tpu.memory_space<vmem_shared>>) dst(%dma_wait3A_2636 : memref<128x128xf32, #tpu.memory_space<vmem>>)
      %dma_start3A_2643 = arith.constant 0 : i32
      %dma_start3A_2644 = arith.constant 0 : i32
      %dma_start3A_2645 = arith.constant 0 : i32
      %dma_start3A_2646 = tpu.memref_slice %arg14[%dma_start3A_2644, %dma_start3A_2645] : memref<256x128xf32, #tpu.memory_space<vmem>> -> memref<128x128xf32, #tpu.memory_space<vmem>>
      %dma_start3A_2647 = arith.constant 0 : i32
      %dma_start3A_2648 = tpu.memref_slice %arg12[%dma_start3A_2643, %dma_start3A_2647] : memref<2x128xi32, #tpu.memory_space<vmem>> -> memref<1x128xi32, #tpu.memory_space<vmem>>
      %dma_start3A_2649 = tpu.memref_squeeze %dma_start3A_2648 : memref<1x128xi32, #tpu.memory_space<vmem>> -> memref<128xi32, #tpu.memory_space<vmem>>
      %dma_start3A_2650 = arith.constant 0 : i32
      %dma_start3A_2651 = arith.constant 0 : i32
      %dma_start3A_2652 = tpu.memref_slice %arg7[%dma_start3A_2650, %dma_start3A_2651] : memref<256x128xf32, #tpu.memory_space<vmem_shared>> -> memref<256x128xf32, #tpu.memory_space<vmem_shared>>
      tpu.enqueue_indirect_dma source(%dma_start3A_2652 : memref<256x128xf32, #tpu.memory_space<vmem_shared>>) target(%dma_start3A_2646 : memref<128x128xf32, #tpu.memory_space<vmem>>) offsets(%dma_start3A_2649 : memref<128xi32, #tpu.memory_space<vmem>>) semaphore(%arg15 : memref<!tpu.dma_semaphore, #tpu.memory_space<semaphore_mem>>) {add = true}
      %dma_start3A_2653 = arith.constant 1 : i32
      %dma_start3A_2654 = arith.constant 128 : i32
      %dma_start3A_2655 = arith.constant 0 : i32
      %dma_start3A_2656 = tpu.memref_slice %arg14[%dma_start3A_2654, %dma_start3A_2655] : memref<256x128xf32, #tpu.memory_space<vmem>> -> memref<128x128xf32, #tpu.memory_space<vmem>>
      %dma_start3A_2657 = arith.constant 0 : i32
      %dma_start3A_2658 = tpu.memref_slice %arg12[%dma_start3A_2653, %dma_start3A_2657] : memref<2x128xi32, #tpu.memory_space<vmem>> -> memref<1x128xi32, #tpu.memory_space<vmem>>
      %dma_start3A_2659 = tpu.memref_squeeze %dma_start3A_2658 : memref<1x128xi32, #tpu.memory_space<vmem>> -> memref<128xi32, #tpu.memory_space<vmem>>
      %dma_start3A_2660 = arith.constant 0 : i32
      %dma_start3A_2661 = arith.constant 0 : i32
      %dma_start3A_2662 = tpu.memref_slice %arg7[%dma_start3A_2660, %dma_start3A_2661] : memref<256x128xf32, #tpu.memory_space<vmem_shared>> -> memref<256x128xf32, #tpu.memory_space<vmem_shared>>
      tpu.enqueue_indirect_dma source(%dma_start3A_2662 : memref<256x128xf32, #tpu.memory_space<vmem_shared>>) target(%dma_start3A_2656 : memref<128x128xf32, #tpu.memory_space<vmem>>) offsets(%dma_start3A_2659 : memref<128xi32, #tpu.memory_space<vmem>>) semaphore(%arg15 : memref<!tpu.dma_semaphore, #tpu.memory_space<semaphore_mem>>) {add = true}
      %dma_wait3A_2663 = arith.constant 0 : i32
      %dma_wait3A_2664 = arith.constant 0 : i32
      %dma_wait3A_2665 = arith.constant 0 : i32
      %dma_wait3A_2666 = tpu.memref_slice %arg14[%dma_wait3A_2664, %dma_wait3A_2665] : memref<256x128xf32, #tpu.memory_space<vmem>> -> memref<128x128xf32, #tpu.memory_space<vmem>>
      %dma_wait3A_2667 = arith.constant 0 : i32
      %dma_wait3A_2668 = tpu.memref_slice %arg12[%dma_wait3A_2663, %dma_wait3A_2667] : memref<2x128xi32, #tpu.memory_space<vmem>> -> memref<1x128xi32, #tpu.memory_space<vmem>>
      %dma_wait3A_2669 = tpu.memref_squeeze %dma_wait3A_2668 : memref<1x128xi32, #tpu.memory_space<vmem>> -> memref<128xi32, #tpu.memory_space<vmem>>
      %dma_wait3A_2670 = arith.constant 0 : i32
      %dma_wait3A_2671 = arith.constant 0 : i32
      %dma_wait3A_2672 = tpu.memref_slice %arg7[%dma_wait3A_2670, %dma_wait3A_2671] : memref<256x128xf32, #tpu.memory_space<vmem_shared>> -> memref<256x128xf32, #tpu.memory_space<vmem_shared>>
      tpu.wait_indirect_dma semaphore(%arg15 : memref<!tpu.dma_semaphore, #tpu.memory_space<semaphore_mem>>) src(%dma_wait3A_2672 : memref<256x128xf32, #tpu.memory_space<vmem_shared>>) dst(%dma_wait3A_2666 : memref<128x128xf32, #tpu.memory_space<vmem>>)
      %dma_wait3A_2673 = arith.constant 1 : i32
      %dma_wait3A_2674 = arith.constant 128 : i32
      %dma_wait3A_2675 = arith.constant 0 : i32
      %dma_wait3A_2676 = tpu.memref_slice %arg14[%dma_wait3A_2674, %dma_wait3A_2675] : memref<256x128xf32, #tpu.memory_space<vmem>> -> memref<128x128xf32, #tpu.memory_space<vmem>>
      %dma_wait3A_2677 = arith.constant 0 : i32
      %dma_wait3A_2678 = tpu.memref_slice %arg12[%dma_wait3A_2673, %dma_wait3A_2677] : memref<2x128xi32, #tpu.memory_space<vmem>> -> memref<1x128xi32, #tpu.memory_space<vmem>>
      %dma_wait3A_2679 = tpu.memref_squeeze %dma_wait3A_2678 : memref<1x128xi32, #tpu.memory_space<vmem>> -> memref<128xi32, #tpu.memory_space<vmem>>
      %dma_wait3A_2680 = arith.constant 0 : i32
      %dma_wait3A_2681 = arith.constant 0 : i32
      %dma_wait3A_2682 = tpu.memref_slice %arg7[%dma_wait3A_2680, %dma_wait3A_2681] : memref<256x128xf32, #tpu.memory_space<vmem_shared>> -> memref<256x128xf32, #tpu.memory_space<vmem_shared>>
      tpu.wait_indirect_dma semaphore(%arg15 : memref<!tpu.dma_semaphore, #tpu.memory_space<semaphore_mem>>) src(%dma_wait3A_2682 : memref<256x128xf32, #tpu.memory_space<vmem_shared>>) dst(%dma_wait3A_2676 : memref<128x128xf32, #tpu.memory_space<vmem>>)
      %dma_start3A_2683 = arith.constant 0 : i32
      %dma_start3A_2684 = tpu.memref_slice %arg5[%add3A_34, %dma_start3A_2683] : memref<409600x128xf32, #tpu.memory_space<hbm>> -> memref<256x128xf32, #tpu.memory_space<hbm>>
      %dma_start3A_2685 = arith.constant 0 : i32
      %dma_start3A_2686 = tpu.memref_slice %arg5[%add3A_34, %dma_start3A_2685] : memref<409600x128xf32, #tpu.memory_space<hbm>> -> memref<256x128xf32, #tpu.memory_space<hbm>>
      tpu.enqueue_dma source(%arg14 : memref<256x128xf32, #tpu.memory_space<vmem>>) target(%dma_start3A_2686 : memref<256x128xf32, #tpu.memory_space<hbm>>) target_semaphore(%arg16 : memref<!tpu.dma_semaphore, #tpu.memory_space<semaphore_mem>>)
    }
    %scan3A_14 = arith.constant 25 : i32
    %add3A_15 = arith.constant 12800 : i32
    %add3A_16 = arith.addi %mul3A_4, %add3A_15 : i32
    %sub3A = arith.constant 512 : i32
    %sub3A_17 = arith.subi %add3A_16, %sub3A : i32
    %dma_wait3A = arith.constant 0 : i32
    %dma_wait3A_18 = tpu.memref_slice %arg5[%sub3A_17, %dma_wait3A] : memref<409600x128xf32, #tpu.memory_space<hbm>> -> memref<256x128xf32, #tpu.memory_space<hbm>>
    %dma_wait3A_19 = arith.constant 0 : i32
    %dma_wait3A_20 = tpu.memref_slice %arg5[%sub3A_17, %dma_wait3A_19] : memref<409600x128xf32, #tpu.memory_space<hbm>> -> memref<256x128xf32, #tpu.memory_space<hbm>>
    tpu.wait_dma2 semaphore(%arg16 : memref<!tpu.dma_semaphore, #tpu.memory_space<semaphore_mem>>) src(%arg13 : memref<256x128xf32, #tpu.memory_space<vmem>>) dst(%dma_wait3A_20 : memref<256x128xf32, #tpu.memory_space<hbm>>)
    %add3A_21 = arith.constant 12800 : i32
    %add3A_22 = arith.addi %mul3A_4, %add3A_21 : i32
    %sub3A_23 = arith.constant 256 : i32
    %sub3A_24 = arith.subi %add3A_22, %sub3A_23 : i32
    %dma_wait3A_25 = arith.constant 0 : i32
    %dma_wait3A_26 = tpu.memref_slice %arg5[%sub3A_24, %dma_wait3A_25] : memref<409600x128xf32, #tpu.memory_space<hbm>> -> memref<256x128xf32, #tpu.memory_space<hbm>>
    %dma_wait3A_27 = arith.constant 0 : i32
    %dma_wait3A_28 = tpu.memref_slice %arg5[%sub3A_24, %dma_wait3A_27] : memref<409600x128xf32, #tpu.memory_space<hbm>> -> memref<256x128xf32, #tpu.memory_space<hbm>>
    tpu.wait_dma2 semaphore(%arg16 : memref<!tpu.dma_semaphore, #tpu.memory_space<semaphore_mem>>) src(%arg14 : memref<256x128xf32, #tpu.memory_space<vmem>>) dst(%dma_wait3A_28 : memref<256x128xf32, #tpu.memory_space<hbm>>)
    return
  }
}

module attributes {stable_mosaic.version = 14 : i64} {
  func.func @_tables_body(%arg0: memref<32x64xf32, #tpu.memory_space<vmem>>, %arg1: memref<16x64xf32, #tpu.memory_space<vmem>>, %arg2: memref<1x64xf32, #tpu.memory_space<vmem>>, %arg3: memref<1x64xf32, #tpu.memory_space<vmem>>, %arg4: memref<1x64xf32, #tpu.memory_space<vmem>>, %arg5: memref<1x64xf32, #tpu.memory_space<vmem>>, %arg6: memref<128x64xf32, #tpu.memory_space<vmem>>, %arg7: memref<1x64xf32, #tpu.memory_space<vmem>>, %arg8: memref<1024x128xf32, #tpu.memory_space<vmem>>, %arg9: memref<256x128xf32, #tpu.memory_space<vmem>>) attributes {dimension_semantics = [], scalar_prefetch = 0 : i64, scratch_operands = 0 : i64, tpu.core_type = #tpu.core_type<tc>} {
    %get3A = arith.constant 0 : index
    %get3A_0 = arith.constant 0 : index
    %get3A_1 = vector.load %arg0[%get3A, %get3A_0] : memref<32x64xf32, #tpu.memory_space<vmem>>, vector<32x64xf32>
    %get3A_2 = arith.constant 0 : index
    %get3A_3 = arith.constant 0 : index
    %get3A_4 = vector.load %arg2[%get3A_2, %get3A_3] : memref<1x64xf32, #tpu.memory_space<vmem>>, vector<1x64xf32>
    %get3A_5 = arith.constant 0 : index
    %get3A_6 = arith.constant 0 : index
    %get3A_7 = vector.load %arg3[%get3A_5, %get3A_6] : memref<1x64xf32, #tpu.memory_space<vmem>>, vector<1x64xf32>
    %reduce_sum3A = arith.constant dense<0.000000e+00> : vector<32xf32>
    %reduce_sum3A_8 = vector.multi_reduction <add>, %get3A_1, %reduce_sum3A [1] : vector<32x64xf32> to vector<32xf32>
    %broadcast_in_dim3A = vector.shape_cast %reduce_sum3A_8 : vector<32xf32> to vector<32x1xf32>
    %div3A = arith.constant 6.400000e+01 : f32
    %div3A_9 = vector.broadcast %div3A : f32 to vector<32x1xf32>
    %div3A_10 = arith.divf %broadcast_in_dim3A, %div3A_9 : vector<32x1xf32>
    %sub3A = vector.broadcast %div3A_10 : vector<32x1xf32> to vector<32x64xf32>
    %sub3A_11 = arith.subf %get3A_1, %sub3A : vector<32x64xf32>
    %integer_pow3A = arith.mulf %sub3A_11, %sub3A_11 : vector<32x64xf32>
    %reduce_sum3A_12 = arith.constant dense<0.000000e+00> : vector<32xf32>
    %reduce_sum3A_13 = vector.multi_reduction <add>, %integer_pow3A, %reduce_sum3A_12 [1] : vector<32x64xf32> to vector<32xf32>
    %broadcast_in_dim3A_14 = vector.shape_cast %reduce_sum3A_13 : vector<32xf32> to vector<32x1xf32>
    %div3A_15 = arith.constant 6.400000e+01 : f32
    %div3A_16 = vector.broadcast %div3A_15 : f32 to vector<32x1xf32>
    %div3A_17 = arith.divf %broadcast_in_dim3A_14, %div3A_16 : vector<32x1xf32>
    %sub3A_18 = vector.broadcast %div3A_10 : vector<32x1xf32> to vector<32x64xf32>
    %sub3A_19 = arith.subf %get3A_1, %sub3A_18 : vector<32x64xf32>
    %add3A = arith.constant 9.99999974E-6 : f32
    %add3A_20 = vector.broadcast %add3A : f32 to vector<32x1xf32>
    %add3A_21 = arith.addf %div3A_17, %add3A_20 : vector<32x1xf32>
    %sqrt3A = math.sqrt %add3A_21 : vector<32x1xf32>
    %div3A_22 = vector.broadcast %sqrt3A : vector<32x1xf32> to vector<32x64xf32>
    %div3A_23 = arith.divf %sub3A_19, %div3A_22 : vector<32x64xf32>
    %mul3A = vector.broadcast %get3A_4 : vector<1x64xf32> to vector<32x64xf32>
    %mul3A_24 = arith.mulf %div3A_23, %mul3A : vector<32x64xf32>
    %add3A_25 = vector.broadcast %get3A_7 : vector<1x64xf32> to vector<32x64xf32>
    %add3A_26 = arith.addf %mul3A_24, %add3A_25 : vector<32x64xf32>
    %get3A_27 = arith.constant 0 : index
    %get3A_28 = arith.constant 0 : index
    %get3A_29 = vector.load %arg1[%get3A_27, %get3A_28] : memref<16x64xf32, #tpu.memory_space<vmem>>, vector<16x64xf32>
    %get3A_30 = arith.constant 0 : index
    %get3A_31 = arith.constant 0 : index
    %get3A_32 = vector.load %arg4[%get3A_30, %get3A_31] : memref<1x64xf32, #tpu.memory_space<vmem>>, vector<1x64xf32>
    %get3A_33 = arith.constant 0 : index
    %get3A_34 = arith.constant 0 : index
    %get3A_35 = vector.load %arg5[%get3A_33, %get3A_34] : memref<1x64xf32, #tpu.memory_space<vmem>>, vector<1x64xf32>
    %reduce_sum3A_36 = arith.constant dense<0.000000e+00> : vector<16xf32>
    %reduce_sum3A_37 = vector.multi_reduction <add>, %get3A_29, %reduce_sum3A_36 [1] : vector<16x64xf32> to vector<16xf32>
    %broadcast_in_dim3A_38 = vector.shape_cast %reduce_sum3A_37 : vector<16xf32> to vector<16x1xf32>
    %div3A_39 = arith.constant 6.400000e+01 : f32
    %div3A_40 = vector.broadcast %div3A_39 : f32 to vector<16x1xf32>
    %div3A_41 = arith.divf %broadcast_in_dim3A_38, %div3A_40 : vector<16x1xf32>
    %sub3A_42 = vector.broadcast %div3A_41 : vector<16x1xf32> to vector<16x64xf32>
    %sub3A_43 = arith.subf %get3A_29, %sub3A_42 : vector<16x64xf32>
    %integer_pow3A_44 = arith.mulf %sub3A_43, %sub3A_43 : vector<16x64xf32>
    %reduce_sum3A_45 = arith.constant dense<0.000000e+00> : vector<16xf32>
    %reduce_sum3A_46 = vector.multi_reduction <add>, %integer_pow3A_44, %reduce_sum3A_45 [1] : vector<16x64xf32> to vector<16xf32>
    %broadcast_in_dim3A_47 = vector.shape_cast %reduce_sum3A_46 : vector<16xf32> to vector<16x1xf32>
    %div3A_48 = arith.constant 6.400000e+01 : f32
    %div3A_49 = vector.broadcast %div3A_48 : f32 to vector<16x1xf32>
    %div3A_50 = arith.divf %broadcast_in_dim3A_47, %div3A_49 : vector<16x1xf32>
    %sub3A_51 = vector.broadcast %div3A_41 : vector<16x1xf32> to vector<16x64xf32>
    %sub3A_52 = arith.subf %get3A_29, %sub3A_51 : vector<16x64xf32>
    %add3A_53 = arith.constant 9.99999974E-6 : f32
    %add3A_54 = vector.broadcast %add3A_53 : f32 to vector<16x1xf32>
    %add3A_55 = arith.addf %div3A_50, %add3A_54 : vector<16x1xf32>
    %sqrt3A_56 = math.sqrt %add3A_55 : vector<16x1xf32>
    %div3A_57 = vector.broadcast %sqrt3A_56 : vector<16x1xf32> to vector<16x64xf32>
    %div3A_58 = arith.divf %sub3A_52, %div3A_57 : vector<16x64xf32>
    %mul3A_59 = vector.broadcast %get3A_32 : vector<1x64xf32> to vector<16x64xf32>
    %mul3A_60 = arith.mulf %div3A_58, %mul3A_59 : vector<16x64xf32>
    %add3A_61 = vector.broadcast %get3A_35 : vector<1x64xf32> to vector<16x64xf32>
    %add3A_62 = arith.addf %mul3A_60, %add3A_61 : vector<16x64xf32>
    %get3A_63 = arith.constant 0 : index
    %get3A_64 = arith.constant 0 : index
    %get3A_65 = vector.load %arg6[%get3A_63, %get3A_64] : memref<128x64xf32, #tpu.memory_space<vmem>>, vector<64x64xf32>
    %dot_general3A = arith.constant dense<0.000000e+00> : vector<32x64xf32>
    %dot_general3A_66 = tpu.matmul %add3A_26, %get3A_65, %dot_general3A {dimension_numbers = #tpu.dot_dimension_numbers<[1], [0], [0], [1], [0, 0, 1, 1], [], []>, transpose_lhs_hint = false} : vector<32x64xf32>, vector<64x64xf32>, vector<32x64xf32> -> vector<32x64xf32>
    %get3A_67 = arith.constant 64 : index
    %get3A_68 = arith.constant 0 : index
    %get3A_69 = vector.load %arg6[%get3A_67, %get3A_68] : memref<128x64xf32, #tpu.memory_space<vmem>>, vector<64x64xf32>
    %dot_general3A_70 = arith.constant dense<0.000000e+00> : vector<16x64xf32>
    %dot_general3A_71 = tpu.matmul %add3A_62, %get3A_69, %dot_general3A_70 {dimension_numbers = #tpu.dot_dimension_numbers<[1], [0], [0], [1], [0, 0, 1, 1], [], []>, transpose_lhs_hint = false} : vector<16x64xf32>, vector<64x64xf32>, vector<16x64xf32> -> vector<16x64xf32>
    %get3A_72 = arith.constant 0 : index
    %get3A_73 = arith.constant 0 : index
    %get3A_74 = vector.load %arg7[%get3A_72, %get3A_73] : memref<1x64xf32, #tpu.memory_space<vmem>>, vector<1x64xf32>
    %add3A_75 = vector.broadcast %get3A_74 : vector<1x64xf32> to vector<16x64xf32>
    %add3A_76 = arith.addf %dot_general3A_71, %add3A_75 : vector<16x64xf32>
    %iota3A = tpu.iota {dimensions = array<i32: 0>} : vector<1024x32xi32>
    %iota3A_77 = tpu.iota {dimensions = array<i32: 1>} : vector<1024x32xi32>
    %jit3A = arith.constant 32 : i32
    %div3A_78 = vector.broadcast %jit3A : i32 to vector<1024x32xi32>
    %div3A_79 = arith.divsi %iota3A, %div3A_78 : vector<1024x32xi32>
    %sign3A = arith.constant 0 : i32
    %sign3A_80 = vector.broadcast %sign3A : i32 to vector<1024x32xi32>
    %sign3A_81 = arith.cmpi sgt, %iota3A, %sign3A_80 : vector<1024x32xi32>
    %sign3A_82 = arith.extui %sign3A_81 : vector<1024x32xi1> to vector<1024x32xi32>
    %sign3A_83 = arith.constant 0 : i32
    %sign3A_84 = vector.broadcast %sign3A_83 : i32 to vector<1024x32xi32>
    %sign3A_85 = arith.cmpi slt, %iota3A, %sign3A_84 : vector<1024x32xi32>
    %sign3A_86 = arith.extui %sign3A_85 : vector<1024x32xi1> to vector<1024x32xi32>
    %sign3A_87 = arith.subi %sign3A_82, %sign3A_86 : vector<1024x32xi32>
    %sign3A_88 = arith.constant 0 : i32
    %sign3A_89 = arith.cmpi sgt, %jit3A, %sign3A_88 : i32
    %sign3A_90 = arith.extui %sign3A_89 : i1 to i32
    %sign3A_91 = arith.constant 0 : i32
    %sign3A_92 = arith.cmpi slt, %jit3A, %sign3A_91 : i32
    %sign3A_93 = arith.extui %sign3A_92 : i1 to i32
    %sign3A_94 = arith.subi %sign3A_90, %sign3A_93 : i32
    %ne3A = vector.broadcast %sign3A_94 : i32 to vector<1024x32xi32>
    %ne3A_95 = arith.cmpi ne, %sign3A_87, %ne3A : vector<1024x32xi32>
    %rem3A = vector.broadcast %jit3A : i32 to vector<1024x32xi32>
    %rem3A_96 = arith.remsi %iota3A, %rem3A : vector<1024x32xi32>
    %ne3A_97 = arith.constant 0 : i32
    %ne3A_98 = vector.broadcast %ne3A_97 : i32 to vector<1024x32xi32>
    %ne3A_99 = arith.cmpi ne, %rem3A_96, %ne3A_98 : vector<1024x32xi32>
    %and3A = arith.andi %ne3A_95, %ne3A_99 : vector<1024x32xi1>
    %sub3A_100 = arith.constant 1 : i32
    %sub3A_101 = vector.broadcast %sub3A_100 : i32 to vector<1024x32xi32>
    %sub3A_102 = arith.subi %div3A_79, %sub3A_101 : vector<1024x32xi32>
    %select_n3A = arith.select %and3A, %sub3A_102, %div3A_79 : vector<1024x32xi1>, vector<1024x32xi32>
    %eq3A = arith.cmpi eq, %select_n3A, %iota3A_77 : vector<1024x32xi32>
    %convert_element_type3A = arith.extui %eq3A : vector<1024x32xi1> to vector<1024x32xi32>
    %convert_element_type3A_103 = arith.sitofp %convert_element_type3A : vector<1024x32xi32> to vector<1024x32xf32>
    %jit3A_104 = arith.constant 32 : i32
    %eq3A_105 = arith.constant 0 : i32
    %eq3A_106 = arith.cmpi eq, %jit3A_104, %eq3A_105 : i32
    %jit3A_107 = arith.constant 1 : i32
    %select_n3A_108 = arith.select %eq3A_106, %jit3A_107, %jit3A_104 : i32
    %rem3A_109 = vector.broadcast %select_n3A_108 : i32 to vector<1024x32xi32>
    %rem3A_110 = arith.remsi %iota3A, %rem3A_109 : vector<1024x32xi32>
    %ne3A_111 = arith.constant 0 : i32
    %ne3A_112 = vector.broadcast %ne3A_111 : i32 to vector<1024x32xi32>
    %ne3A_113 = arith.cmpi ne, %rem3A_110, %ne3A_112 : vector<1024x32xi32>
    %lt3A = arith.constant 0 : i32
    %lt3A_114 = vector.broadcast %lt3A : i32 to vector<1024x32xi32>
    %lt3A_115 = arith.cmpi slt, %rem3A_110, %lt3A_114 : vector<1024x32xi32>
    %lt3A_116 = arith.constant 0 : i32
    %lt3A_117 = arith.cmpi slt, %select_n3A_108, %lt3A_116 : i32
    %ne3A_118 = vector.broadcast %lt3A_117 : i1 to vector<1024x32xi1>
    %ne3A_119 = vector.broadcast %ne3A_118 : vector<1024x32xi1> to vector<1024x32xi1>
    %ne3A_120 = arith.xori %lt3A_115, %ne3A_119 : vector<1024x32xi1>
    %and3A_121 = arith.andi %ne3A_120, %ne3A_113 : vector<1024x32xi1>
    %add3A_122 = vector.broadcast %select_n3A_108 : i32 to vector<1024x32xi32>
    %add3A_123 = arith.addi %rem3A_110, %add3A_122 : vector<1024x32xi32>
    %select_n3A_124 = arith.select %and3A_121, %add3A_123, %rem3A_110 : vector<1024x32xi1>, vector<1024x32xi32>
    %eq3A_125 = arith.cmpi eq, %select_n3A_124, %iota3A_77 : vector<1024x32xi32>
    %convert_element_type3A_126 = arith.extui %eq3A_125 : vector<1024x32xi1> to vector<1024x32xi32>
    %convert_element_type3A_127 = arith.sitofp %convert_element_type3A_126 : vector<1024x32xi32> to vector<1024x32xf32>
    %dot_general3A_128 = arith.constant dense<0.000000e+00> : vector<1024x64xf32>
    %dot_general3A_129 = tpu.matmul %convert_element_type3A_103, %dot_general3A_66, %dot_general3A_128 {dimension_numbers = #tpu.dot_dimension_numbers<[1], [0], [0], [1], [0, 0, 1, 1], [], []>, transpose_lhs_hint = false} : vector<1024x32xf32>, vector<32x64xf32>, vector<1024x64xf32> -> vector<1024x64xf32>
    %dot_general3A_130 = arith.constant dense<0.000000e+00> : vector<1024x64xf32>
    %dot_general3A_131 = tpu.matmul %convert_element_type3A_127, %dot_general3A_66, %dot_general3A_130 {dimension_numbers = #tpu.dot_dimension_numbers<[1], [0], [0], [1], [0, 0, 1, 1], [], []>, transpose_lhs_hint = false} : vector<1024x32xf32>, vector<32x64xf32>, vector<1024x64xf32> -> vector<1024x64xf32>
    %concatenate3A = tpu.concatenate %dot_general3A_129, %dot_general3A_131 in 1 : vector<1024x64xf32>, vector<1024x64xf32> -> vector<1024x128xf32>
    %swap3A = arith.constant 0 : index
    %swap3A_132 = arith.constant 0 : index
    %swap3A_133 = vector.load %arg8[%swap3A, %swap3A_132] : memref<1024x128xf32, #tpu.memory_space<vmem>>, vector<1024x128xf32>
    tpu.vector_store %arg8[%swap3A, %swap3A_132], %concatenate3A {strides = array<i32>} : memref<1024x128xf32, #tpu.memory_space<vmem>>, vector<1024x128xf32>,
    %iota3A_134 = tpu.iota {dimensions = array<i32: 0>} : vector<256x16xi32>
    %iota3A_135 = tpu.iota {dimensions = array<i32: 1>} : vector<256x16xi32>
    %jit3A_136 = arith.constant 16 : i32
    %div3A_137 = vector.broadcast %jit3A_136 : i32 to vector<256x16xi32>
    %div3A_138 = arith.divsi %iota3A_134, %div3A_137 : vector<256x16xi32>
    %sign3A_139 = arith.constant 0 : i32
    %sign3A_140 = vector.broadcast %sign3A_139 : i32 to vector<256x16xi32>
    %sign3A_141 = arith.cmpi sgt, %iota3A_134, %sign3A_140 : vector<256x16xi32>
    %sign3A_142 = arith.extui %sign3A_141 : vector<256x16xi1> to vector<256x16xi32>
    %sign3A_143 = arith.constant 0 : i32
    %sign3A_144 = vector.broadcast %sign3A_143 : i32 to vector<256x16xi32>
    %sign3A_145 = arith.cmpi slt, %iota3A_134, %sign3A_144 : vector<256x16xi32>
    %sign3A_146 = arith.extui %sign3A_145 : vector<256x16xi1> to vector<256x16xi32>
    %sign3A_147 = arith.subi %sign3A_142, %sign3A_146 : vector<256x16xi32>
    %sign3A_148 = arith.constant 0 : i32
    %sign3A_149 = arith.cmpi sgt, %jit3A_136, %sign3A_148 : i32
    %sign3A_150 = arith.extui %sign3A_149 : i1 to i32
    %sign3A_151 = arith.constant 0 : i32
    %sign3A_152 = arith.cmpi slt, %jit3A_136, %sign3A_151 : i32
    %sign3A_153 = arith.extui %sign3A_152 : i1 to i32
    %sign3A_154 = arith.subi %sign3A_150, %sign3A_153 : i32
    %ne3A_155 = vector.broadcast %sign3A_154 : i32 to vector<256x16xi32>
    %ne3A_156 = arith.cmpi ne, %sign3A_147, %ne3A_155 : vector<256x16xi32>
    %rem3A_157 = vector.broadcast %jit3A_136 : i32 to vector<256x16xi32>
    %rem3A_158 = arith.remsi %iota3A_134, %rem3A_157 : vector<256x16xi32>
    %ne3A_159 = arith.constant 0 : i32
    %ne3A_160 = vector.broadcast %ne3A_159 : i32 to vector<256x16xi32>
    %ne3A_161 = arith.cmpi ne, %rem3A_158, %ne3A_160 : vector<256x16xi32>
    %and3A_162 = arith.andi %ne3A_156, %ne3A_161 : vector<256x16xi1>
    %sub3A_163 = arith.constant 1 : i32
    %sub3A_164 = vector.broadcast %sub3A_163 : i32 to vector<256x16xi32>
    %sub3A_165 = arith.subi %div3A_138, %sub3A_164 : vector<256x16xi32>
    %select_n3A_166 = arith.select %and3A_162, %sub3A_165, %div3A_138 : vector<256x16xi1>, vector<256x16xi32>
    %eq3A_167 = arith.cmpi eq, %select_n3A_166, %iota3A_135 : vector<256x16xi32>
    %convert_element_type3A_168 = arith.extui %eq3A_167 : vector<256x16xi1> to vector<256x16xi32>
    %convert_element_type3A_169 = arith.sitofp %convert_element_type3A_168 : vector<256x16xi32> to vector<256x16xf32>
    %jit3A_170 = arith.constant 16 : i32
    %eq3A_171 = arith.constant 0 : i32
    %eq3A_172 = arith.cmpi eq, %jit3A_170, %eq3A_171 : i32
    %jit3A_173 = arith.constant 1 : i32
    %select_n3A_174 = arith.select %eq3A_172, %jit3A_173, %jit3A_170 : i32
    %rem3A_175 = vector.broadcast %select_n3A_174 : i32 to vector<256x16xi32>
    %rem3A_176 = arith.remsi %iota3A_134, %rem3A_175 : vector<256x16xi32>
    %ne3A_177 = arith.constant 0 : i32
    %ne3A_178 = vector.broadcast %ne3A_177 : i32 to vector<256x16xi32>
    %ne3A_179 = arith.cmpi ne, %rem3A_176, %ne3A_178 : vector<256x16xi32>
    %lt3A_180 = arith.constant 0 : i32
    %lt3A_181 = vector.broadcast %lt3A_180 : i32 to vector<256x16xi32>
    %lt3A_182 = arith.cmpi slt, %rem3A_176, %lt3A_181 : vector<256x16xi32>
    %lt3A_183 = arith.constant 0 : i32
    %lt3A_184 = arith.cmpi slt, %select_n3A_174, %lt3A_183 : i32
    %ne3A_185 = vector.broadcast %lt3A_184 : i1 to vector<256x16xi1>
    %ne3A_186 = vector.broadcast %ne3A_185 : vector<256x16xi1> to vector<256x16xi1>
    %ne3A_187 = arith.xori %lt3A_182, %ne3A_186 : vector<256x16xi1>
    %and3A_188 = arith.andi %ne3A_187, %ne3A_179 : vector<256x16xi1>
    %add3A_189 = vector.broadcast %select_n3A_174 : i32 to vector<256x16xi32>
    %add3A_190 = arith.addi %rem3A_176, %add3A_189 : vector<256x16xi32>
    %select_n3A_191 = arith.select %and3A_188, %add3A_190, %rem3A_176 : vector<256x16xi1>, vector<256x16xi32>
    %eq3A_192 = arith.cmpi eq, %select_n3A_191, %iota3A_135 : vector<256x16xi32>
    %convert_element_type3A_193 = arith.extui %eq3A_192 : vector<256x16xi1> to vector<256x16xi32>
    %convert_element_type3A_194 = arith.sitofp %convert_element_type3A_193 : vector<256x16xi32> to vector<256x16xf32>
    %dot_general3A_195 = arith.constant dense<0.000000e+00> : vector<256x64xf32>
    %dot_general3A_196 = tpu.matmul %convert_element_type3A_169, %add3A_76, %dot_general3A_195 {dimension_numbers = #tpu.dot_dimension_numbers<[1], [0], [0], [1], [0, 0, 1, 1], [], []>, transpose_lhs_hint = false} : vector<256x16xf32>, vector<16x64xf32>, vector<256x64xf32> -> vector<256x64xf32>
    %dot_general3A_197 = arith.constant dense<0.000000e+00> : vector<256x64xf32>
    %dot_general3A_198 = tpu.matmul %convert_element_type3A_194, %add3A_76, %dot_general3A_197 {dimension_numbers = #tpu.dot_dimension_numbers<[1], [0], [0], [1], [0, 0, 1, 1], [], []>, transpose_lhs_hint = false} : vector<256x16xf32>, vector<16x64xf32>, vector<256x64xf32> -> vector<256x64xf32>
    %concatenate3A_199 = tpu.concatenate %dot_general3A_196, %dot_general3A_198 in 1 : vector<256x64xf32>, vector<256x64xf32> -> vector<256x128xf32>
    %swap3A_200 = arith.constant 0 : index
    %swap3A_201 = arith.constant 0 : index
    %swap3A_202 = vector.load %arg9[%swap3A_200, %swap3A_201] : memref<256x128xf32, #tpu.memory_space<vmem>>, vector<256x128xf32>
    tpu.vector_store %arg9[%swap3A_200, %swap3A_201], %concatenate3A_199 {strides = array<i32>} : memref<256x128xf32, #tpu.memory_space<vmem>>, vector<256x128xf32>,
    return
  }
}

</mosaic_0001>

<sc_bundles>
// kernel: kernel.4.cloned.1.call-start
scs
__scs_entry_jumppad:
0x0: {  	(pc) =	sbr.rel $0x88, $3  }
0x1: {  	(tag) =	ssettag $0x0;
	lr =	simm.s32 $0x1  }
0x2: {  	[smem:$0x3F98] =	sst lr;
	_ =	strace $0xD0000000  }
0x3: {  	_ = 	snop  }
0x4: {  	_ = 	snop  }
0x5: {  	_ = 	snop  }
0x6: {  	_ = 	snop  }
0x7: {  	_ = 	snop  }
__scs_overlays_trampoline_lowered:
0x8: {  	[smem:$0x3FA7] =	sst s0  }
0x9: {  	[smem:$0x3FA8] =	sst s1  }
0xa: {  	[smem:$0x3FA9] =	sst s2  }
0xb: {  	[smem:$0x3FAA] =	sst s3  }
0xc: {  	[smem:$0x3FAB] =	sst s4  }
0xd: {  	[smem:$0x3FAC] =	sst s5  }
0xe: {  	[smem:$0x3FAD] =	sst s6  }
0xf: {  	[smem:$0x3FAE] =	sst s7  }
0x10: {  	[smem:$0x3FAF] =	sst s8  }
0x11: {  	[smem:$0x3FB0] =	sst s9;
	s0 =	simm.s32 @!p0 $0x0  }
0x12: {  	s1 =	sld [smem:$0x3F96];
	s0 =	simm.s32 @p0 $0x1  }
0x13: {  	[smem:$0x3FB1] =	sst s0;
	s0 =	simm.s32 @!p1 $0x0  }
0x14: {  	s2 =	sld [smem:$0x3F95];
	s0 =	simm.s32 @p1 $0x1  }
0x15: {  	[smem:$0x3FB2] =	sst s0;
	s0 =	simm.s32 @!p2 $0x0  }
0x16: {  	s3 =	sld [smem:$0x3FDB];
	s0 =	simm.s32 @p2 $0x1  }
0x17: {  	s4 =	simm.s32 $0x1BF5;
	[smem:$0x3FB4] =	sst s0  }
0x18: {  	s0 =	sld [smem:$0x3F97];
	_ =	swait.ge [sflag:s4], $0x0  }
0x19: {  	s7 =	sld [smem:$0x3F98]  }
0x1a: {  	s8 =	sadd.s32 $0xFFFFE003, lr  }
0x1b: {  	s9 =	sadd.s32 $0xFFFFFEF7, lr;
	s5 =	simm.s32 $0xFFFFFFFF;
	p2 =	slt.u32 s8, $0xFFFFF086  }
0x1c: {  	p1 =	slt.u32 s9, $0xF7A;
	s5 =	simm.s32 @!p2 $0x0  }
0x1d: {  	s5 =	simm.s32 @p1 $0x1;
	p0 =	seq.s32 s7, s2  }
0x1e: {  	s7 =	smul.u32 @!p0 $0xF7A, s2;
	p2 =	seq.s32 @!p0 s5, $0x0  }
0x1f: {  	s9 =	smul.u32 $0xF7A, s1;
	s8 =	simm.s32 @!p0 $0x1BF5;
	p2 =	por !p2, p0  }
0x20: {  	[sflag:s8] =	ssyncset.s32 @!p0 $0xFFFFF086;
	s6 =	sadd.s32 @!p0 s3, s7;
	s7 =	simm.s32 @!p0 $0x108  }
0x21: {  	s3 =	sadd.s32 s3, s9;
	s6 =	sadd.s32 @!p0 $0x88, s6;
	s7 =	simm.s32 @p2 $0x1082  }
0x22: {  	[simem:s7], [sflag:s8] =	dma.local @!p0 [hbm:s6], $0xF7A  }
0x23: {  	s9 =	sor.u32 $0xD0000000, s2;
	s6 =	simm.s32 $0x108;
	_ =	swait.ge @!p0 [sflag:s8], $0x0  }
0x24: {  	s3 =	sadd.s32 $0x88, s3;
	s6 =	simm.s32 @!p1 $0x1082;
	[sflag:s4] =	ssyncset.s32 $0xFFFFF086  }
0x25: {  	[simem:s6], [sflag:s4] =	dma.local [hbm:s3], $0xF7A  }
0x26: {  	[smem:$0x3F98] =	sst s1;
	(tag) =	ssettag s2;
	_ =	strace s9  }
0x27: {  	s1 =	sld [smem:$0x3FA8]  }
0x28: {  	s2 =	sld [smem:$0x3FA9]  }
0x29: {  	s4 =	sld [smem:$0x3FAB]  }
0x2a: {  	p0 =	seq.s32 s5, $0x0;
	s5 =	sld [smem:$0x3FAC]  }
0x2b: {  	s6 =	sld [smem:$0x3FAD]  }
0x2c: {  	s7 =	sld [smem:$0x3FAE]  }
0x2d: {  	s3 =	simm.s32 $0x108;
	s8 =	sld [smem:$0x3FAF]  }
0x2e: {  	s3 =	simm.s32 @!p0 $0x1082;
	s9 =	sld [smem:$0x3FB0]  }
0x2f: {  	lr =	sadd.s32 s0, s3;
	s0 =	sld [smem:$0x3FA7]  }
0x30: {  	s3 =	sld [smem:$0x3FAA]  }
0x31: {  	[smem:$0x3FB3] =	sst s10  }
0x32: {  	s10 =	sld [smem:$0x3FB1];
	_ =	sdelay $0x3  }
0x33: {  	p0 =	seq.s32 s10, $0x1;
	s10 =	sld [smem:$0x3FB3];
	_ =	sdelay $0x3  }
0x34: {  	[smem:$0x3FB3] =	sst s10  }
0x35: {  	s10 =	sld [smem:$0x3FB2];
	_ =	sdelay $0x3  }
0x36: {  	p1 =	seq.s32 s10, $0x1;
	s10 =	sld [smem:$0x3FB3];
	_ =	sdelay $0x3  }
0x37: {  	[smem:$0x3FB3] =	sst s10  }
0x38: {  	s10 =	sld [smem:$0x3FB4]  }
0x39: {  	_ = 	snop;
	(pc) =	sbr.ind lr, $3  }
0x3a: {  	_ = 	snop  }
0x3b: {  	_ = 	snop  }
0x3c: {  	p2 =	seq.s32 s10, $0x1;
	s10 =	sld [smem:$0x3FB3]  }
0x3d: {  	_ =	shalt  }
0x3e: {  	_ =	shalt  }
0x3f: {  	_ =	shalt  }
0x40: {  	_ =	shalt  }
0x41: {  	_ =	shalt  }
0x42: {  	_ =	shalt  }
0x43: {  	_ =	shalt  }
0x44: {  	_ =	shalt  }
0x45: {  	_ =	shalt  }
0x46: {  	_ =	shalt  }
0x47: {  	_ =	shalt  }
0x48: {  	_ =	shalt  }
0x49: {  	_ =	shalt  }
0x4a: {  	_ =	shalt  }
0x4b: {  	_ =	shalt  }
0x4c: {  	_ =	shalt  }
0x4d: {  	_ =	shalt  }
0x4e: {  	_ =	shalt  }
0x4f: {  	_ =	shalt  }
0x50: {  	_ =	shalt  }
0x51: {  	_ =	shalt  }
0x52: {  	_ =	shalt  }
0x53: {  	_ =	shalt  }
0x54: {  	_ =	shalt  }
0x55: {  	_ =	shalt  }
0x56: {  	_ =	shalt  }
0x57: {  	_ =	shalt  }
0x58: {  	_ =	shalt  }
0x59: {  	_ =	shalt  }
0x5a: {  	_ =	shalt  }
0x5b: {  	_ =	shalt  }
0x5c: {  	_ =	shalt  }
0x5d: {  	_ =	shalt  }
0x5e: {  	_ =	shalt  }
0x5f: {  	_ =	shalt  }
0x60: {  	_ =	shalt  }
0x61: {  	_ =	shalt  }
0x62: {  	_ =	shalt  }
0x63: {  	_ =	shalt  }
0x64: {  	_ =	shalt  }
0x65: {  	_ =	shalt  }
0x66: {  	_ =	shalt  }
0x67: {  	_ =	shalt  }
0x68: {  	_ =	shalt  }
0x69: {  	_ =	shalt  }
0x6a: {  	_ =	shalt  }
0x6b: {  	_ =	shalt  }
0x6c: {  	_ =	shalt  }
0x6d: {  	_ =	shalt  }
0x6e: {  	_ =	shalt  }
0x6f: {  	_ =	shalt  }
0x70: {  	_ =	shalt  }
0x71: {  	_ =	shalt  }
0x72: {  	_ =	shalt  }
0x73: {  	_ =	shalt  }
0x74: {  	_ =	shalt  }
0x75: {  	_ =	shalt  }
0x76: {  	_ =	shalt  }
0x77: {  	_ =	shalt  }
0x78: {  	_ =	shalt  }
0x79: {  	_ =	shalt  }
0x7a: {  	_ =	shalt  }
0x7b: {  	_ =	shalt  }
0x7c: {  	_ =	shalt  }
0x7d: {  	_ =	shalt  }
0x7e: {  	_ =	shalt  }
0x7f: {  	_ =	shalt  }
0x80: {  	_ =	shalt  }
0x81: {  	_ =	shalt  }
0x82: {  	_ =	shalt  }
0x83: {  	_ =	shalt  }
0x84: {  	_ =	shalt  }
0x85: {  	_ =	shalt  }
0x86: {  	_ =	shalt  }
0x87: {  	_ =	shalt  }
.Lfunc_end0:
.L_simem_size_0:
called_computation.1_lowered:
.L_overlay_start_0:
0x88: {  	s2 =	sld [smem:$0x3FD9]  }
0x89: {  	s3 =	sld [smem:$0x3FFE];
	_ =	sdelay $0x1  }
0x8a: {  	s1 =	srdreg.scid  }
0x8b: {  	s0 =	sand.u32 $0x1, s1  }
0x8c: {  	s17 =	sshll.u32 s0, $0xA;
	s2 =	sadd.s32 s3, s2  }
0x8d: {  	s2 =	sadd.s32 s2, s17  }
0x8e: {  	[smem:$0x3FBF] =	sst s2  }
0x8f: {  	_ = 	snop  }
0x90: {  	s2 =	sld [smem:$0x3FD0];
	(tm) =	ssettm $0x1  }
0x91: {  	s18 =	sld [smem:$0x3FFB];
	_ =	sdelay $0x3  }
0x92: {  	_ =	strace s18  }
0x93: {  	s3 =	sld [smem:$0x3FFC];
	_ =	sdelay $0x3  }
0x94: {  	_ =	strace s3  }
0x95: {  	s3 =	sld [smem:$0x3FFD];
	_ =	sdelay $0x3  }
0x96: {  	_ =	strace s3  }
0x97: {  	_ =	strace $0x8FFFFFFF  }
0x98: {  	s19 =	sld [smem:$0x3FDB];
	_ =	sdelay $0x1  }
0x99: {  	s4 =	simm.s32 $_scs_section_size  }
0x9a: {  	s5 =	simm.s32 $_size__tile_overlayer_lowered;
	s6 =	simm.s32 $_tile_overlayer_lowered  }
0x9b: {  	s22 =	simm.s32 $0x1BFF;
	s21 =	sshll.u32 s6, $0x1;
	s3 =	sadd.s32 s4, s19  }
0x9c: {  	s7 =	simm.s32 $0x0;
	s20 =	sshll.u32 s5, $0x1;
	s5 =	sadd.s32 s21, s3  }
0x9d: {  	[timem:s7], [sflag:s22] =	dma.local [hbm:s5], s20  }
0x9e: {  	_ =	swait.ge [sflag:s22], s20  }
0x9f: {  	s4 =	ssub.s32 $0x0, s20;
	[sflag:s22] =	ssyncset.done $0x0  }
0xa0: {  	[sflag:s22] =	ssyncadd.s32 s4;
	_ =	sdelay $0x1  }
0xa1: {  	s23 =	simm.s32 $0x1B8B  }
0xa2: {  	_ =	swait.ge [sflag:s23], $0x1  }
0xa3: {  	[sflag:s23] =	ssyncset.done $0x0  }
0xa4: {  	s25 =	simm.s32 $0x1B8E;
	s24 =	sld [smem:$0x3FFE];
	[sflag:s23] =	ssyncadd.s32 $0xFFFFFFFF  }
0xa5: {  	s26 =	simm.s32 $execute0_lowered;
	[smem:$0x3FD2] =	sst s25  }
0xa6: {  	s5 =	sshll.u32 s26, $0x1;
	_ =	strace $0x80000046;
	[dreg:$0x1] =	wrdreg $0xFFFFFFFF  }
0xa7: {  	s28 =	simm.s32 $_size_execute0_lowered;
	s3 =	sadd.s32 s3, s5;
	[dreg:$0x0] =	wrdreg $0x0  }
0xa8: {  	s5 =	sshll.u32 s28, $0x1;
	[dreg:$0x2] =	wrdreg s3  }
0xa9: {  	[dreg:$0x3] =	wrdreg s5  }
0xaa: {  	[dreg:$0x4] =	wrdreg $0xC0  }
0xab: {  	_ =	task [dreg:s7], $0x5FFFF  }
0xac: {  	[dreg:$0x1] =	wrdreg $0xFFFFFFFF  }
0xad: {  	[dreg:$0x0] =	wrdreg $0x60  }
0xae: {  	[dreg:$0x2] =	wrdreg s24  }
0xaf: {  	[dreg:$0x3] =	wrdreg s2  }
0xb0: {  	[dreg:$0x4] =	wrdreg $0x0  }
0xb1: {  	[dreg:$0x5] =	wrdreg $0x20000  }
0xb2: {  	[dreg:$0x6] =	wrdreg $0x9  }
0xb3: {  	_ =	task.clear_ibuf [dreg:s7], $0x7FFFF;
	_ =	strace $0x90000046  }
0xb4: {  	s29 =	simm.s32 $0x9;
	_ =	strace $0x80000048  }
0xb5: {  	_ =	swait.ge [sflag:s29], $0x1  }
0xb6: {  	[sflag:s29] =	ssyncadd.s32 $0xFFFFFFFF  }
0xb7: {  	_ =	strace $0x90000048  }
0xb8: {  	_ =	sfence  }
0xb9: {  	s30 =	sld [smem:$0x0];
	_ =	sdelay $0x2  }
0xba: {  	s31 =	sshll.u32 s1, $0xD;
	s1 =	sshrl.u32 s1, $0x2  }
0xbb: {  	s3 =	sand.u32 $0x4000, s31;
	s1 =	sadd.s32 s1, s30  }
0xbc: {  	s0 =	sor.u32 s3, s0;
	s1 =	sshll.u32 s1, $0x11  }
0xbd: {  	s0 =	sor.u32 s1, s0  }
0xbe: {  	s0 =	sadd.s32 $0x8F2B, s0  }
0xbf: {  	[sflag:s0] =	ssyncadd.remote.s32 $0x1  }
0xc0: {  	_ =	sfence.sel $0xFFFF  }
0xc1: {  	[dreg:$0x0] =	wrdreg $0xFFFFFFFF;
	(pc) =	sbr.abs _section_cstart, $3  }
0xc2: {  	[dreg:$0x1] =	wrdreg $0xFFFFFFFF  }
0xc3: {  	_ =	task.clear_ibuf [dreg:s7], $0x2FFFF;
	_ =	strace $0x9FFFFFFF  }
0xc4: {  	(tm) =	ssettm $0x7FFFFFFF  }
0xc5: {  	_ =	shalt  }
tec
execute0_lowered:
.L_overlay_start_1:
0x0: {  	(tag) =	ssettag $0x1  }
0x1: {  	s0 =	rddreg [dreg:$0x0]  }
0x2: {  	s5 =	rddreg [dreg:$0x1]  }
0x3: {  	s1 =	rddreg [dreg:$0x2]  }
0x4: {  	s2 =	rddreg [dreg:$0x3]  }
0x5: {  	s4 =	srdreg.scid;
	s9 =	stileid.u32;
	s3 =	simm.s32 $0x0  }
0x6: {  	s14 =	simm.s32 $0x3;
	s15 =	simm.s32 $0x80;
	s16 =	simm.s32 $0x2C00  }
0x7: {  	s17 =	simm.s32 $0x3000;
	s18 =	simm.s32 $0x2C80;
	s19 =	simm.s32 $0x7000  }
0x8: {  	s28 =	simm.s32 $0x2F00;
	s29 =	simm.s32 $0x2F80;
	s30 =	simm.s32 $0x2  }
0x9: {  	s31 =	simm.s32 $0x0;
	s7 =	sand.u32 $0x1, s4;
	s20 =	sshll.u32 s9, $0x1  }
0xa: {  	[smem:$0x7FF] =	sst s3;
	s11 =	smul.u32 $0x64000, s9;
	s6 =	sadd.s32 $0xE200, s0  }
0xb: {  	s22 =	smul.u32 $0x6400, s9;
	p0 =	sne.s32 s9, $0x0;
	s4 =	sor.u32 s7, s20  }
0xc: {  	_ =	strace $0x80000047;
	s10 =	ssub.s32 $0x2, s7;
	s13 =	smul.u32 $0x32000, s7  }
0xd: {  	[dreg:$0x5] =	wrdreg s6;
	s23 =	smul.u32 $0x3200, s7;
	s20 =	simm.s32 $0x1  }
0xe: {  	s8 =	smul.u32 $0x3200, s4;
	s4 =	sadd.s32 $0x1A00, s0;
	s12 =	sshrl.u32 s10, $0x1  }
0xf: {  	s0 =	sadd.s32 $0x12200, s0;
	s5 =	sadd.s32 s11, s5;
	s11 =	sshrl.u32 @!p0 s1, $0x3  }
0x10: {  	[dreg:$0x6] =	wrdreg s0;
	s21 =	ssub.s32 s10, s12;
	s25 =	sadd.s32 s13, s5  }
0x11: {  	s26 =	sadd.s32 s23, s22;
	s12 =	sshrl.u32 @!p0 s2, $0x3;
	s22 =	simm.s32 $0x2D80  }
0x12: {  	s23 =	simm.s32 $0x2E00;
	s8 =	sshrl.u32 s8, $0x3;
	s0 =	smax.u32 s21, $0x1  }
0x13: {  	s10 =	sadd.s32 $0x200, s26;
	s21 =	simm.s32 $0x2D00;
	s26 =	simm.s32 $0xF000  }
0x14: {  	s24 =	sadd.s32 s4, s8;
	[dreg:$0x8] =	wrdreg s0;
	s0 =	sadd.s32 $0x1000, s25  }
0x15: {  	s25 =	simm.s32 $0x2E80;
	[dreg:$0x7] =	wrdreg s24;
	s24 =	simm.s32 $0xB000  }
.LBB2_1:
0x16: {  	s5 =	simm.s32 @!p0 $0x1C04;
	s6 =	rddreg [dreg:$0x5];
	s9 =	simm.s32 @!p0 $0x4  }
0x17: {  	[spmem:s11], [sflag:s5] =	dma.local @!p0 [hbm:s6], $0x4000  }
0x18: {  	_ =	swait.ge @!p0 [sflag:s9], $0x4000  }
0x19: {  	[sflag:s9] =	ssyncset.done @!p0 $0x0  }
0x1a: {  	s6 =	rddreg [dreg:$0x6];
	[sflag:s9] =	ssyncadd.s32 @!p0 $0xFFFFC000  }
0x1b: {  	[spmem:s12], [sflag:s5] =	dma.local @!p0 [hbm:s6], $0x1000  }
0x1c: {  	_ =	swait.ge @!p0 [sflag:s9], $0x1000  }
0x1d: {  	[sflag:s9] =	ssyncset.done @!p0 $0x0  }
0x1e: {  	[sflag:s9] =	ssyncadd.s32 @!p0 $0xFFFFF000  }
0x1f: {  	[bflag:$0x0] =	sbarrier.arrive $0xFFFF  }
0x20: {  	s13 =	simm.s32 $0x2800;
	s9 =	rddreg [dreg:$0x7]  }
0x21: {  	[tilespmem:s13], [sflag:$0x3] =	stream.linear.gather [hbm4b:s9+s3], $0x200, $0x38;
	[tilespmem:$0x13000] =	vst v63  }
0x22: {  	s9 =	smov.u32 s0;
	s13 =	simm.s32 $0x0  }
.LBB2_2:
0x23: {  	p1 =	seq.s32 s13, $0x0  }
0x24: {  	s5 =	simm.s32 @!p1 $0x2  }
0x25: {  	_ =	swait.ge @!p1 [sflag:s5], $0x8000  }
0x26: {  	[sflag:s5] =	ssyncset.done @!p1 $0x0  }
0x27: {  	[sflag:s5] =	ssyncadd.s32 @!p1 $0xFFFF8000  }
0x28: {  	_ =	swait.ge @!p1 [sflag:s5], $0x8000  }
0x29: {  	[sflag:s5] =	ssyncset.done @!p1 $0x0  }
0x2a: {  	[sflag:s5] =	ssyncadd.s32 @!p1 $0xFFFF8000;
	p1 =	seq.s32 s13, $0x3000  }
0x2b: {  	s5 =	sand.u32 $0x200, s13;
	_ =	swait.ge [sflag:s14], $0x200;
	s6 =	sadd.s32 @!p1 s13, s10  }
0x2c: {  	s7 =	ssub.s32 @!p1 $0x2A00, s5;
	[sflag:s14] =	ssyncset.done $0x0;
	s6 =	sshrl.u32 @!p1 s6, $0x3  }
0x2d: {  	s8 =	simm.s32 @!p1 $0x0;
	[sflag:s14] =	ssyncadd.s32 $0xFFFFFE00;
	s6 =	sadd.s32 @!p1 s4, s6  }
0x2e: {  	[tilespmem:s7], [sflag:$0x3] =	stream.linear.gather @!p1 [hbm4b:s6+s8], $0x200, $0x38;
	[tilespmem:$0x13000] =	vst v63  }
0x2f: {  	v0 =	vld [tilespmem:s5+$0x2800];
	_ =	sdelay $0x4  }
0x30: {  	v1 =	vand.u32 $0xFF, v0;
	v2 =	vshrl.u32 v0, $0x8;
	v3 =	vshrl.u32 v0, $0x10  }
0x31: {  	v4 =	vshrl.u32 v0, $0x18;
	vm2 =	vlt.u32 v0, $0xD000000;
	v2 =	vand.u32 $0xFF, v2  }
0x32: {  	v3 =	vand.u32 $0xFF, v3;
	v1 =	vmax.u32 v1, $0x1;
	vm1 =	vne.s32 v4, $0x0  }
0x33: {  	v16 =	vadd.s32 $0xFFFFFFFF, v4;
	v3 =	vmax.u32 v3, $0x1;
	v5 =	vadd.s32 $0xFFFFFFFF, v2  }
0x34: {  	vm1 =	vmand vm2, vm1;
	v14 =	vshll.u32 v1, $0x5;
	v15 =	vshll.u32 v2, $0x4  }
0x35: {  	vm0 =	vlt.u32 v5, $0xC;
	v0 =	vadd.s32 v14, v3;
	v1 =	vadd.s32 $0xFFFFFFF0, v15  }
0x36: {  	v2 =	vnsel vm1, $0x0, v16;
	v0 =	vadd.s32 $0xFFFFFFDF, v0;
	v1 =	vnsel vm0, $0x0, v1  }
0x37: {  	[tilespmem:$0x2C00] =	vst v0;
	v17 =	vadd.s32 v2, v1  }
0x38: {  	[tilespmem:$0x2D00] =	vst v17  }
0x39: {  	v0 =	vld [tilespmem:s5+$0x2810];
	_ =	sdelay $0x4  }
0x3a: {  	v18 =	vand.u32 $0xFF, v0;
	v19 =	vshrl.u32 v0, $0x8;
	v20 =	vshrl.u32 v0, $0x10  }
0x3b: {  	v21 =	vshrl.u32 v0, $0x18;
	vm9 =	vlt.u32 v0, $0xD000000;
	v2 =	vand.u32 $0xFF, v19  }
0x3c: {  	v3 =	vand.u32 $0xFF, v20;
	v1 =	vmax.u32 v18, $0x1;
	vm8 =	vne.s32 v21, $0x0  }
0x3d: {  	v25 =	vadd.s32 $0xFFFFFFFF, v21;
	v3 =	vmax.u32 v3, $0x1;
	v22 =	vadd.s32 $0xFFFFFFFF, v2  }
0x3e: {  	vm1 =	vmand vm9, vm8;
	v23 =	vshll.u32 v1, $0x5;
	v24 =	vshll.u32 v2, $0x4  }
0x3f: {  	vm7 =	vlt.u32 v22, $0xC;
	v0 =	vadd.s32 v23, v3;
	v1 =	vadd.s32 $0xFFFFFFF0, v24  }
0x40: {  	v2 =	vnsel vm1, $0x0, v25;
	v0 =	vadd.s32 $0xFFFFFFDF, v0;
	v1 =	vnsel vm7, $0x0, v1  }
0x41: {  	[tilespmem:$0x2C10] =	vst v0;
	v26 =	vadd.s32 v2, v1  }
0x42: {  	[tilespmem:$0x2D10] =	vst v26  }
0x43: {  	v0 =	vld [tilespmem:s5+$0x2820];
	_ =	sdelay $0x4  }
0x44: {  	v27 =	vand.u32 $0xFF, v0;
	v28 =	vshrl.u32 v0, $0x8;
	v29 =	vshrl.u32 v0, $0x10  }
0x45: {  	v30 =	vshrl.u32 v0, $0x18;
	vm12 =	vlt.u32 v0, $0xD000000;
	v2 =	vand.u32 $0xFF, v28  }
0x46: {  	v3 =	vand.u32 $0xFF, v29;
	v1 =	vmax.u32 v27, $0x1;
	vm11 =	vne.s32 v30, $0x0  }
0x47: {  	v34 =	vadd.s32 $0xFFFFFFFF, v30;
	v3 =	vmax.u32 v3, $0x1;
	v31 =	vadd.s32 $0xFFFFFFFF, v2  }
0x48: {  	vm1 =	vmand vm12, vm11;
	v32 =	vshll.u32 v1, $0x5;
	v33 =	vshll.u32 v2, $0x4  }
0x49: {  	vm10 =	vlt.u32 v31, $0xC;
	v0 =	vadd.s32 v32, v3;
	v1 =	vadd.s32 $0xFFFFFFF0, v33  }
0x4a: {  	v2 =	vnsel vm1, $0x0, v34;
	v0 =	vadd.s32 $0xFFFFFFDF, v0;
	v1 =	vnsel vm10, $0x0, v1  }
0x4b: {  	[tilespmem:$0x2C20] =	vst v0;
	v35 =	vadd.s32 v2, v1  }
0x4c: {  	[tilespmem:$0x2D20] =	vst v35  }
0x4d: {  	v0 =	vld [tilespmem:s5+$0x2830];
	_ =	sdelay $0x4  }
0x4e: {  	v36 =	vand.u32 $0xFF, v0;
	v37 =	vshrl.u32 v0, $0x8;
	v38 =	vshrl.u32 v0, $0x10  }
0x4f: {  	v39 =	vshrl.u32 v0, $0x18;
	vm15 =	vlt.u32 v0, $0xD000000;
	v2 =	vand.u32 $0xFF, v37  }
0x50: {  	v3 =	vand.u32 $0xFF, v38;
	v1 =	vmax.u32 v36, $0x1;
	vm14 =	vne.s32 v39, $0x0  }
0x51: {  	v43 =	vadd.s32 $0xFFFFFFFF, v39;
	v3 =	vmax.u32 v3, $0x1;
	v40 =	vadd.s32 $0xFFFFFFFF, v2  }
0x52: {  	vm1 =	vmand vm15, vm14;
	v41 =	vshll.u32 v1, $0x5;
	v42 =	vshll.u32 v2, $0x4  }
0x53: {  	vm13 =	vlt.u32 v40, $0xC;
	v0 =	vadd.s32 v41, v3;
	v1 =	vadd.s32 $0xFFFFFFF0, v42  }
0x54: {  	v2 =	vnsel vm1, $0x0, v43;
	v0 =	vadd.s32 $0xFFFFFFDF, v0;
	v1 =	vnsel vm13, $0x0, v1  }
0x55: {  	[tilespmem:$0x2C30] =	vst v0;
	v44 =	vadd.s32 v2, v1  }
0x56: {  	[tilespmem:$0x2D30] =	vst v44  }
0x57: {  	v0 =	vld [tilespmem:s5+$0x2840];
	_ =	sdelay $0x4  }
0x58: {  	v45 =	vand.u32 $0xFF, v0;
	v46 =	vshrl.u32 v0, $0x8;
	v47 =	vshrl.u32 v0, $0x10  }
0x59: {  	v48 =	vshrl.u32 v0, $0x18;
	vm6 =	vlt.u32 v0, $0xD000000;
	v2 =	vand.u32 $0xFF, v46  }
0x5a: {  	v3 =	vand.u32 $0xFF, v47;
	v1 =	vmax.u32 v45, $0x1;
	vm5 =	vne.s32 v48, $0x0  }
0x5b: {  	v52 =	vadd.s32 $0xFFFFFFFF, v48;
	v3 =	vmax.u32 v3, $0x1;
	v49 =	vadd.s32 $0xFFFFFFFF, v2  }
0x5c: {  	vm1 =	vmand vm6, vm5;
	v50 =	vshll.u32 v1, $0x5;
	v51 =	vshll.u32 v2, $0x4  }
0x5d: {  	vm4 =	vlt.u32 v49, $0xC;
	v0 =	vadd.s32 v50, v3;
	v1 =	vadd.s32 $0xFFFFFFF0, v51  }
0x5e: {  	v2 =	vnsel vm1, $0x0, v52;
	v0 =	vadd.s32 $0xFFFFFFDF, v0;
	v1 =	vnsel vm4, $0x0, v1  }
0x5f: {  	[tilespmem:$0x2C40] =	vst v0;
	v53 =	vadd.s32 v2, v1  }
0x60: {  	[tilespmem:$0x2D40] =	vst v53  }
0x61: {  	v0 =	vld [tilespmem:s5+$0x2850];
	_ =	sdelay $0x4  }
0x62: {  	v54 =	vand.u32 $0xFF, v0;
	v55 =	vshrl.u32 v0, $0x8;
	v56 =	vshrl.u32 v0, $0x10  }
0x63: {  	v57 =	vshrl.u32 v0, $0x18;
	vm9 =	vlt.u32 v0, $0xD000000;
	v2 =	vand.u32 $0xFF, v55  }
0x64: {  	v3 =	vand.u32 $0xFF, v56;
	v1 =	vmax.u32 v54, $0x1;
	vm8 =	vne.s32 v57, $0x0  }
0x65: {  	v61 =	vadd.s32 $0xFFFFFFFF, v57;
	v3 =	vmax.u32 v3, $0x1;
	v58 =	vadd.s32 $0xFFFFFFFF, v2  }
0x66: {  	vm1 =	vmand vm9, vm8;
	v59 =	vshll.u32 v1, $0x5;
	v60 =	vshll.u32 v2, $0x4  }
0x67: {  	vm7 =	vlt.u32 v58, $0xC;
	v0 =	vadd.s32 v59, v3;
	v1 =	vadd.s32 $0xFFFFFFF0, v60  }
0x68: {  	v2 =	vnsel vm1, $0x0, v61;
	v0 =	vadd.s32 $0xFFFFFFDF, v0;
	v1 =	vnsel vm7, $0x0, v1  }
0x69: {  	[tilespmem:$0x2C50] =	vst v0;
	v62 =	vadd.s32 v2, v1  }
0x6a: {  	[tilespmem:$0x2D50] =	vst v62  }
0x6b: {  	v0 =	vld [tilespmem:s5+$0x2860];
	_ =	sdelay $0x4  }
0x6c: {  	v63 =	vand.u32 $0xFF, v0;
	v6 =	vshrl.u32 v0, $0x8;
	v7 =	vshrl.u32 v0, $0x10  }
0x6d: {  	v8 =	vshrl.u32 v0, $0x18;
	vm12 =	vlt.u32 v0, $0xD000000;
	v2 =	vand.u32 $0xFF, v6  }
0x6e: {  	v3 =	vand.u32 $0xFF, v7;
	v1 =	vmax.u32 v63, $0x1;
	vm11 =	vne.s32 v8, $0x0  }
0x6f: {  	v12 =	vadd.s32 $0xFFFFFFFF, v8;
	v3 =	vmax.u32 v3, $0x1;
	v9 =	vadd.s32 $0xFFFFFFFF, v2  }
0x70: {  	vm1 =	vmand vm12, vm11;
	v10 =	vshll.u32 v1, $0x5;
	v11 =	vshll.u32 v2, $0x4  }
0x71: {  	vm10 =	vlt.u32 v9, $0xC;
	v0 =	vadd.s32 v10, v3;
	v1 =	vadd.s32 $0xFFFFFFF0, v11  }
0x72: {  	v2 =	vnsel vm1, $0x0, v12;
	v0 =	vadd.s32 $0xFFFFFFDF, v0;
	v1 =	vnsel vm10, $0x0, v1  }
0x73: {  	[tilespmem:$0x2C60] =	vst v0;
	v13 =	vadd.s32 v2, v1  }
0x74: {  	[tilespmem:$0x2D60] =	vst v13  }
0x75: {  	v0 =	vld [tilespmem:s5+$0x2870];
	_ =	sdelay $0x4  }
0x76: {  	v14 =	vand.u32 $0xFF, v0;
	v15 =	vshrl.u32 v0, $0x8;
	v16 =	vshrl.u32 v0, $0x10  }
0x77: {  	v17 =	vshrl.u32 v0, $0x18;
	vm15 =	vlt.u32 v0, $0xD000000;
	v2 =	vand.u32 $0xFF, v15  }
0x78: {  	v3 =	vand.u32 $0xFF, v16;
	v1 =	vmax.u32 v14, $0x1;
	vm14 =	vne.s32 v17, $0x0  }
0x79: {  	v21 =	vadd.s32 $0xFFFFFFFF, v17;
	v3 =	vmax.u32 v3, $0x1;
	v18 =	vadd.s32 $0xFFFFFFFF, v2  }
0x7a: {  	vm1 =	vmand vm15, vm14;
	v19 =	vshll.u32 v1, $0x5;
	v20 =	vshll.u32 v2, $0x4  }
0x7b: {  	vm13 =	vlt.u32 v18, $0xC;
	v0 =	vadd.s32 v19, v3;
	v1 =	vadd.s32 $0xFFFFFFF0, v20  }
0x7c: {  	v2 =	vnsel vm1, $0x0, v21;
	v0 =	vadd.s32 $0xFFFFFFDF, v0;
	v1 =	vnsel vm13, $0x0, v1  }
0x7d: {  	[tilespmem:$0x2C70] =	vst v0;
	v22 =	vadd.s32 v2, v1  }
0x7e: {  	[tilespmem:$0x2D70] =	vst v22  }
0x7f: {  	v0 =	vld [tilespmem:s5+$0x2880];
	_ =	sdelay $0x4  }
0x80: {  	v23 =	vand.u32 $0xFF, v0;
	v24 =	vshrl.u32 v0, $0x8;
	v25 =	vshrl.u32 v0, $0x10  }
0x81: {  	v26 =	vshrl.u32 v0, $0x18;
	vm6 =	vlt.u32 v0, $0xD000000;
	v2 =	vand.u32 $0xFF, v24  }
0x82: {  	v3 =	vand.u32 $0xFF, v25;
	v1 =	vmax.u32 v23, $0x1;
	vm5 =	vne.s32 v26, $0x0  }
0x83: {  	v30 =	vadd.s32 $0xFFFFFFFF, v26;
	v3 =	vmax.u32 v3, $0x1;
	v27 =	vadd.s32 $0xFFFFFFFF, v2  }
0x84: {  	vm1 =	vmand vm6, vm5;
	v28 =	vshll.u32 v1, $0x5;
	v29 =	vshll.u32 v2, $0x4  }
0x85: {  	vm4 =	vlt.u32 v27, $0xC;
	v0 =	vadd.s32 v28, v3;
	v1 =	vadd.s32 $0xFFFFFFF0, v29  }
0x86: {  	v2 =	vnsel vm1, $0x0, v30;
	v0 =	vadd.s32 $0xFFFFFFDF, v0;
	v1 =	vnsel vm4, $0x0, v1  }
0x87: {  	[tilespmem:$0x2C80] =	vst v0;
	v31 =	vadd.s32 v2, v1  }
0x88: {  	[tilespmem:$0x2D80] =	vst v31  }
0x89: {  	v0 =	vld [tilespmem:s5+$0x2890];
	_ =	sdelay $0x4  }
0x8a: {  	v32 =	vand.u32 $0xFF, v0;
	v33 =	vshrl.u32 v0, $0x8;
	v34 =	vshrl.u32 v0, $0x10  }
0x8b: {  	v35 =	vshrl.u32 v0, $0x18;
	vm9 =	vlt.u32 v0, $0xD000000;
	v2 =	vand.u32 $0xFF, v33  }
0x8c: {  	v3 =	vand.u32 $0xFF, v34;
	v1 =	vmax.u32 v32, $0x1;
	vm8 =	vne.s32 v35, $0x0  }
0x8d: {  	v39 =	vadd.s32 $0xFFFFFFFF, v35;
	v3 =	vmax.u32 v3, $0x1;
	v36 =	vadd.s32 $0xFFFFFFFF, v2  }
0x8e: {  	vm1 =	vmand vm9, vm8;
	v37 =	vshll.u32 v1, $0x5;
	v38 =	vshll.u32 v2, $0x4  }
0x8f: {  	vm7 =	vlt.u32 v36, $0xC;
	v0 =	vadd.s32 v37, v3;
	v1 =	vadd.s32 $0xFFFFFFF0, v38  }
0x90: {  	v2 =	vnsel vm1, $0x0, v39;
	v0 =	vadd.s32 $0xFFFFFFDF, v0;
	v1 =	vnsel vm7, $0x0, v1  }
0x91: {  	[tilespmem:$0x2C90] =	vst v0;
	v40 =	vadd.s32 v2, v1  }
0x92: {  	[tilespmem:$0x2D90] =	vst v40  }
0x93: {  	v0 =	vld [tilespmem:s5+$0x28A0];
	_ =	sdelay $0x4  }
0x94: {  	v41 =	vand.u32 $0xFF, v0;
	v42 =	vshrl.u32 v0, $0x8;
	v43 =	vshrl.u32 v0, $0x10  }
0x95: {  	v44 =	vshrl.u32 v0, $0x18;
	vm12 =	vlt.u32 v0, $0xD000000;
	v2 =	vand.u32 $0xFF, v42  }
0x96: {  	v3 =	vand.u32 $0xFF, v43;
	v1 =	vmax.u32 v41, $0x1;
	vm11 =	vne.s32 v44, $0x0  }
0x97: {  	v48 =	vadd.s32 $0xFFFFFFFF, v44;
	v3 =	vmax.u32 v3, $0x1;
	v45 =	vadd.s32 $0xFFFFFFFF, v2  }
0x98: {  	vm1 =	vmand vm12, vm11;
	v46 =	vshll.u32 v1, $0x5;
	v47 =	vshll.u32 v2, $0x4  }
0x99: {  	vm10 =	vlt.u32 v45, $0xC;
	v0 =	vadd.s32 v46, v3;
	v1 =	vadd.s32 $0xFFFFFFF0, v47  }
0x9a: {  	v2 =	vnsel vm1, $0x0, v48;
	v0 =	vadd.s32 $0xFFFFFFDF, v0;
	v1 =	vnsel vm10, $0x0, v1  }
0x9b: {  	[tilespmem:$0x2CA0] =	vst v0;
	v49 =	vadd.s32 v2, v1  }
0x9c: {  	[tilespmem:$0x2DA0] =	vst v49  }
0x9d: {  	v0 =	vld [tilespmem:s5+$0x28B0];
	_ =	sdelay $0x4  }
0x9e: {  	v50 =	vand.u32 $0xFF, v0;
	v51 =	vshrl.u32 v0, $0x8;
	v52 =	vshrl.u32 v0, $0x10  }
0x9f: {  	v53 =	vshrl.u32 v0, $0x18;
	vm15 =	vlt.u32 v0, $0xD000000;
	v2 =	vand.u32 $0xFF, v51  }
0xa0: {  	v3 =	vand.u32 $0xFF, v52;
	v1 =	vmax.u32 v50, $0x1;
	vm14 =	vne.s32 v53, $0x0  }
0xa1: {  	v57 =	vadd.s32 $0xFFFFFFFF, v53;
	v3 =	vmax.u32 v3, $0x1;
	v54 =	vadd.s32 $0xFFFFFFFF, v2  }
0xa2: {  	vm1 =	vmand vm15, vm14;
	v55 =	vshll.u32 v1, $0x5;
	v56 =	vshll.u32 v2, $0x4  }
0xa3: {  	vm13 =	vlt.u32 v54, $0xC;
	v0 =	vadd.s32 v55, v3;
	v1 =	vadd.s32 $0xFFFFFFF0, v56  }
0xa4: {  	v2 =	vnsel vm1, $0x0, v57;
	v0 =	vadd.s32 $0xFFFFFFDF, v0;
	v1 =	vnsel vm13, $0x0, v1  }
0xa5: {  	[tilespmem:$0x2CB0] =	vst v0;
	v58 =	vadd.s32 v2, v1  }
0xa6: {  	[tilespmem:$0x2DB0] =	vst v58  }
0xa7: {  	v0 =	vld [tilespmem:s5+$0x28C0];
	_ =	sdelay $0x4  }
0xa8: {  	v59 =	vand.u32 $0xFF, v0;
	v60 =	vshrl.u32 v0, $0x8;
	v61 =	vshrl.u32 v0, $0x10  }
0xa9: {  	v62 =	vshrl.u32 v0, $0x18;
	vm6 =	vlt.u32 v0, $0xD000000;
	v2 =	vand.u32 $0xFF, v60  }
0xaa: {  	v3 =	vand.u32 $0xFF, v61;
	v1 =	vmax.u32 v59, $0x1;
	vm5 =	vne.s32 v62, $0x0  }
0xab: {  	v7 =	vadd.s32 $0xFFFFFFFF, v62;
	v3 =	vmax.u32 v3, $0x1;
	v63 =	vadd.s32 $0xFFFFFFFF, v2  }
0xac: {  	vm1 =	vmand vm6, vm5;
	v5 =	vshll.u32 v1, $0x5;
	v6 =	vshll.u32 v2, $0x4  }
0xad: {  	vm4 =	vlt.u32 v63, $0xC;
	v0 =	vadd.s32 v5, v3;
	v1 =	vadd.s32 $0xFFFFFFF0, v6  }
0xae: {  	v2 =	vnsel vm1, $0x0, v7;
	v0 =	vadd.s32 $0xFFFFFFDF, v0;
	v1 =	vnsel vm4, $0x0, v1  }
0xaf: {  	[tilespmem:$0x2CC0] =	vst v0;
	v8 =	vadd.s32 v2, v1  }
0xb0: {  	[tilespmem:$0x2DC0] =	vst v8  }
0xb1: {  	v0 =	vld [tilespmem:s5+$0x28D0];
	_ =	sdelay $0x4  }
0xb2: {  	v9 =	vand.u32 $0xFF, v0;
	v10 =	vshrl.u32 v0, $0x8;
	v11 =	vshrl.u32 v0, $0x10  }
0xb3: {  	v12 =	vshrl.u32 v0, $0x18;
	vm9 =	vlt.u32 v0, $0xD000000;
	v2 =	vand.u32 $0xFF, v10  }
0xb4: {  	v3 =	vand.u32 $0xFF, v11;
	v1 =	vmax.u32 v9, $0x1;
	vm8 =	vne.s32 v12, $0x0  }
0xb5: {  	v16 =	vadd.s32 $0xFFFFFFFF, v12;
	v3 =	vmax.u32 v3, $0x1;
	v13 =	vadd.s32 $0xFFFFFFFF, v2  }
0xb6: {  	vm1 =	vmand vm9, vm8;
	v14 =	vshll.u32 v1, $0x5;
	v15 =	vshll.u32 v2, $0x4  }
0xb7: {  	vm7 =	vlt.u32 v13, $0xC;
	v0 =	vadd.s32 v14, v3;
	v1 =	vadd.s32 $0xFFFFFFF0, v15  }
0xb8: {  	v2 =	vnsel vm1, $0x0, v16;
	v0 =	vadd.s32 $0xFFFFFFDF, v0;
	v1 =	vnsel vm7, $0x0, v1  }
0xb9: {  	[tilespmem:$0x2CD0] =	vst v0;
	v17 =	vadd.s32 v2, v1  }
0xba: {  	[tilespmem:$0x2DD0] =	vst v17  }
0xbb: {  	v0 =	vld [tilespmem:s5+$0x28E0];
	_ =	sdelay $0x4  }
0xbc: {  	v18 =	vand.u32 $0xFF, v0;
	v19 =	vshrl.u32 v0, $0x8;
	v20 =	vshrl.u32 v0, $0x10  }
0xbd: {  	v21 =	vshrl.u32 v0, $0x18;
	vm12 =	vlt.u32 v0, $0xD000000;
	v2 =	vand.u32 $0xFF, v19  }
0xbe: {  	v3 =	vand.u32 $0xFF, v20;
	v1 =	vmax.u32 v18, $0x1;
	vm11 =	vne.s32 v21, $0x0  }
0xbf: {  	v25 =	vadd.s32 $0xFFFFFFFF, v21;
	v3 =	vmax.u32 v3, $0x1;
	v22 =	vadd.s32 $0xFFFFFFFF, v2  }
0xc0: {  	vm1 =	vmand vm12, vm11;
	v23 =	vshll.u32 v1, $0x5;
	v24 =	vshll.u32 v2, $0x4  }
0xc1: {  	vm10 =	vlt.u32 v22, $0xC;
	v0 =	vadd.s32 v23, v3;
	v1 =	vadd.s32 $0xFFFFFFF0, v24  }
0xc2: {  	v2 =	vnsel vm1, $0x0, v25;
	v0 =	vadd.s32 $0xFFFFFFDF, v0;
	v1 =	vnsel vm10, $0x0, v1  }
0xc3: {  	[tilespmem:$0x2CE0] =	vst v0;
	v26 =	vadd.s32 v2, v1  }
0xc4: {  	[tilespmem:$0x2DE0] =	vst v26  }
0xc5: {  	v0 =	vld [tilespmem:s5+$0x28F0];
	_ =	sdelay $0x4  }
0xc6: {  	v27 =	vand.u32 $0xFF, v0;
	v28 =	vshrl.u32 v0, $0x8;
	v29 =	vshrl.u32 v0, $0x10  }
0xc7: {  	v30 =	vshrl.u32 v0, $0x18;
	vm15 =	vlt.u32 v0, $0xD000000;
	v2 =	vand.u32 $0xFF, v28  }
0xc8: {  	v3 =	vand.u32 $0xFF, v29;
	v1 =	vmax.u32 v27, $0x1;
	vm14 =	vne.s32 v30, $0x0  }
0xc9: {  	v34 =	vadd.s32 $0xFFFFFFFF, v30;
	v3 =	vmax.u32 v3, $0x1;
	v31 =	vadd.s32 $0xFFFFFFFF, v2  }
0xca: {  	vm1 =	vmand vm15, vm14;
	v32 =	vshll.u32 v1, $0x5;
	v33 =	vshll.u32 v2, $0x4  }
0xcb: {  	vm13 =	vlt.u32 v31, $0xC;
	v0 =	vadd.s32 v32, v3;
	v1 =	vadd.s32 $0xFFFFFFF0, v33  }
0xcc: {  	v2 =	vnsel vm1, $0x0, v34;
	v0 =	vadd.s32 $0xFFFFFFDF, v0;
	v1 =	vnsel vm13, $0x0, v1  }
0xcd: {  	[tilespmem:$0x2CF0] =	vst v0;
	v35 =	vadd.s32 v2, v1  }
0xce: {  	[tilespmem:$0x2DF0] =	vst v35  }
0xcf: {  	v0 =	vld [tilespmem:s5+$0x2900];
	_ =	sdelay $0x4  }
0xd0: {  	v36 =	vand.u32 $0xFF, v0;
	v37 =	vshrl.u32 v0, $0x8;
	v38 =	vshrl.u32 v0, $0x10  }
0xd1: {  	v39 =	vshrl.u32 v0, $0x18;
	vm6 =	vlt.u32 v0, $0xD000000;
	v2 =	vand.u32 $0xFF, v37  }
0xd2: {  	v3 =	vand.u32 $0xFF, v38;
	v1 =	vmax.u32 v36, $0x1;
	vm5 =	vne.s32 v39, $0x0  }
0xd3: {  	v43 =	vadd.s32 $0xFFFFFFFF, v39;
	v3 =	vmax.u32 v3, $0x1;
	v40 =	vadd.s32 $0xFFFFFFFF, v2  }
0xd4: {  	vm1 =	vmand vm6, vm5;
	v41 =	vshll.u32 v1, $0x5;
	v42 =	vshll.u32 v2, $0x4  }
0xd5: {  	vm4 =	vlt.u32 v40, $0xC;
	v0 =	vadd.s32 v41, v3;
	v1 =	vadd.s32 $0xFFFFFFF0, v42  }
0xd6: {  	v2 =	vnsel vm1, $0x0, v43;
	v0 =	vadd.s32 $0xFFFFFFDF, v0;
	v1 =	vnsel vm4, $0x0, v1  }
0xd7: {  	[tilespmem:$0x2E00] =	vst v0;
	v44 =	vadd.s32 v2, v1  }
0xd8: {  	[tilespmem:$0x2F00] =	vst v44  }
0xd9: {  	v0 =	vld [tilespmem:s5+$0x2910];
	_ =	sdelay $0x4  }
0xda: {  	v45 =	vand.u32 $0xFF, v0;
	v46 =	vshrl.u32 v0, $0x8;
	v47 =	vshrl.u32 v0, $0x10  }
0xdb: {  	v48 =	vshrl.u32 v0, $0x18;
	vm9 =	vlt.u32 v0, $0xD000000;
	v2 =	vand.u32 $0xFF, v46  }
0xdc: {  	v3 =	vand.u32 $0xFF, v47;
	v1 =	vmax.u32 v45, $0x1;
	vm8 =	vne.s32 v48, $0x0  }
0xdd: {  	v52 =	vadd.s32 $0xFFFFFFFF, v48;
	v3 =	vmax.u32 v3, $0x1;
	v49 =	vadd.s32 $0xFFFFFFFF, v2  }
0xde: {  	vm1 =	vmand vm9, vm8;
	v50 =	vshll.u32 v1, $0x5;
	v51 =	vshll.u32 v2, $0x4  }
0xdf: {  	vm7 =	vlt.u32 v49, $0xC;
	v0 =	vadd.s32 v50, v3;
	v1 =	vadd.s32 $0xFFFFFFF0, v51  }
0xe0: {  	v2 =	vnsel vm1, $0x0, v52;
	v0 =	vadd.s32 $0xFFFFFFDF, v0;
	v1 =	vnsel vm7, $0x0, v1  }
0xe1: {  	[tilespmem:$0x2E10] =	vst v0;
	v53 =	vadd.s32 v2, v1  }
0xe2: {  	[tilespmem:$0x2F10] =	vst v53  }
0xe3: {  	v0 =	vld [tilespmem:s5+$0x2920];
	_ =	sdelay $0x4  }
0xe4: {  	v54 =	vand.u32 $0xFF, v0;
	v55 =	vshrl.u32 v0, $0x8;
	v56 =	vshrl.u32 v0, $0x10  }
0xe5: {  	v57 =	vshrl.u32 v0, $0x18;
	vm12 =	vlt.u32 v0, $0xD000000;
	v2 =	vand.u32 $0xFF, v55  }
0xe6: {  	v3 =	vand.u32 $0xFF, v56;
	v1 =	vmax.u32 v54, $0x1;
	vm11 =	vne.s32 v57, $0x0  }
0xe7: {  	v61 =	vadd.s32 $0xFFFFFFFF, v57;
	v3 =	vmax.u32 v3, $0x1;
	v58 =	vadd.s32 $0xFFFFFFFF, v2  }
0xe8: {  	vm1 =	vmand vm12, vm11;
	v59 =	vshll.u32 v1, $0x5;
	v60 =	vshll.u32 v2, $0x4  }
0xe9: {  	vm10 =	vlt.u32 v58, $0xC;
	v0 =	vadd.s32 v59, v3;
	v1 =	vadd.s32 $0xFFFFFFF0, v60  }
0xea: {  	v2 =	vnsel vm1, $0x0, v61;
	v0 =	vadd.s32 $0xFFFFFFDF, v0;
	v1 =	vnsel vm10, $0x0, v1  }
0xeb: {  	[tilespmem:$0x2E20] =	vst v0;
	v62 =	vadd.s32 v2, v1  }
0xec: {  	[tilespmem:$0x2F20] =	vst v62  }
0xed: {  	v0 =	vld [tilespmem:s5+$0x2930];
	_ =	sdelay $0x4  }
0xee: {  	v63 =	vand.u32 $0xFF, v0;
	v6 =	vshrl.u32 v0, $0x8;
	v7 =	vshrl.u32 v0, $0x10  }
0xef: {  	v8 =	vshrl.u32 v0, $0x18;
	vm15 =	vlt.u32 v0, $0xD000000;
	v2 =	vand.u32 $0xFF, v6  }
0xf0: {  	v3 =	vand.u32 $0xFF, v7;
	v1 =	vmax.u32 v63, $0x1;
	vm14 =	vne.s32 v8, $0x0  }
0xf1: {  	v12 =	vadd.s32 $0xFFFFFFFF, v8;
	v3 =	vmax.u32 v3, $0x1;
	v9 =	vadd.s32 $0xFFFFFFFF, v2  }
0xf2: {  	vm1 =	vmand vm15, vm14;
	v10 =	vshll.u32 v1, $0x5;
	v11 =	vshll.u32 v2, $0x4  }
0xf3: {  	vm13 =	vlt.u32 v9, $0xC;
	v0 =	vadd.s32 v10, v3;
	v1 =	vadd.s32 $0xFFFFFFF0, v11  }
0xf4: {  	v2 =	vnsel vm1, $0x0, v12;
	v0 =	vadd.s32 $0xFFFFFFDF, v0;
	v1 =	vnsel vm13, $0x0, v1  }
0xf5: {  	[tilespmem:$0x2E30] =	vst v0;
	v13 =	vadd.s32 v2, v1  }
0xf6: {  	[tilespmem:$0x2F30] =	vst v13  }
0xf7: {  	v0 =	vld [tilespmem:s5+$0x2940];
	_ =	sdelay $0x4  }
0xf8: {  	v14 =	vand.u32 $0xFF, v0;
	v15 =	vshrl.u32 v0, $0x8;
	v16 =	vshrl.u32 v0, $0x10  }
0xf9: {  	v17 =	vshrl.u32 v0, $0x18;
	vm6 =	vlt.u32 v0, $0xD000000;
	v2 =	vand.u32 $0xFF, v15  }
0xfa: {  	v3 =	vand.u32 $0xFF, v16;
	v1 =	vmax.u32 v14, $0x1;
	vm5 =	vne.s32 v17, $0x0  }
0xfb: {  	v21 =	vadd.s32 $0xFFFFFFFF, v17;
	v3 =	vmax.u32 v3, $0x1;
	v18 =	vadd.s32 $0xFFFFFFFF, v2  }
0xfc: {  	vm1 =	vmand vm6, vm5;
	v19 =	vshll.u32 v1, $0x5;
	v20 =	vshll.u32 v2, $0x4  }
0xfd: {  	vm4 =	vlt.u32 v18, $0xC;
	v0 =	vadd.s32 v19, v3;
	v1 =	vadd.s32 $0xFFFFFFF0, v20  }
0xfe: {  	v2 =	vnsel vm1, $0x0, v21;
	v0 =	vadd.s32 $0xFFFFFFDF, v0;
	v1 =	vnsel vm4, $0x0, v1  }
0xff: {  	[tilespmem:$0x2E40] =	vst v0;
	v22 =	vadd.s32 v2, v1  }
0x100: {  	[tilespmem:$0x2F40] =	vst v22  }
0x101: {  	v0 =	vld [tilespmem:s5+$0x2950];
	_ =	sdelay $0x4  }
0x102: {  	v23 =	vand.u32 $0xFF, v0;
	v24 =	vshrl.u32 v0, $0x8;
	v25 =	vshrl.u32 v0, $0x10  }
0x103: {  	v26 =	vshrl.u32 v0, $0x18;
	vm9 =	vlt.u32 v0, $0xD000000;
	v2 =	vand.u32 $0xFF, v24  }
0x104: {  	v3 =	vand.u32 $0xFF, v25;
	v1 =	vmax.u32 v23, $0x1;
	vm8 =	vne.s32 v26, $0x0  }
0x105: {  	v30 =	vadd.s32 $0xFFFFFFFF, v26;
	v3 =	vmax.u32 v3, $0x1;
	v27 =	vadd.s32 $0xFFFFFFFF, v2  }
0x106: {  	vm1 =	vmand vm9, vm8;
	v28 =	vshll.u32 v1, $0x5;
	v29 =	vshll.u32 v2, $0x4  }
0x107: {  	vm7 =	vlt.u32 v27, $0xC;
	v0 =	vadd.s32 v28, v3;
	v1 =	vadd.s32 $0xFFFFFFF0, v29  }
0x108: {  	v2 =	vnsel vm1, $0x0, v30;
	v0 =	vadd.s32 $0xFFFFFFDF, v0;
	v1 =	vnsel vm7, $0x0, v1  }
0x109: {  	[tilespmem:$0x2E50] =	vst v0;
	v31 =	vadd.s32 v2, v1  }
0x10a: {  	[tilespmem:$0x2F50] =	vst v31  }
0x10b: {  	v0 =	vld [tilespmem:s5+$0x2960];
	_ =	sdelay $0x4  }
0x10c: {  	v32 =	vand.u32 $0xFF, v0;
	v33 =	vshrl.u32 v0, $0x8;
	v34 =	vshrl.u32 v0, $0x10  }
0x10d: {  	v35 =	vshrl.u32 v0, $0x18;
	vm12 =	vlt.u32 v0, $0xD000000;
	v2 =	vand.u32 $0xFF, v33  }
0x10e: {  	v3 =	vand.u32 $0xFF, v34;
	v1 =	vmax.u32 v32, $0x1;
	vm11 =	vne.s32 v35, $0x0  }
0x10f: {  	v39 =	vadd.s32 $0xFFFFFFFF, v35;
	v3 =	vmax.u32 v3, $0x1;
	v36 =	vadd.s32 $0xFFFFFFFF, v2  }
0x110: {  	vm1 =	vmand vm12, vm11;
	v37 =	vshll.u32 v1, $0x5;
	v38 =	vshll.u32 v2, $0x4  }
0x111: {  	vm10 =	vlt.u32 v36, $0xC;
	v0 =	vadd.s32 v37, v3;
	v1 =	vadd.s32 $0xFFFFFFF0, v38  }
0x112: {  	v2 =	vnsel vm1, $0x0, v39;
	v0 =	vadd.s32 $0xFFFFFFDF, v0;
	v1 =	vnsel vm10, $0x0, v1  }
0x113: {  	[tilespmem:$0x2E60] =	vst v0;
	v40 =	vadd.s32 v2, v1  }
0x114: {  	[tilespmem:$0x2F60] =	vst v40  }
0x115: {  	v0 =	vld [tilespmem:s5+$0x2970];
	_ =	sdelay $0x4  }
0x116: {  	v41 =	vand.u32 $0xFF, v0;
	v42 =	vshrl.u32 v0, $0x8;
	v43 =	vshrl.u32 v0, $0x10  }
0x117: {  	v44 =	vshrl.u32 v0, $0x18;
	vm15 =	vlt.u32 v0, $0xD000000;
	v2 =	vand.u32 $0xFF, v42  }
0x118: {  	v3 =	vand.u32 $0xFF, v43;
	v1 =	vmax.u32 v41, $0x1;
	vm14 =	vne.s32 v44, $0x0  }
0x119: {  	v48 =	vadd.s32 $0xFFFFFFFF, v44;
	v3 =	vmax.u32 v3, $0x1;
	v45 =	vadd.s32 $0xFFFFFFFF, v2  }
0x11a: {  	vm1 =	vmand vm15, vm14;
	v46 =	vshll.u32 v1, $0x5;
	v47 =	vshll.u32 v2, $0x4  }
0x11b: {  	vm13 =	vlt.u32 v45, $0xC;
	v0 =	vadd.s32 v46, v3;
	v1 =	vadd.s32 $0xFFFFFFF0, v47  }
0x11c: {  	v2 =	vnsel vm1, $0x0, v48;
	v0 =	vadd.s32 $0xFFFFFFDF, v0;
	v1 =	vnsel vm13, $0x0, v1  }
0x11d: {  	[tilespmem:$0x2E70] =	vst v0;
	v49 =	vadd.s32 v2, v1  }
0x11e: {  	[tilespmem:$0x2F70] =	vst v49  }
0x11f: {  	v0 =	vld [tilespmem:s5+$0x2980];
	_ =	sdelay $0x4  }
0x120: {  	v50 =	vand.u32 $0xFF, v0;
	v51 =	vshrl.u32 v0, $0x8;
	v52 =	vshrl.u32 v0, $0x10  }
0x121: {  	v53 =	vshrl.u32 v0, $0x18;
	vm6 =	vlt.u32 v0, $0xD000000;
	v2 =	vand.u32 $0xFF, v51  }
0x122: {  	v3 =	vand.u32 $0xFF, v52;
	v1 =	vmax.u32 v50, $0x1;
	vm5 =	vne.s32 v53, $0x0  }
0x123: {  	v57 =	vadd.s32 $0xFFFFFFFF, v53;
	v3 =	vmax.u32 v3, $0x1;
	v54 =	vadd.s32 $0xFFFFFFFF, v2  }
0x124: {  	vm1 =	vmand vm6, vm5;
	v55 =	vshll.u32 v1, $0x5;
	v56 =	vshll.u32 v2, $0x4  }
0x125: {  	vm4 =	vlt.u32 v54, $0xC;
	v0 =	vadd.s32 v55, v3;
	v1 =	vadd.s32 $0xFFFFFFF0, v56  }
0x126: {  	v2 =	vnsel vm1, $0x0, v57;
	v0 =	vadd.s32 $0xFFFFFFDF, v0;
	v1 =	vnsel vm4, $0x0, v1  }
0x127: {  	[tilespmem:$0x2E80] =	vst v0;
	v58 =	vadd.s32 v2, v1  }
0x128: {  	[tilespmem:$0x2F80] =	vst v58  }
0x129: {  	v0 =	vld [tilespmem:s5+$0x2990];
	_ =	sdelay $0x4  }
0x12a: {  	v59 =	vand.u32 $0xFF, v0;
	v60 =	vshrl.u32 v0, $0x8;
	v61 =	vshrl.u32 v0, $0x10  }
0x12b: {  	v62 =	vshrl.u32 v0, $0x18;
	vm9 =	vlt.u32 v0, $0xD000000;
	v2 =	vand.u32 $0xFF, v60  }
0x12c: {  	v3 =	vand.u32 $0xFF, v61;
	v1 =	vmax.u32 v59, $0x1;
	vm8 =	vne.s32 v62, $0x0  }
0x12d: {  	v8 =	vadd.s32 $0xFFFFFFFF, v62;
	v3 =	vmax.u32 v3, $0x1;
	v63 =	vadd.s32 $0xFFFFFFFF, v2  }
0x12e: {  	vm1 =	vmand vm9, vm8;
	v6 =	vshll.u32 v1, $0x5;
	v7 =	vshll.u32 v2, $0x4  }
0x12f: {  	vm7 =	vlt.u32 v63, $0xC;
	v0 =	vadd.s32 v6, v3;
	v1 =	vadd.s32 $0xFFFFFFF0, v7  }
0x130: {  	v2 =	vnsel vm1, $0x0, v8;
	v0 =	vadd.s32 $0xFFFFFFDF, v0;
	v1 =	vnsel vm7, $0x0, v1  }
0x131: {  	[tilespmem:$0x2E90] =	vst v0;
	v9 =	vadd.s32 v2, v1  }
0x132: {  	[tilespmem:$0x2F90] =	vst v9  }
0x133: {  	v0 =	vld [tilespmem:s5+$0x29A0];
	_ =	sdelay $0x4  }
0x134: {  	v10 =	vand.u32 $0xFF, v0;
	v11 =	vshrl.u32 v0, $0x8;
	v12 =	vshrl.u32 v0, $0x10  }
0x135: {  	v13 =	vshrl.u32 v0, $0x18;
	vm12 =	vlt.u32 v0, $0xD000000;
	v2 =	vand.u32 $0xFF, v11  }
0x136: {  	v3 =	vand.u32 $0xFF, v12;
	v1 =	vmax.u32 v10, $0x1;
	vm11 =	vne.s32 v13, $0x0  }
0x137: {  	v17 =	vadd.s32 $0xFFFFFFFF, v13;
	v3 =	vmax.u32 v3, $0x1;
	v14 =	vadd.s32 $0xFFFFFFFF, v2  }
0x138: {  	vm1 =	vmand vm12, vm11;
	v15 =	vshll.u32 v1, $0x5;
	v16 =	vshll.u32 v2, $0x4  }
0x139: {  	vm10 =	vlt.u32 v14, $0xC;
	v0 =	vadd.s32 v15, v3;
	v1 =	vadd.s32 $0xFFFFFFF0, v16  }
0x13a: {  	v2 =	vnsel vm1, $0x0, v17;
	v0 =	vadd.s32 $0xFFFFFFDF, v0;
	v1 =	vnsel vm10, $0x0, v1  }
0x13b: {  	[tilespmem:$0x2EA0] =	vst v0;
	v18 =	vadd.s32 v2, v1  }
0x13c: {  	[tilespmem:$0x2FA0] =	vst v18  }
0x13d: {  	v0 =	vld [tilespmem:s5+$0x29B0];
	_ =	sdelay $0x4  }
0x13e: {  	v19 =	vand.u32 $0xFF, v0;
	v20 =	vshrl.u32 v0, $0x8;
	v21 =	vshrl.u32 v0, $0x10  }
0x13f: {  	v22 =	vshrl.u32 v0, $0x18;
	vm15 =	vlt.u32 v0, $0xD000000;
	v2 =	vand.u32 $0xFF, v20  }
0x140: {  	v3 =	vand.u32 $0xFF, v21;
	v1 =	vmax.u32 v19, $0x1;
	vm14 =	vne.s32 v22, $0x0  }
0x141: {  	v26 =	vadd.s32 $0xFFFFFFFF, v22;
	v3 =	vmax.u32 v3, $0x1;
	v23 =	vadd.s32 $0xFFFFFFFF, v2  }
0x142: {  	vm1 =	vmand vm15, vm14;
	v24 =	vshll.u32 v1, $0x5;
	v25 =	vshll.u32 v2, $0x4  }
0x143: {  	vm13 =	vlt.u32 v23, $0xC;
	v0 =	vadd.s32 v24, v3;
	v1 =	vadd.s32 $0xFFFFFFF0, v25  }
0x144: {  	v2 =	vnsel vm1, $0x0, v26;
	v0 =	vadd.s32 $0xFFFFFFDF, v0;
	v1 =	vnsel vm13, $0x0, v1  }
0x145: {  	[tilespmem:$0x2EB0] =	vst v0;
	v27 =	vadd.s32 v2, v1  }
0x146: {  	[tilespmem:$0x2FB0] =	vst v27  }
0x147: {  	v0 =	vld [tilespmem:s5+$0x29C0];
	_ =	sdelay $0x4  }
0x148: {  	v28 =	vand.u32 $0xFF, v0;
	v29 =	vshrl.u32 v0, $0x8;
	v30 =	vshrl.u32 v0, $0x10  }
0x149: {  	v31 =	vshrl.u32 v0, $0x18;
	vm6 =	vlt.u32 v0, $0xD000000;
	v2 =	vand.u32 $0xFF, v29  }
0x14a: {  	v3 =	vand.u32 $0xFF, v30;
	v1 =	vmax.u32 v28, $0x1;
	vm5 =	vne.s32 v31, $0x0  }
0x14b: {  	v35 =	vadd.s32 $0xFFFFFFFF, v31;
	v3 =	vmax.u32 v3, $0x1;
	v32 =	vadd.s32 $0xFFFFFFFF, v2  }
0x14c: {  	vm1 =	vmand vm6, vm5;
	v33 =	vshll.u32 v1, $0x5;
	v34 =	vshll.u32 v2, $0x4  }
0x14d: {  	vm4 =	vlt.u32 v32, $0xC;
	v0 =	vadd.s32 v33, v3;
	v1 =	vadd.s32 $0xFFFFFFF0, v34  }
0x14e: {  	v2 =	vnsel vm1, $0x0, v35;
	v0 =	vadd.s32 $0xFFFFFFDF, v0;
	v1 =	vnsel vm4, $0x0, v1  }
0x14f: {  	[tilespmem:$0x2EC0] =	vst v0;
	v36 =	vadd.s32 v2, v1  }
0x150: {  	[tilespmem:$0x2FC0] =	vst v36  }
0x151: {  	v0 =	vld [tilespmem:s5+$0x29D0];
	_ =	sdelay $0x4  }
0x152: {  	v37 =	vand.u32 $0xFF, v0;
	v38 =	vshrl.u32 v0, $0x8;
	v39 =	vshrl.u32 v0, $0x10  }
0x153: {  	v40 =	vshrl.u32 v0, $0x18;
	vm9 =	vlt.u32 v0, $0xD000000;
	v2 =	vand.u32 $0xFF, v38  }
0x154: {  	v3 =	vand.u32 $0xFF, v39;
	v1 =	vmax.u32 v37, $0x1;
	vm8 =	vne.s32 v40, $0x0  }
0x155: {  	v44 =	vadd.s32 $0xFFFFFFFF, v40;
	v3 =	vmax.u32 v3, $0x1;
	v41 =	vadd.s32 $0xFFFFFFFF, v2  }
0x156: {  	vm1 =	vmand vm9, vm8;
	v42 =	vshll.u32 v1, $0x5;
	v43 =	vshll.u32 v2, $0x4  }
0x157: {  	vm7 =	vlt.u32 v41, $0xC;
	v0 =	vadd.s32 v42, v3;
	v1 =	vadd.s32 $0xFFFFFFF0, v43  }
0x158: {  	v2 =	vnsel vm1, $0x0, v44;
	v0 =	vadd.s32 $0xFFFFFFDF, v0;
	v1 =	vnsel vm7, $0x0, v1  }
0x159: {  	[tilespmem:$0x2ED0] =	vst v0;
	v45 =	vadd.s32 v2, v1  }
0x15a: {  	[tilespmem:$0x2FD0] =	vst v45  }
0x15b: {  	v0 =	vld [tilespmem:s5+$0x29E0];
	_ =	sdelay $0x4  }
0x15c: {  	v46 =	vand.u32 $0xFF, v0;
	v47 =	vshrl.u32 v0, $0x8;
	v48 =	vshrl.u32 v0, $0x10  }
0x15d: {  	v49 =	vshrl.u32 v0, $0x18;
	vm12 =	vlt.u32 v0, $0xD000000;
	v2 =	vand.u32 $0xFF, v47  }
0x15e: {  	v3 =	vand.u32 $0xFF, v48;
	v1 =	vmax.u32 v46, $0x1;
	vm11 =	vne.s32 v49, $0x0  }
0x15f: {  	v53 =	vadd.s32 $0xFFFFFFFF, v49;
	v3 =	vmax.u32 v3, $0x1;
	v50 =	vadd.s32 $0xFFFFFFFF, v2  }
0x160: {  	vm1 =	vmand vm12, vm11;
	v51 =	vshll.u32 v1, $0x5;
	v52 =	vshll.u32 v2, $0x4  }
0x161: {  	vm10 =	vlt.u32 v50, $0xC;
	v0 =	vadd.s32 v51, v3;
	v1 =	vadd.s32 $0xFFFFFFF0, v52  }
0x162: {  	v2 =	vnsel vm1, $0x0, v53;
	v0 =	vadd.s32 $0xFFFFFFDF, v0;
	v1 =	vnsel vm10, $0x0, v1  }
0x163: {  	[tilespmem:$0x2EE0] =	vst v0;
	v54 =	vadd.s32 v2, v1  }
0x164: {  	[tilespmem:$0x2FE0] =	vst v54  }
0x165: {  	v0 =	vld [tilespmem:s5+$0x29F0];
	_ =	sdelay $0x4  }
0x166: {  	v55 =	vand.u32 $0xFF, v0;
	v56 =	vshrl.u32 v0, $0x8;
	v57 =	vshrl.u32 v0, $0x10  }
0x167: {  	v58 =	vshrl.u32 v0, $0x18;
	vm15 =	vlt.u32 v0, $0xD000000;
	v2 =	vand.u32 $0xFF, v56  }
0x168: {  	v3 =	vand.u32 $0xFF, v57;
	v1 =	vmax.u32 v55, $0x1;
	vm14 =	vne.s32 v58, $0x0  }
0x169: {  	v62 =	vadd.s32 $0xFFFFFFFF, v58;
	v3 =	vmax.u32 v3, $0x1;
	v59 =	vadd.s32 $0xFFFFFFFF, v2  }
0x16a: {  	vm1 =	vmand vm15, vm14;
	v60 =	vshll.u32 v1, $0x5;
	v61 =	vshll.u32 v2, $0x4  }
0x16b: {  	vm13 =	vlt.u32 v59, $0xC;
	v0 =	vadd.s32 v60, v3;
	v1 =	vadd.s32 $0xFFFFFFF0, v61  }
0x16c: {  	v2 =	vnsel vm1, $0x0, v62;
	v0 =	vadd.s32 $0xFFFFFFDF, v0;
	v1 =	vnsel vm13, $0x0, v1  }
0x16d: {  	[tilespmem:$0x2EF0] =	vst v0;
	v63 =	vadd.s32 v2, v1  }
0x16e: {  	[tilespmem:$0x2FF0] =	vst v63  }
0x16f: {  	[tilespmem:s17], [sflag:$0x1] =	stream.indirect.gather [spmem:s1], $0x80, s16, s15, $0xb8;
	[tilespmem:$0x13000] =	vst v63  }
0x170: {  	_ = 	snop  }
0x171: {  	[tilespmem:s19], [sflag:$0x1] =	stream.indirect.gather [spmem:s1], $0x80, s18, s15, $0xb8;
	[tilespmem:$0x13000] =	vst v63  }
0x172: {  	_ =	swait.ge [sflag:s20], $0x4000  }
0x173: {  	[sflag:s20] =	ssyncset.done $0x0  }
0x174: {  	[sflag:s20] =	ssyncadd.s32 $0xFFFFC000  }
0x175: {  	_ =	swait.ge [sflag:s20], $0x4000  }
0x176: {  	[sflag:s20] =	ssyncset.done $0x0  }
0x177: {  	[sflag:s20] =	ssyncadd.s32 $0xFFFFC000  }
0x178: {  	[tilespmem:s17], [sflag:$0x1] =	stream.indirect.gather.add.f32 [spmem:s2], $0x80, s21, s15, $0xb8;
	[tilespmem:$0x13000] =	vst v63  }
0x179: {  	_ = 	snop  }
0x17a: {  	[tilespmem:s19], [sflag:$0x1] =	stream.indirect.gather.add.f32 [spmem:s2], $0x80, s22, s15, $0xb8;
	[tilespmem:$0x13000] =	vst v63  }
0x17b: {  	_ = 	snop  }
0x17c: {  	[tilespmem:s24], [sflag:$0x1] =	stream.indirect.gather [spmem:s1], $0x80, s23, s15, $0xb8;
	[tilespmem:$0x13000] =	vst v63  }
0x17d: {  	_ = 	snop  }
0x17e: {  	[tilespmem:s26], [sflag:$0x1] =	stream.indirect.gather [spmem:s1], $0x80, s25, s15, $0xb8;
	[tilespmem:$0x13000] =	vst v63  }
0x17f: {  	_ =	swait.ge [sflag:s20], $0x4000  }
0x180: {  	[sflag:s20] =	ssyncset.done $0x0  }
0x181: {  	[sflag:s20] =	ssyncadd.s32 $0xFFFFC000  }
0x182: {  	_ =	swait.ge [sflag:s20], $0x4000  }
0x183: {  	[sflag:s20] =	ssyncset.done $0x0  }
0x184: {  	s8 =	sadd.s32 $0xFFFFF000, s9;
	[sflag:s20] =	ssyncadd.s32 $0xFFFFC000  }
0x185: {  	[hbm4b:s8+s3] =	stream.linear.scatter [tilespmem:s17], [sflag:$0x2], $0x8000, $0x38;
	[tilespmem:$0x13000] =	vst v63  }
0x186: {  	_ =	swait.ge [sflag:s20], $0x4000  }
0x187: {  	[sflag:s20] =	ssyncset.done $0x0  }
0x188: {  	[sflag:s20] =	ssyncadd.s32 $0xFFFFC000  }
0x189: {  	_ =	swait.ge [sflag:s20], $0x4000  }
0x18a: {  	[sflag:s20] =	ssyncset.done $0x0  }
0x18b: {  	[sflag:s20] =	ssyncadd.s32 $0xFFFFC000  }
0x18c: {  	[tilespmem:s24], [sflag:$0x1] =	stream.indirect.gather.add.f32 [spmem:s2], $0x80, s28, s15, $0xb8;
	[tilespmem:$0x13000] =	vst v63  }
0x18d: {  	_ = 	snop  }
0x18e: {  	[tilespmem:s26], [sflag:$0x1] =	stream.indirect.gather.add.f32 [spmem:s2], $0x80, s29, s15, $0xb8;
	[tilespmem:$0x13000] =	vst v63  }
0x18f: {  	_ =	swait.ge [sflag:s20], $0x4000  }
0x190: {  	s13 =	sadd.s32 $0x200, s13;
	[sflag:s20] =	ssyncset.done $0x0  }
0x191: {  	p1 =	sne.s32 s13, $0x3200;
	[sflag:s20] =	ssyncadd.s32 $0xFFFFC000  }
.Ltmp0:
0x192: {  	_ =	swait.ge [sflag:s20], $0x4000;
	(pc) =	sbr.rel @p1 .LBB2_2-.Ltmp0, $4  }
0x193: {  	[sflag:s20] =	ssyncset.done $0x0  }
0x194: {  	[sflag:s20] =	ssyncadd.s32 $0xFFFFC000  }
0x195: {  	[hbm4b:s9+s3] =	stream.linear.scatter [tilespmem:s24], [sflag:$0x2], $0x8000, $0x38;
	[tilespmem:$0x13000] =	vst v63  }
0x196: {  	s9 =	sadd.s32 $0x2000, s9  }
0x197: {  	_ =	swait.ge [sflag:s30], $0x8000  }
0x198: {  	[sflag:s30] =	ssyncset.done $0x0  }
0x199: {  	[sflag:s30] =	ssyncadd.s32 $0xFFFF8000  }
0x19a: {  	_ =	swait.ge [sflag:s30], $0x8000  }
0x19b: {  	s31 =	sadd.s32 $0x1, s31;
	s5 =	rddreg [dreg:$0x8]  }
0x19c: {  	p1 =	sne.s32 s31, s5  }
.Ltmp1:
0x19d: {  	_ = 	snop;
	(pc) =	sbr.rel @p1 .LBB2_1-.Ltmp1, $3  }
0x19e: {  	_ =	sdelay $0x1  }
0x19f: {  	[sflag:s30] =	ssyncset.done $0x0  }
0x1a0: {  	[sflag:s30] =	ssyncadd.s32 $0xFFFF8000  }
0x1a1: {  	_ =	sfence.sel $0x180000  }
0x1a2: {  	[bflag:$0x0] =	sbarrier.arrive $0xFFFF  }
0x1a3: {  	_ =	strace $0x90000047  }
0x1a4: {  	[bflag:$0x2] =	sbarrier.arrive $0xFFFF  }
0x1a5: {  	s0 =	rddreg [dreg:$0x4]  }
0x1a6: {  	s0 =	sadd.s32 @!p0 $0x100000, s0  }
0x1a7: {  	[sflag:s0] =	ssyncadd.tile.s32 @!p0 $0x1;
	_ =	shalt  }
.Lfunc_end2:
_tile_overlayer_lowered:
.L_overlay_start_2:
0x1a8: {  	(tag) =	ssettag $0x2  }
0x1a9: {  	s0 =	rddreg [dreg:$0x0];
	s2 =	stileid.u32  }
0x1aa: {  	s1 =	rddreg [dreg:$0x1];
	p0 =	sne.s32 s2, $0x0  }
0x1ab: {  	s3 =	rddreg [dreg:$0x2];
	[bflag:$0x3] =	sbarrier.arrive $0xFFFF;
	s2 =	simm.s32 @!p0 $0x1C04  }
0x1ac: {  	[timem:s3], [sflag:s2] =	dma.local @!p0 [hbm:s0], s1  }
0x1ad: {  	s0 =	simm.s32 @!p0 $0x4  }
0x1ae: {  	_ =	swait.ge @!p0 [sflag:s0], s1  }
0x1af: {  	s1 =	ssub.s32 @!p0 $0x0, s1;
	[sflag:s0] =	ssyncset.done @!p0 $0x0  }
0x1b0: {  	[sflag:s0] =	ssyncadd.s32 @!p0 s1  }
0x1b1: {  	[bflag:$0x3] =	sbarrier.arrive $0xFFFF  }
0x1b2: {  	_ =	shalt  }

// kernel: sparse-core-data-format-call.cloned.1.call-start
scs
called_computation_lowered:
.L_overlay_start_0:
0x0: {  	s2 =	sld [smem:$0x3FD9]  }
0x1: {  	s3 =	sld [smem:$0x3FFE];
	_ =	sdelay $0x1  }
0x2: {  	s1 =	srdreg.scid  }
0x3: {  	s0 =	sand.u32 $0x1, s1  }
0x4: {  	s18 =	sshll.u32 s0, $0xA;
	s2 =	sadd.s32 s3, s2  }
0x5: {  	s2 =	sadd.s32 s2, s18  }
0x6: {  	[smem:$0x3FBF] =	sst s2  }
0x7: {  	_ = 	snop  }
0x8: {  	s2 =	sld [smem:$0x3FD0];
	(tm) =	ssettm $0x1  }
0x9: {  	s19 =	sld [smem:$0x3FFB];
	_ =	sdelay $0x3  }
0xa: {  	_ =	strace s19  }
0xb: {  	s3 =	sld [smem:$0x3FFC];
	_ =	sdelay $0x3  }
0xc: {  	_ =	strace s3  }
0xd: {  	s3 =	sld [smem:$0x3FFD];
	_ =	sdelay $0x3  }
0xe: {  	_ =	strace s3  }
0xf: {  	_ =	strace $0x8FFFFFFF  }
0x10: {  	s20 =	sld [smem:$0x3FDB];
	_ =	sdelay $0x1  }
0x11: {  	s4 =	simm.s32 $_scs_section_size  }
0x12: {  	s5 =	simm.s32 $_size__tile_overlayer_lowered;
	s6 =	simm.s32 $_tile_overlayer_lowered  }
0x13: {  	s23 =	simm.s32 $0x1BFF;
	s22 =	sshll.u32 s6, $0x1;
	s3 =	sadd.s32 s4, s20  }
0x14: {  	s7 =	simm.s32 $0x0;
	s21 =	sshll.u32 s5, $0x1;
	s5 =	sadd.s32 s22, s3  }
0x15: {  	[timem:s7], [sflag:s23] =	dma.local [hbm:s5], s21  }
0x16: {  	_ =	swait.ge [sflag:s23], s21  }
0x17: {  	s4 =	ssub.s32 $0x0, s21;
	[sflag:s23] =	ssyncset.done $0x0  }
0x18: {  	[sflag:s23] =	ssyncadd.s32 s4;
	_ =	sdelay $0x1  }
0x19: {  	s24 =	simm.s32 $0x1B8B  }
0x1a: {  	_ =	swait.ge [sflag:s24], $0x1  }
0x1b: {  	[sflag:s24] =	ssyncset.done $0x0  }
0x1c: {  	s26 =	simm.s32 $0x1B8E;
	s25 =	sld [smem:$0x3FFE];
	[sflag:s24] =	ssyncadd.s32 $0xFFFFFFFF  }
0x1d: {  	s27 =	simm.s32 $execute0_lowered;
	[smem:$0x3FD2] =	sst s26  }
0x1e: {  	s5 =	sshll.u32 s27, $0x1;
	_ =	strace $0x80000049;
	[dreg:$0x1] =	wrdreg $0xFFFFFFFF  }
0x1f: {  	s28 =	simm.s32 $_size_execute0_lowered;
	s3 =	sadd.s32 s3, s5;
	[dreg:$0x0] =	wrdreg $0x0  }
0x20: {  	s5 =	sshll.u32 s28, $0x1;
	[dreg:$0x2] =	wrdreg s3  }
0x21: {  	[dreg:$0x3] =	wrdreg s5  }
0x22: {  	[dreg:$0x4] =	wrdreg $0xC0  }
0x23: {  	_ =	task [dreg:s7], $0x5FFFF  }
0x24: {  	[dreg:$0x1] =	wrdreg $0xFFFFFFFF  }
0x25: {  	[dreg:$0x0] =	wrdreg $0x60  }
0x26: {  	[dreg:$0x2] =	wrdreg s25  }
0x27: {  	[dreg:$0x3] =	wrdreg s2  }
0x28: {  	[dreg:$0x4] =	wrdreg $0x9  }
0x29: {  	_ =	task.clear_ibuf [dreg:s7], $0x5FFFF;
	_ =	strace $0x90000049  }
0x2a: {  	s29 =	simm.s32 $0x9;
	_ =	strace $0x8000004B  }
0x2b: {  	_ =	swait.ge [sflag:s29], $0x1  }
0x2c: {  	[sflag:s29] =	ssyncadd.s32 $0xFFFFFFFF  }
0x2d: {  	_ =	strace $0x9000004B  }
0x2e: {  	_ =	sfence  }
0x2f: {  	s30 =	sld [smem:$0x0];
	_ =	sdelay $0x2  }
0x30: {  	s31 =	sshll.u32 s1, $0xD;
	s1 =	sshrl.u32 s1, $0x2  }
0x31: {  	s3 =	sand.u32 $0x4000, s31;
	s1 =	sadd.s32 s1, s30  }
0x32: {  	s0 =	sor.u32 s3, s0;
	s1 =	sshll.u32 s1, $0x11  }
0x33: {  	s0 =	sor.u32 s1, s0  }
0x34: {  	s0 =	sadd.s32 $0x8F2B, s0  }
0x35: {  	[sflag:s0] =	ssyncadd.remote.s32 $0x1  }
0x36: {  	_ =	sfence.sel $0xFFFF  }
0x37: {  	[dreg:$0x0] =	wrdreg $0xFFFFFFFF;
	(pc) =	sbr.abs _section_cstart, $3  }
0x38: {  	[dreg:$0x1] =	wrdreg $0xFFFFFFFF  }
0x39: {  	_ =	task.clear_ibuf [dreg:s7], $0x2FFFF;
	_ =	strace $0x9FFFFFFF  }
0x3a: {  	(tm) =	ssettm $0x7FFFFFFF  }
0x3b: {  	_ =	shalt  }
tec
execute0_lowered:
.L_overlay_start_1:
0x0: {  	(tag) =	ssettag $0x1  }
0x1: {  	s0 =	srdreg.scid  }
0x2: {  	s1 =	sshll.u32 s0, $0x4  }
0x3: {  	s0 =	stileid.u32;
	s1 =	sand.u32 $0x10, s1  }
0x4: {  	s1 =	sor.u32 s0, s1  }
0x5: {  	s6 =	rddreg [dreg:$0x0];
	s4 =	simm.s32 $0x1;
	s2 =	sshll.u32 s1, $0x7  }
0x6: {  	s7 =	simm.s32 $0x2;
	s12 =	simm.s32 $0x0;
	s1 =	ssub.s32 $0x1000, s2  }
0x7: {  	s8 =	simm.s32 $0x8000;
	s13 =	simm.s32 $0x0;
	s3 =	sand.u32 $0xF80, s1  }
0x8: {  	s9 =	simm.s32 $0x0;
	s5 =	sshrl.u32 s1, $0xC;
	p0 =	sne.s32 s3, $0x0  }
.Ltmp0:
0x9: {  	s1 =	rddreg [dreg:$0x2];
	s4 =	simm.s32 @!p0 $0x0;
	(pc) =	sbr.rel .LBB1_1-.Ltmp0, $4  }
0xa: {  	s11 =	simm.s32 $0x0;
	s3 =	rddreg [dreg:$0x1];
	s5 =	sadd.s32 s4, s5  }
0xb: {  	_ =	strace $0x8000004A;
	s4 =	simm.s32 $0x1;
	s5 =	smul.u32 $0xC8, s5  }
0xc: {  	s6 =	sadd.s32 $0x1A00, s6;
	s10 =	smov.u32 s2;
	[sflag:s4] =	ssyncpa.u1 $0x0  }
0xd: {  	p0 =	por $0x0, $0x0;
	[sflag:s7] =	ssyncpa.u1 $0x0;
	s7 =	sor.u32 $0x1, s5  }
.LBB1_4:
0xe: {  	s16 =	sshll.u32 s13, $0x3;
	s17 =	sand.u32 $0x78, s13  }
0xf: {  	s30 =	sand.u32 $0x7E00, s13;
	s12 =	sshll.u32 s12, $0xF;
	s16 =	sand.u32 $0xC00, s16  }
0x10: {  	[tilespmem:s15+$0x810 ss:$0x81] =	vst.msk $0xffff, v2;
	s31 =	sand.u32 $0x7, s13;
	s16 =	sor.u32 s17, s16;
	s17 =	sadd.s32 s3, s30  }
0x11: {  	[tilespmem:s15+$0x1020 ss:$0x81] =	vst.msk $0xffff, v0;
	s13 =	sshll.u32 s31, $0x12;
	s12 =	sadd.s32 s12, s17;
	s16 =	sshrl.u32 s16, $0x3  }
0x12: {  	[tilespmem:s15+$0x0 ss:$0x81] =	vst.msk $0xffff, v1;
	s13 =	sor.u32 $0x400, s13;
	s12 =	sadd.s32 s16, s12  }
0x13: {  	[hbm4b:s12+s13] =	stream.strided.scatter [tilespmem:s14], [sflag:$0x2], $0x2000, s8, s13, $0x20;
	[tilespmem:$0x8080] =	vst v63  }
.LBB1_5:
0x14: {  	s14 =	sadd.s32 $0x1, s9  }
0x15: {  	s12 =	sadd.s32 $0x1000, s10;
	s16 =	smov.u32 s10;
	p2 =	sgt.s32 s14, $0xC7  }
0x16: {  	s16 =	smov.u32 @p2 s12  }
0x17: {  	s14 =	simm.s32 @p2 $0x0;
	p2 =	sgt.s32 s16, $0xFFF  }
0x18: {  	s16 =	smov.u32 @p2 s2;
	p2 =	sne.s32 s11, s7  }
.Ltmp1:
0x19: {  	p1 =	slt.u32 s11, $0x2;
	(pc) =	sbr.rel @!p2 .LBB1_6-.Ltmp1, $4  }
0x1a: {  	s15 =	simm.s32 @!p1 $0x2  }
0x1b: {  	s13 =	smov.u32 s10;
	p0 =	por !p0, !p0;
	_ =	swait.ge @!p1 [sflag:s15], $0x2000  }
0x1c: {  	s12 =	smov.u32 s9;
	[sflag:s15] =	ssyncset.done @!p1 $0x0;
	s9 =	smov.u32 s14  }
0x1d: {  	s11 =	sadd.s32 $0x1, s11;
	[sflag:s15] =	ssyncadd.s32 @!p1 $0xFFFFE000;
	s10 =	smov.u32 s16  }
.LBB1_1:
0x1e: {  	p1 =	sge.u32 s11, s5  }
0x1f: {  	s14 =	sand.u32 @!p1 $0x1FFFFFF, s9  }
0x20: {  	s15 =	smulhi.u32 @!p1 $0x147AE15, s14;
	_ =	sdelay $0x1  }
0x21: {  	s15 =	smul.u32 @!p1 $0xC8, s15  }
0x22: {  	s16 =	sxor.u32 @!p1 $0xFFFFFFFF, s11;
	s17 =	smul.u32 @!p1 $0xC80, s10  }
0x23: {  	s31 =	sadd.s32 $0xFFFFFFFF, s11;
	s16 =	sshll.u32 @!p1 s16, $0xD;
	s14 =	ssub.s32 @!p1 s14, s15  }
0x24: {  	s15 =	sand.u32 @!p1 $0x2000, s16;
	s16 =	sadd.s32 @!p1 s6, s17;
	s14 =	sshll.u32 @!p1 s14, $0x4  }
0x25: {  	s17 =	simm.s32 @!p1 $0x6400;
	s14 =	sadd.s32 @!p1 s14, s16;
	s16 =	simm.s32 @!p1 $0x40  }
0x26: {  	[tilespmem:s15], [sflag:$0x1] =	stream.strided.gather @!p1 [hbm4b:s14+s16], $0x2000, s17, s16, $0x38;
	[tilespmem:$0x8080] =	vst v63  }
0x27: {  	p1 =	sge.u32 s31, s5  }
.Ltmp2:
0x28: {  	_ = 	snop;
	(pc) =	sbr.rel @p1 .LBB1_5-.Ltmp2, $1  }
0x29: {  	_ =	sdelay $0x3  }
0x2a: {  	s14 =	simm.s32 $0x1  }
0x2b: {  	_ =	swait.ge [sflag:s4], $0x2000;
	s14 =	simm.s32 @!p0 $0x0  }
0x2c: {  	[sflag:s4] =	ssyncset.done $0x0;
	s15 =	sshll.u32 s14, $0xD  }
0x2d: {  	[sflag:s4] =	ssyncadd.s32 $0xFFFFE000;
	s18 =	sor.u32 $0x20, s15  }
0x2e: {  	s14 =	smul.u32 $0x8100, s14;
	v3 =	vld [tilespmem:s18+$0x10]  }
0x2f: {  	s30 =	sand.u32 $0x1, s11;
	v2 =	vld [tilespmem:s18+$0xFFFFFFF0]  }
0x30: {  	s15 =	smul.u32 $0x8100, s30;
	s14 =	sshrl.u32 s14, $0x2;
	v0 =	vld [tilespmem:s18+$0x0]  }
0x31: {  	v1 =	vld [tilespmem:s18+$0xFFFFFFE0];
	s16 =	sor.u32 $0x4000, s14  }
0x32: {  	s31 =	sshrl.u32 s15, $0x2;
	s15 =	sadd.s32 $0x0, s16  }
0x33: {  	s17 =	simm.s32 $0x4;
	s18 =	sadd.s32 $0x40, s18;
	s14 =	sor.u32 $0x4000, s31;
	[tilespmem:s15+$0x1830 ss:$0x81] =	vst.msk $0xffff, v3  }
.LBB1_3:
0x34: {  	v3 =	vld [tilespmem:s18+$0x10];
	p1 =	sne.s32 s17, $0x1FC;
	[tilespmem:s15+$0x810 ss:$0x81] =	vst.msk $0xffff, v2;
	s19 =	smov.u32 s17;
	s17 =	sadd.s32 $0x4, s17  }
.Ltmp3:
0x35: {  	v2 =	vld [tilespmem:s18+$0xFFFFFFF0];
	[tilespmem:s15+$0x1020 ss:$0x81] =	vst.msk $0xffff, v0;
	(pc) =	sbr.rel @p1 .LBB1_3-.Ltmp3, $4  }
0x36: {  	v0 =	vld [tilespmem:s18+$0x0];
	[tilespmem:s15+$0x0 ss:$0x81] =	vst.msk $0xffff, v1  }
0x37: {  	s15 =	sshra.s32 s19, $0x2;
	v1 =	vld [tilespmem:s18+$0xFFFFFFE0]  }
0x38: {  	s15 =	sadd.s32 s15, s16  }
0x39: {  	s18 =	sadd.s32 $0x40, s18;
	[tilespmem:s15+$0x1830 ss:$0x81] =	vst.msk $0xffff, v3  }
.Ltmp4:
0x3a: {  	_ = 	snop;
	(pc) =	sbr.rel .LBB1_4-.Ltmp4, $1  }
0x3b: {  	_ =	sdelay $0x3  }
.LBB1_6:
0x3c: {  	_ =	sfence.sel $0x180000  }
0x3d: {  	s2 =	simm.s32 $0x1;
	[bflag:$0x0] =	sbarrier.arrive $0xFFFF  }
0x3e: {  	s31 =	simm.s32 $0x2;
	[sflag:s2] =	ssyncpa.u1 $0x1  }
0x3f: {  	[sflag:s31] =	ssyncpa.u1 $0x1  }
0x40: {  	p0 =	sne.s32 s0, $0x0;
	_ =	strace $0x9000004A  }
0x41: {  	s0 =	sadd.s32 @!p0 $0x100000, s1;
	[bflag:$0x2] =	sbarrier.arrive $0xFFFF  }
0x42: {  	[sflag:s0] =	ssyncadd.tile.s32 @!p0 $0x1;
	_ =	shalt  }
.Lfunc_end1:
_tile_overlayer_lowered:
.L_overlay_start_2:
0x43: {  	(tag) =	ssettag $0x2  }
0x44: {  	s0 =	rddreg [dreg:$0x0];
	s2 =	stileid.u32  }
0x45: {  	s1 =	rddreg [dreg:$0x1];
	p0 =	sne.s32 s2, $0x0  }
0x46: {  	s3 =	rddreg [dreg:$0x2];
	[bflag:$0x3] =	sbarrier.arrive $0xFFFF;
	s2 =	simm.s32 @!p0 $0x1C01  }
0x47: {  	[timem:s3], [sflag:s2] =	dma.local @!p0 [hbm:s0], s1  }
0x48: {  	s0 =	simm.s32 @!p0 $0x1  }
0x49: {  	_ =	swait.ge @!p0 [sflag:s0], s1  }
0x4a: {  	s1 =	ssub.s32 @!p0 $0x0, s1;
	[sflag:s0] =	ssyncset.done @!p0 $0x0  }
0x4b: {  	[sflag:s0] =	ssyncadd.s32 @!p0 s1  }
0x4c: {  	[bflag:$0x3] =	sbarrier.arrive $0xFFFF  }
0x4d: {  	_ =	shalt  }

</sc_bundles>
